<compile_context>
chip_gen: v7x
topology: tpu7x:2x2x1
jax: 0.10.2.dev20260603
libtpu: 0.0.44.dev20260713+nightly
codegen_flags: <defaults>
</compile_context>

<pallas_src>
import functools

import jax
import jax.numpy as jnp
from jax import lax
from jax.experimental import pallas as pl
from jax.experimental.pallas import tpu as pltpu
from jax.experimental.pallas import tpu_sc as plsc

_L = 16
_N = 32768
_ROWS = 64
_NW = 32
_ROWS_PER_W = _ROWS // _NW
_NA = 65280
_NB = 32768
_NC = 256
_U = 8


def _lanes():
    return lax.iota(jnp.int32, _L)


def _gather16(x, idx):
    dn = lax.GatherDimensionNumbers(
        offset_dims=(), collapsed_slice_dims=(0,), start_index_map=(0,))
    return lax.gather(
        x, idx.reshape(_L, 1), dn, slice_sizes=(1,),
        mode=lax.GatherScatterMode.PROMISE_IN_BOUNDS)


def _cumsum16(x):
    lanes = _lanes()
    s = x
    for d in (1, 2, 4, 8):
        sh = _gather16(s, jnp.maximum(lanes - d, 0))
        s = s + jnp.where(lanes >= d, sh, 0)
    return s


def _top_lane():
    return jnp.full((_L,), _L - 1, jnp.int32)


def _scan(load16, j, ngroups):
    zero = jnp.zeros((_L,), jnp.int32)

    def body(i, carry):
        above, d_star, j_next, done = carry
        g = ngroups - 1 - i
        h = load16(g)
        cs = _cumsum16(h)
        gsum = _gather16(cs, _top_lane())
        s_vec = above + gsum - cs + h
        m = s_vec >= j
        pc = plsc.all_reduce_population_count(m)
        hit = jnp.logical_and(pc > 0, done == 0)
        lanepos = jnp.maximum(pc - 1, 0)
        cs_at = _gather16(cs, lanepos)
        d_star = jnp.where(hit, g * _L + lanepos, d_star)
        j_next = jnp.where(hit, j - (above + gsum - cs_at), j_next)
        done = jnp.where(pc > 0, 1, done)
        above = jnp.where(done > 0, above, above + gsum)
        return above, d_star, j_next, done

    _, d_star, j_next, _ = lax.fori_loop(0, ngroups, body, (zero, zero, j, zero))
    return d_star, j_next


def _scan_slice(cnt_ref, j, ngroups):
    return _scan(lambda g: cnt_ref[pl.ds(g * _L, _L)], j, ngroups)


def _scan_gather(hist_ref, base, j, ngroups):
    lanes = _lanes()
    return _scan(
        lambda g: plsc.load_gather(hist_ref, [base + g * _L + lanes]),
        j, ngroups)


def _zero_range(ref, nwords):
    z = jnp.zeros((_L,), jnp.int32)

    @plsc.parallel_loop(0, nwords, _L, unroll=_U)
    def _(i):
        ref[pl.ds(i, _L)] = z


def _pass_a(row_ref, ha_ref, hb_ref):
    ones = jnp.ones((_L,), jnp.int32)

    @plsc.parallel_loop(0, _N, _L, unroll=_U)
    def _(i):
        v = row_ref[pl.ds(i, _L)]
        b = plsc.bitcast(v, jnp.int32) & jnp.int32(0x7FFFFFFF)
        plsc.addupdate_scatter(ha_ref, [lax.shift_right_logical(b, 15)], ones)
        plsc.addupdate_scatter(hb_ref, [lax.shift_right_logical(b, 23)], ones)


def _pass_b(row_ref, ha_ref, hb_ref, d_a):
    ones = jnp.ones((_L,), jnp.int32)

    @plsc.parallel_loop(0, _N, _L, unroll=_U)
    def _(i):
        v = row_ref[pl.ds(i, _L)]
        b = plsc.bitcast(v, jnp.int32) & jnp.int32(0x7FFFFFFF)
        m = lax.shift_right_logical(b, 15) == d_a
        dig = b & jnp.int32(0x7FFF)
        plsc.addupdate_scatter(hb_ref, [dig], ones, mask=m)
        plsc.addupdate_scatter(
            ha_ref, [lax.shift_right_logical(dig, 7)], ones, mask=m)


def _apply_pass(row_ref, hb_ref, thr):
    z = jnp.zeros((_L,), jnp.int32)

    @plsc.parallel_loop(0, _N, _L, unroll=_U)
    def _(i):
        v = row_ref[pl.ds(i, _L)]
        b = plsc.bitcast(v, jnp.int32) & jnp.int32(0x7FFFFFFF)
        row_ref[pl.ds(i, _L)] = jnp.where(b >= thr, v, jnp.float32(0.0))
        plsc.store_scatter(hb_ref, [b & jnp.int32(0x7FFF)], z)


_MESH = plsc.VectorSubcoreMesh(core_axis_name="c", subcore_axis_name="s")


@functools.partial(
    pl.kernel,
    mesh=_MESH,
    compiler_params=pltpu.CompilerParams(needs_layout_passes=False),
    out_type=jax.ShapeDtypeStruct((_ROWS, _N), jnp.float32),
    scratch_types=[
        pltpu.VMEM((_N,), jnp.float32),
        pltpu.VMEM((_NA,), jnp.int32),
        pltpu.VMEM((_NB,), jnp.int32),
        pltpu.VMEM((_L,), jnp.int32),
        pltpu.SemaphoreType.DMA,
        pltpu.SemaphoreType.DMA,
    ],
)
def _sc_topk(scores_hbm, kvec_hbm, zeros_hbm, out_hbm,
             row_v, ha_v, hb_v, k_v, sem, zsem):
    wid = lax.axis_index("s") * 2 + lax.axis_index("c")
    row0 = wid * _ROWS_PER_W
    in0 = pltpu.async_copy(scores_hbm.at[row0], row_v, sem)
    pltpu.sync_copy(kvec_hbm, k_v)
    kk = k_v[...]
    _zero_range(ha_v, _NA)
    _zero_range(hb_v, _NB)
    in0.wait()
    zdma = None
    for r in range(_ROWS_PER_W):
        row = row0 + r
        if r > 0:
            pltpu.sync_copy(scores_hbm.at[row], row_v)
        _pass_a(row_v, ha_v, hb_v)
        c_a, j_a = _scan_slice(hb_v, kk, 16)
        dra, j_b = _scan_gather(ha_v, c_a * 256, j_a, 16)
        d_a = c_a * 256 + dra
        zdma = pltpu.async_copy(zeros_hbm, ha_v.at[pl.ds(_NC, _NA - _NC)], zsem)
        _zero_range(hb_v, _NC)
        _zero_range(ha_v, _NC)
        _pass_b(row_v, ha_v, hb_v, d_a)
        c_b, j_c = _scan_slice(ha_v, j_b, 16)
        drb, _ = _scan_gather(hb_v, c_b * 128, j_c, 8)
        d_b = c_b * 128 + drb
        _zero_range(ha_v, _NC)
        thr = d_a * jnp.int32(32768) + d_b
        _apply_pass(row_v, hb_v, thr)
        pltpu.sync_copy(row_v, out_hbm.at[row])
        zdma.wait()


def kernel(scores, k):
    kvec = jnp.full((_L,), k, jnp.int32)
    zeros = jnp.zeros((_NA - _NC,), jnp.int32)
    return _sc_topk(scores, kvec, zeros)

# --- scband reference (transcript-rebuilt; emitter-appended) ---
"""Pipeline reference for scband-dstscheduler2-71279277244535 (READ-ONLY COPY).

The authoritative reference and input builder live on the scoring server;
editing this copy changes nothing except your own understanding.
"""

import jax, jax.numpy as jnp
import numpy as np


def setup_inputs(seed: int = 0) -> dict:
    key = jax.random.key(seed)
    scores = jax.random.normal(key, (64, 32768), dtype=jnp.float32)
    k = 22938  # keep ceil(N * (1 - death_rate)) with death_rate=0.3
    return {"scores": scores, "k": k}


def reference(scores, k):
    # Magnitude-based death/keep step of the DST scheduler (unstructure pruning):
    # keep the top-k largest-magnitude entries per row, zero (prune) the rest.
    mag = jnp.abs(scores)
    order = jnp.argsort(-mag, axis=-1)
    rows = jnp.arange(scores.shape[0])[:, None]
    keep = jnp.arange(scores.shape[1])[None, :] < k
    mask = jnp.zeros(scores.shape, dtype=bool).at[rows, order].set(keep)
    out = jnp.where(mask, scores, jnp.zeros_like(scores))
    return out

if __name__ == "__main__":
    import jax
    _d = setup_inputs()
    print(jax.jit(kernel)(*tuple(_d.values())))

</pallas_src>

<mosaic_0001>
#map = affine_map<(d0, d1) -> (0, 0)>
#map1 = affine_map<(d0, d1) -> (0)>
module attributes {stable_mosaic.version = 14 : i64} {
  func.func @_sc_topk(%arg0: i32, %arg1: i32, %arg2: memref<64x32768xf32, #tpu.memory_space<hbm>>, %arg3: memref<16xi32, #tpu.memory_space<hbm>>, %arg4: memref<65024xi32, #tpu.memory_space<hbm>>, %arg5: memref<64x32768xf32, #tpu.memory_space<hbm>>, %arg6: memref<32768xf32, #tpu.memory_space<vmem>>, %arg7: memref<65280xi32, #tpu.memory_space<vmem>>, %arg8: memref<32768xi32, #tpu.memory_space<vmem>>, %arg9: memref<16xi32, #tpu.memory_space<vmem>>, %arg10: memref<!tpu.dma_semaphore, #tpu.memory_space<semaphore_mem>>, %arg11: memref<!tpu.dma_semaphore, #tpu.memory_space<semaphore_mem>>) attributes {dimension_semantics = [#tpu.dimension_semantics<core_parallel>, #tpu.dimension_semantics<subcore_parallel>], iteration_bounds = array<i64: 2, 16>, scalar_prefetch = 0 : i64, scratch_operands = 6 : i64, tpu.core_type = #tpu.core_type<sc_vector_subcore>, window_params = [{transform_indices = #map}, {transform_indices = #map1}, {transform_indices = #map1}, {transform_indices = #map}]} {
    %mul3A = arith.constant 2 : i32
    %mul3A_0 = arith.muli %arg1, %mul3A : i32
    %add3A = arith.addi %mul3A_0, %arg0 : i32
    %mul3A_1 = arith.constant 2 : i32
    %mul3A_2 = arith.muli %add3A, %mul3A_1 : i32
    %dma_start3A = arith.constant 0 : i32
    %dma_start3A_3 = tpu.memref_slice %arg2[%mul3A_2, %dma_start3A] : memref<64x32768xf32, #tpu.memory_space<hbm>> -> memref<1x32768xf32, #tpu.memory_space<hbm>>
    %dma_start3A_4 = tpu.memref_squeeze %dma_start3A_3 : memref<1x32768xf32, #tpu.memory_space<hbm>> -> memref<32768xf32, #tpu.memory_space<hbm>>
    %dma_start3A_5 = arith.constant 0 : i32
    %dma_start3A_6 = tpu.memref_slice %arg2[%mul3A_2, %dma_start3A_5] : memref<64x32768xf32, #tpu.memory_space<hbm>> -> memref<1x32768xf32, #tpu.memory_space<hbm>>
    %dma_start3A_7 = tpu.memref_squeeze %dma_start3A_6 : memref<1x32768xf32, #tpu.memory_space<hbm>> -> memref<32768xf32, #tpu.memory_space<hbm>>
    tpu.enqueue_dma source(%dma_start3A_7 : memref<32768xf32, #tpu.memory_space<hbm>>) target(%arg6 : memref<32768xf32, #tpu.memory_space<vmem>>) target_semaphore(%arg10 : memref<!tpu.dma_semaphore, #tpu.memory_space<semaphore_mem>>)
    "tpu.region"() ({
      %run_scoped3A = tpu.sem_alloc : memref<!tpu.dma_semaphore, #tpu.memory_space<semaphore_mem>>
      tpu.enqueue_dma source(%arg3 : memref<16xi32, #tpu.memory_space<hbm>>) target(%arg9 : memref<16xi32, #tpu.memory_space<vmem>>) target_semaphore(%run_scoped3A : memref<!tpu.dma_semaphore, #tpu.memory_space<semaphore_mem>>)
      tpu.wait_dma2 semaphore(%run_scoped3A : memref<!tpu.dma_semaphore, #tpu.memory_space<semaphore_mem>>) src(%arg3 : memref<16xi32, #tpu.memory_space<hbm>>) dst(%arg9 : memref<16xi32, #tpu.memory_space<vmem>>)
      tpu.yield
    }) : () -> ()
    %get3A = arith.constant 0 : index
    %get3A_8 = tpu.vector_load %arg9[%get3A] {strides = array<i32>} : memref<16xi32, #tpu.memory_space<vmem>>, vector<16xi32>,
    %broadcast_in_dim3A = arith.constant 0 : i32
    %broadcast_in_dim3A_9 = vector.broadcast %broadcast_in_dim3A : i32 to vector<16xi32>
    %parallel_loop3A = arith.constant 0 : i32
    %parallel_loop3A_10 = arith.constant 65280 : i32
    %parallel_loop3A_11 = arith.constant 16 : i32
    scf.for %parallel_loop3A_204 = %parallel_loop3A to %parallel_loop3A_10 step %parallel_loop3A_11  : i32 {
      %parallel_loop3A_205 = arith.index_cast %parallel_loop3A_204 : i32 to index
      %parallel_loop3A_206 = tpu.vector_load %arg7[%parallel_loop3A_205] {strides = array<i32>} : memref<65280xi32, #tpu.memory_space<vmem>>, vector<16xi32>,
      tpu.vector_store %arg7[%parallel_loop3A_205], %broadcast_in_dim3A_9 {strides = array<i32>} : memref<65280xi32, #tpu.memory_space<vmem>>, vector<16xi32>,
    } {sc.loop_unroll_factor = 8 : i64, sc.parallel_access}
    %broadcast_in_dim3A_12 = arith.constant 0 : i32
    %broadcast_in_dim3A_13 = vector.broadcast %broadcast_in_dim3A_12 : i32 to vector<16xi32>
    %parallel_loop3A_14 = arith.constant 0 : i32
    %parallel_loop3A_15 = arith.constant 32768 : i32
    %parallel_loop3A_16 = arith.constant 16 : i32
    scf.for %parallel_loop3A_204 = %parallel_loop3A_14 to %parallel_loop3A_15 step %parallel_loop3A_16  : i32 {
      %parallel_loop3A_205 = arith.index_cast %parallel_loop3A_204 : i32 to index
      %parallel_loop3A_206 = tpu.vector_load %arg8[%parallel_loop3A_205] {strides = array<i32>} : memref<32768xi32, #tpu.memory_space<vmem>>, vector<16xi32>,
      tpu.vector_store %arg8[%parallel_loop3A_205], %broadcast_in_dim3A_13 {strides = array<i32>} : memref<32768xi32, #tpu.memory_space<vmem>>, vector<16xi32>,
    } {sc.loop_unroll_factor = 8 : i64, sc.parallel_access}
    %dma_wait3A = arith.constant 0 : i32
    %dma_wait3A_17 = tpu.memref_slice %arg2[%mul3A_2, %dma_wait3A] : memref<64x32768xf32, #tpu.memory_space<hbm>> -> memref<1x32768xf32, #tpu.memory_space<hbm>>
    %dma_wait3A_18 = tpu.memref_squeeze %dma_wait3A_17 : memref<1x32768xf32, #tpu.memory_space<hbm>> -> memref<32768xf32, #tpu.memory_space<hbm>>
    %dma_wait3A_19 = arith.constant 0 : i32
    %dma_wait3A_20 = tpu.memref_slice %arg2[%mul3A_2, %dma_wait3A_19] : memref<64x32768xf32, #tpu.memory_space<hbm>> -> memref<1x32768xf32, #tpu.memory_space<hbm>>
    %dma_wait3A_21 = tpu.memref_squeeze %dma_wait3A_20 : memref<1x32768xf32, #tpu.memory_space<hbm>> -> memref<32768xf32, #tpu.memory_space<hbm>>
    tpu.wait_dma2 semaphore(%arg10 : memref<!tpu.dma_semaphore, #tpu.memory_space<semaphore_mem>>) src(%dma_wait3A_21 : memref<32768xf32, #tpu.memory_space<hbm>>) dst(%arg6 : memref<32768xf32, #tpu.memory_space<vmem>>)
    %add3A_22 = arith.constant 0 : i32
    %add3A_23 = arith.addi %mul3A_2, %add3A_22 : i32
    %broadcast_in_dim3A_24 = arith.constant 1 : i32
    %broadcast_in_dim3A_25 = vector.broadcast %broadcast_in_dim3A_24 : i32 to vector<16xi32>
    %parallel_loop3A_26 = arith.constant 0 : i32
    %parallel_loop3A_27 = arith.constant 32768 : i32
    %parallel_loop3A_28 = arith.constant 16 : i32
    scf.for %parallel_loop3A_204 = %parallel_loop3A_26 to %parallel_loop3A_27 step %parallel_loop3A_28  : i32 {
      %parallel_loop3A_205 = arith.index_cast %parallel_loop3A_204 : i32 to index
      %parallel_loop3A_206 = tpu.vector_load %arg6[%parallel_loop3A_205] {strides = array<i32>} : memref<32768xf32, #tpu.memory_space<vmem>>, vector<16xf32>,
      %parallel_loop3A_207 = vector.bitcast %parallel_loop3A_206 : vector<16xf32> to vector<16xi32>
      %parallel_loop3A_208 = arith.constant 2147483647 : i32
      %parallel_loop3A_209 = vector.broadcast %parallel_loop3A_208 : i32 to vector<16xi32>
      %parallel_loop3A_210 = arith.andi %parallel_loop3A_207, %parallel_loop3A_209 : vector<16xi32>
      %parallel_loop3A_211 = arith.constant 15 : i32
      %parallel_loop3A_212 = vector.broadcast %parallel_loop3A_211 : i32 to vector<16xi32>
      %parallel_loop3A_213 = arith.shrui %parallel_loop3A_210, %parallel_loop3A_212 : vector<16xi32>
      tpu.vector_store_idx %arg7[%parallel_loop3A_213], %broadcast_in_dim3A_25 {add = true} : memref<65280xi32, #tpu.memory_space<vmem>>[vector<16xi32>], vector<16xi32>,
      %parallel_loop3A_214 = arith.constant 23 : i32
      %parallel_loop3A_215 = vector.broadcast %parallel_loop3A_214 : i32 to vector<16xi32>
      %parallel_loop3A_216 = arith.shrui %parallel_loop3A_210, %parallel_loop3A_215 : vector<16xi32>
      tpu.vector_store_idx %arg8[%parallel_loop3A_216], %broadcast_in_dim3A_25 {add = true} : memref<32768xi32, #tpu.memory_space<vmem>>[vector<16xi32>], vector<16xi32>,
    } {sc.loop_unroll_factor = 8 : i64, sc.parallel_access}
    %broadcast_in_dim3A_29 = arith.constant 0 : i32
    %broadcast_in_dim3A_30 = vector.broadcast %broadcast_in_dim3A_29 : i32 to vector<16xi32>
    %scan3A = arith.constant 0 : i32
    %scan3A_31 = arith.constant 16 : i32
    %scan3A_32 = arith.addi %scan3A, %scan3A_31 : i32
    %scan3A_33 = arith.constant 1 : i32
    %scan3A_34:4 = scf.for %scan3A_204 = %scan3A to %scan3A_32 step %scan3A_33 iter_args(%scan3A_205 = %broadcast_in_dim3A_30, %scan3A_206 = %broadcast_in_dim3A_30, %scan3A_207 = %get3A_8, %scan3A_208 = %broadcast_in_dim3A_30) -> (vector<16xi32>, vector<16xi32>, vector<16xi32>, vector<16xi32>)  : i32 {
      %sub3A = arith.constant 15 : i32
      %sub3A_209 = arith.subi %sub3A, %scan3A_204 : i32
      %mul3A_210 = arith.constant 16 : i32
      %mul3A_211 = arith.muli %sub3A_209, %mul3A_210 : i32
      %get3A_212 = arith.index_cast %mul3A_211 : i32 to index
      %get3A_213 = tpu.vector_load %arg8[%get3A_212] {strides = array<i32>} : memref<32768xi32, #tpu.memory_space<vmem>>, vector<16xi32>,
      %iota3A_214 = tpu.iota {dimensions = array<i32: 0>} : vector<16xi32>
      %sub3A_215 = arith.constant 1 : i32
      %sub3A_216 = vector.broadcast %sub3A_215 : i32 to vector<16xi32>
      %sub3A_217 = arith.subi %iota3A_214, %sub3A_216 : vector<16xi32>
      %max3A = arith.constant 0 : i32
      %max3A_218 = vector.broadcast %max3A : i32 to vector<16xi32>
      %max3A_219 = arith.maxsi %sub3A_217, %max3A_218 : vector<16xi32>
      %reshape3A = vector.shape_cast %max3A_219 : vector<16xi32> to vector<16x1xi32>
      %gather3A = vector.shape_cast %reshape3A : vector<16x1xi32> to vector<16xi32>
      %gather3A_220 = tpu.dynamic_gather %get3A_213[%gather3A] in [0] : vector<16xi32>, vector<16xi32> -> vector<16xi32>
      %ge3A = arith.constant 1 : i32
      %ge3A_221 = vector.broadcast %ge3A : i32 to vector<16xi32>
      %ge3A_222 = arith.cmpi sge, %iota3A_214, %ge3A_221 : vector<16xi32>
      %jit3A = arith.constant 0 : i32
      %broadcast_in_dim3A_223 = vector.broadcast %jit3A : i32 to vector<16xi32>
      %select_n3A = arith.select %ge3A_222, %gather3A_220, %broadcast_in_dim3A_223 : vector<16xi1>, vector<16xi32>
      %add3A_224 = arith.addi %get3A_213, %select_n3A : vector<16xi32>
      %sub3A_225 = arith.constant 2 : i32
      %sub3A_226 = vector.broadcast %sub3A_225 : i32 to vector<16xi32>
      %sub3A_227 = arith.subi %iota3A_214, %sub3A_226 : vector<16xi32>
      %max3A_228 = arith.constant 0 : i32
      %max3A_229 = vector.broadcast %max3A_228 : i32 to vector<16xi32>
      %max3A_230 = arith.maxsi %sub3A_227, %max3A_229 : vector<16xi32>
      %reshape3A_231 = vector.shape_cast %max3A_230 : vector<16xi32> to vector<16x1xi32>
      %gather3A_232 = vector.shape_cast %reshape3A_231 : vector<16x1xi32> to vector<16xi32>
      %gather3A_233 = tpu.dynamic_gather %add3A_224[%gather3A_232] in [0] : vector<16xi32>, vector<16xi32> -> vector<16xi32>
      %ge3A_234 = arith.constant 2 : i32
      %ge3A_235 = vector.broadcast %ge3A_234 : i32 to vector<16xi32>
      %ge3A_236 = arith.cmpi sge, %iota3A_214, %ge3A_235 : vector<16xi32>
      %jit3A_237 = arith.constant 0 : i32
      %broadcast_in_dim3A_238 = vector.broadcast %jit3A_237 : i32 to vector<16xi32>
      %select_n3A_239 = arith.select %ge3A_236, %gather3A_233, %broadcast_in_dim3A_238 : vector<16xi1>, vector<16xi32>
      %add3A_240 = arith.addi %add3A_224, %select_n3A_239 : vector<16xi32>
      %sub3A_241 = arith.constant 4 : i32
      %sub3A_242 = vector.broadcast %sub3A_241 : i32 to vector<16xi32>
      %sub3A_243 = arith.subi %iota3A_214, %sub3A_242 : vector<16xi32>
      %max3A_244 = arith.constant 0 : i32
      %max3A_245 = vector.broadcast %max3A_244 : i32 to vector<16xi32>
      %max3A_246 = arith.maxsi %sub3A_243, %max3A_245 : vector<16xi32>
      %reshape3A_247 = vector.shape_cast %max3A_246 : vector<16xi32> to vector<16x1xi32>
      %gather3A_248 = vector.shape_cast %reshape3A_247 : vector<16x1xi32> to vector<16xi32>
      %gather3A_249 = tpu.dynamic_gather %add3A_240[%gather3A_248] in [0] : vector<16xi32>, vector<16xi32> -> vector<16xi32>
      %ge3A_250 = arith.constant 4 : i32
      %ge3A_251 = vector.broadcast %ge3A_250 : i32 to vector<16xi32>
      %ge3A_252 = arith.cmpi sge, %iota3A_214, %ge3A_251 : vector<16xi32>
      %jit3A_253 = arith.constant 0 : i32
      %broadcast_in_dim3A_254 = vector.broadcast %jit3A_253 : i32 to vector<16xi32>
      %select_n3A_255 = arith.select %ge3A_252, %gather3A_249, %broadcast_in_dim3A_254 : vector<16xi1>, vector<16xi32>
      %add3A_256 = arith.addi %add3A_240, %select_n3A_255 : vector<16xi32>
      %sub3A_257 = arith.constant 8 : i32
      %sub3A_258 = vector.broadcast %sub3A_257 : i32 to vector<16xi32>
      %sub3A_259 = arith.subi %iota3A_214, %sub3A_258 : vector<16xi32>
      %max3A_260 = arith.constant 0 : i32
      %max3A_261 = vector.broadcast %max3A_260 : i32 to vector<16xi32>
      %max3A_262 = arith.maxsi %sub3A_259, %max3A_261 : vector<16xi32>
      %reshape3A_263 = vector.shape_cast %max3A_262 : vector<16xi32> to vector<16x1xi32>
      %gather3A_264 = vector.shape_cast %reshape3A_263 : vector<16x1xi32> to vector<16xi32>
      %gather3A_265 = tpu.dynamic_gather %add3A_256[%gather3A_264] in [0] : vector<16xi32>, vector<16xi32> -> vector<16xi32>
      %ge3A_266 = arith.constant 8 : i32
      %ge3A_267 = vector.broadcast %ge3A_266 : i32 to vector<16xi32>
      %ge3A_268 = arith.cmpi sge, %iota3A_214, %ge3A_267 : vector<16xi32>
      %jit3A_269 = arith.constant 0 : i32
      %broadcast_in_dim3A_270 = vector.broadcast %jit3A_269 : i32 to vector<16xi32>
      %select_n3A_271 = arith.select %ge3A_268, %gather3A_265, %broadcast_in_dim3A_270 : vector<16xi1>, vector<16xi32>
      %add3A_272 = arith.addi %add3A_256, %select_n3A_271 : vector<16xi32>
      %broadcast_in_dim3A_273 = arith.constant 15 : i32
      %broadcast_in_dim3A_274 = vector.broadcast %broadcast_in_dim3A_273 : i32 to vector<16xi32>
      %reshape3A_275 = vector.shape_cast %broadcast_in_dim3A_274 : vector<16xi32> to vector<16x1xi32>
      %gather3A_276 = vector.shape_cast %reshape3A_275 : vector<16x1xi32> to vector<16xi32>
      %gather3A_277 = tpu.dynamic_gather %add3A_272[%gather3A_276] in [0] : vector<16xi32>, vector<16xi32> -> vector<16xi32>
      %add3A_278 = arith.addi %scan3A_205, %gather3A_277 : vector<16xi32>
      %sub3A_279 = arith.subi %add3A_278, %add3A_272 : vector<16xi32>
      %add3A_280 = arith.addi %sub3A_279, %get3A_213 : vector<16xi32>
      %ge3A_281 = arith.cmpi sge, %add3A_280, %get3A_8 : vector<16xi32>
      %all_reduce_population_count3A = tpu.all_reduce %ge3A_281 {dim = 0 : i64, kind = #tpu.reduction_kind<sum>} : vector<16xi1> -> vector<16xi32>
      %gt3A = arith.constant 0 : i32
      %gt3A_282 = vector.broadcast %gt3A : i32 to vector<16xi32>
      %gt3A_283 = arith.cmpi sgt, %all_reduce_population_count3A, %gt3A_282 : vector<16xi32>
      %eq3A = arith.constant 0 : i32
      %eq3A_284 = vector.broadcast %eq3A : i32 to vector<16xi32>
      %eq3A_285 = arith.cmpi eq, %scan3A_208, %eq3A_284 : vector<16xi32>
      %and3A = arith.andi %gt3A_283, %eq3A_285 : vector<16xi1>
      %sub3A_286 = arith.constant 1 : i32
      %sub3A_287 = vector.broadcast %sub3A_286 : i32 to vector<16xi32>
      %sub3A_288 = arith.subi %all_reduce_population_count3A, %sub3A_287 : vector<16xi32>
      %max3A_289 = arith.constant 0 : i32
      %max3A_290 = vector.broadcast %max3A_289 : i32 to vector<16xi32>
      %max3A_291 = arith.maxsi %sub3A_288, %max3A_290 : vector<16xi32>
      %reshape3A_292 = vector.shape_cast %max3A_291 : vector<16xi32> to vector<16x1xi32>
      %gather3A_293 = vector.shape_cast %reshape3A_292 : vector<16x1xi32> to vector<16xi32>
      %gather3A_294 = tpu.dynamic_gather %add3A_272[%gather3A_293] in [0] : vector<16xi32>, vector<16xi32> -> vector<16xi32>
      %mul3A_295 = arith.constant 16 : i32
      %mul3A_296 = arith.muli %sub3A_209, %mul3A_295 : i32
      %add3A_297 = vector.broadcast %mul3A_296 : i32 to vector<16xi32>
      %add3A_298 = arith.addi %add3A_297, %max3A_291 : vector<16xi32>
      %select_n3A_299 = arith.select %and3A, %add3A_298, %scan3A_206 : vector<16xi1>, vector<16xi32>
      %add3A_300 = arith.addi %scan3A_205, %gather3A_277 : vector<16xi32>
      %sub3A_301 = arith.subi %add3A_300, %gather3A_294 : vector<16xi32>
      %sub3A_302 = arith.subi %get3A_8, %sub3A_301 : vector<16xi32>
      %select_n3A_303 = arith.select %and3A, %sub3A_302, %scan3A_207 : vector<16xi1>, vector<16xi32>
      %gt3A_304 = arith.constant 0 : i32
      %gt3A_305 = vector.broadcast %gt3A_304 : i32 to vector<16xi32>
      %gt3A_306 = arith.cmpi sgt, %all_reduce_population_count3A, %gt3A_305 : vector<16xi32>
      %jit3A_307 = arith.constant 1 : i32
      %broadcast_in_dim3A_308 = vector.broadcast %jit3A_307 : i32 to vector<16xi32>
      %select_n3A_309 = arith.select %gt3A_306, %broadcast_in_dim3A_308, %scan3A_208 : vector<16xi1>, vector<16xi32>
      %gt3A_310 = arith.constant 0 : i32
      %gt3A_311 = vector.broadcast %gt3A_310 : i32 to vector<16xi32>
      %gt3A_312 = arith.cmpi sgt, %select_n3A_309, %gt3A_311 : vector<16xi32>
      %add3A_313 = arith.addi %scan3A_205, %gather3A_277 : vector<16xi32>
      %select_n3A_314 = arith.select %gt3A_312, %scan3A_205, %add3A_313 : vector<16xi1>, vector<16xi32>
      scf.yield %select_n3A_314, %select_n3A_299, %select_n3A_303, %select_n3A_309 : vector<16xi32>, vector<16xi32>, vector<16xi32>, vector<16xi32>
    }
    %scan3A_35 = arith.constant 16 : i32
    %mul3A_36 = arith.constant 256 : i32
    %mul3A_37 = vector.broadcast %mul3A_36 : i32 to vector<16xi32>
    %mul3A_38 = arith.muli %scan3A_34#1, %mul3A_37 : vector<16xi32>
    %iota3A = tpu.iota {dimensions = array<i32: 0>} : vector<16xi32>
    %broadcast_in_dim3A_39 = arith.constant 0 : i32
    %broadcast_in_dim3A_40 = vector.broadcast %broadcast_in_dim3A_39 : i32 to vector<16xi32>
    %scan3A_41 = arith.constant 0 : i32
    %scan3A_42 = arith.constant 16 : i32
    %scan3A_43 = arith.addi %scan3A_41, %scan3A_42 : i32
    %scan3A_44 = arith.constant 1 : i32
    %scan3A_45:4 = scf.for %scan3A_204 = %scan3A_41 to %scan3A_43 step %scan3A_44 iter_args(%scan3A_205 = %broadcast_in_dim3A_40, %scan3A_206 = %broadcast_in_dim3A_40, %scan3A_207 = %scan3A_34#2, %scan3A_208 = %broadcast_in_dim3A_40) -> (vector<16xi32>, vector<16xi32>, vector<16xi32>, vector<16xi32>)  : i32 {
      %sub3A = arith.constant 15 : i32
      %sub3A_209 = arith.subi %sub3A, %scan3A_204 : i32
      %mul3A_210 = arith.constant 16 : i32
      %mul3A_211 = arith.muli %sub3A_209, %mul3A_210 : i32
      %add3A_212 = vector.broadcast %mul3A_211 : i32 to vector<16xi32>
      %add3A_213 = arith.addi %mul3A_38, %add3A_212 : vector<16xi32>
      %add3A_214 = arith.addi %add3A_213, %iota3A : vector<16xi32>
      %gather3A = tpu.vector_load_idx %arg7[%add3A_214] : memref<65280xi32, #tpu.memory_space<vmem>>[vector<16xi32>], vector<16xi32>,
      %iota3A_215 = tpu.iota {dimensions = array<i32: 0>} : vector<16xi32>
      %sub3A_216 = arith.constant 1 : i32
      %sub3A_217 = vector.broadcast %sub3A_216 : i32 to vector<16xi32>
      %sub3A_218 = arith.subi %iota3A_215, %sub3A_217 : vector<16xi32>
      %max3A = arith.constant 0 : i32
      %max3A_219 = vector.broadcast %max3A : i32 to vector<16xi32>
      %max3A_220 = arith.maxsi %sub3A_218, %max3A_219 : vector<16xi32>
      %reshape3A = vector.shape_cast %max3A_220 : vector<16xi32> to vector<16x1xi32>
      %gather3A_221 = vector.shape_cast %reshape3A : vector<16x1xi32> to vector<16xi32>
      %gather3A_222 = tpu.dynamic_gather %gather3A[%gather3A_221] in [0] : vector<16xi32>, vector<16xi32> -> vector<16xi32>
      %ge3A = arith.constant 1 : i32
      %ge3A_223 = vector.broadcast %ge3A : i32 to vector<16xi32>
      %ge3A_224 = arith.cmpi sge, %iota3A_215, %ge3A_223 : vector<16xi32>
      %jit3A = arith.constant 0 : i32
      %broadcast_in_dim3A_225 = vector.broadcast %jit3A : i32 to vector<16xi32>
      %select_n3A = arith.select %ge3A_224, %gather3A_222, %broadcast_in_dim3A_225 : vector<16xi1>, vector<16xi32>
      %add3A_226 = arith.addi %gather3A, %select_n3A : vector<16xi32>
      %sub3A_227 = arith.constant 2 : i32
      %sub3A_228 = vector.broadcast %sub3A_227 : i32 to vector<16xi32>
      %sub3A_229 = arith.subi %iota3A_215, %sub3A_228 : vector<16xi32>
      %max3A_230 = arith.constant 0 : i32
      %max3A_231 = vector.broadcast %max3A_230 : i32 to vector<16xi32>
      %max3A_232 = arith.maxsi %sub3A_229, %max3A_231 : vector<16xi32>
      %reshape3A_233 = vector.shape_cast %max3A_232 : vector<16xi32> to vector<16x1xi32>
      %gather3A_234 = vector.shape_cast %reshape3A_233 : vector<16x1xi32> to vector<16xi32>
      %gather3A_235 = tpu.dynamic_gather %add3A_226[%gather3A_234] in [0] : vector<16xi32>, vector<16xi32> -> vector<16xi32>
      %ge3A_236 = arith.constant 2 : i32
      %ge3A_237 = vector.broadcast %ge3A_236 : i32 to vector<16xi32>
      %ge3A_238 = arith.cmpi sge, %iota3A_215, %ge3A_237 : vector<16xi32>
      %jit3A_239 = arith.constant 0 : i32
      %broadcast_in_dim3A_240 = vector.broadcast %jit3A_239 : i32 to vector<16xi32>
      %select_n3A_241 = arith.select %ge3A_238, %gather3A_235, %broadcast_in_dim3A_240 : vector<16xi1>, vector<16xi32>
      %add3A_242 = arith.addi %add3A_226, %select_n3A_241 : vector<16xi32>
      %sub3A_243 = arith.constant 4 : i32
      %sub3A_244 = vector.broadcast %sub3A_243 : i32 to vector<16xi32>
      %sub3A_245 = arith.subi %iota3A_215, %sub3A_244 : vector<16xi32>
      %max3A_246 = arith.constant 0 : i32
      %max3A_247 = vector.broadcast %max3A_246 : i32 to vector<16xi32>
      %max3A_248 = arith.maxsi %sub3A_245, %max3A_247 : vector<16xi32>
      %reshape3A_249 = vector.shape_cast %max3A_248 : vector<16xi32> to vector<16x1xi32>
      %gather3A_250 = vector.shape_cast %reshape3A_249 : vector<16x1xi32> to vector<16xi32>
      %gather3A_251 = tpu.dynamic_gather %add3A_242[%gather3A_250] in [0] : vector<16xi32>, vector<16xi32> -> vector<16xi32>
      %ge3A_252 = arith.constant 4 : i32
      %ge3A_253 = vector.broadcast %ge3A_252 : i32 to vector<16xi32>
      %ge3A_254 = arith.cmpi sge, %iota3A_215, %ge3A_253 : vector<16xi32>
      %jit3A_255 = arith.constant 0 : i32
      %broadcast_in_dim3A_256 = vector.broadcast %jit3A_255 : i32 to vector<16xi32>
      %select_n3A_257 = arith.select %ge3A_254, %gather3A_251, %broadcast_in_dim3A_256 : vector<16xi1>, vector<16xi32>
      %add3A_258 = arith.addi %add3A_242, %select_n3A_257 : vector<16xi32>
      %sub3A_259 = arith.constant 8 : i32
      %sub3A_260 = vector.broadcast %sub3A_259 : i32 to vector<16xi32>
      %sub3A_261 = arith.subi %iota3A_215, %sub3A_260 : vector<16xi32>
      %max3A_262 = arith.constant 0 : i32
      %max3A_263 = vector.broadcast %max3A_262 : i32 to vector<16xi32>
      %max3A_264 = arith.maxsi %sub3A_261, %max3A_263 : vector<16xi32>
      %reshape3A_265 = vector.shape_cast %max3A_264 : vector<16xi32> to vector<16x1xi32>
      %gather3A_266 = vector.shape_cast %reshape3A_265 : vector<16x1xi32> to vector<16xi32>
      %gather3A_267 = tpu.dynamic_gather %add3A_258[%gather3A_266] in [0] : vector<16xi32>, vector<16xi32> -> vector<16xi32>
      %ge3A_268 = arith.constant 8 : i32
      %ge3A_269 = vector.broadcast %ge3A_268 : i32 to vector<16xi32>
      %ge3A_270 = arith.cmpi sge, %iota3A_215, %ge3A_269 : vector<16xi32>
      %jit3A_271 = arith.constant 0 : i32
      %broadcast_in_dim3A_272 = vector.broadcast %jit3A_271 : i32 to vector<16xi32>
      %select_n3A_273 = arith.select %ge3A_270, %gather3A_267, %broadcast_in_dim3A_272 : vector<16xi1>, vector<16xi32>
      %add3A_274 = arith.addi %add3A_258, %select_n3A_273 : vector<16xi32>
      %broadcast_in_dim3A_275 = arith.constant 15 : i32
      %broadcast_in_dim3A_276 = vector.broadcast %broadcast_in_dim3A_275 : i32 to vector<16xi32>
      %reshape3A_277 = vector.shape_cast %broadcast_in_dim3A_276 : vector<16xi32> to vector<16x1xi32>
      %gather3A_278 = vector.shape_cast %reshape3A_277 : vector<16x1xi32> to vector<16xi32>
      %gather3A_279 = tpu.dynamic_gather %add3A_274[%gather3A_278] in [0] : vector<16xi32>, vector<16xi32> -> vector<16xi32>
      %add3A_280 = arith.addi %scan3A_205, %gather3A_279 : vector<16xi32>
      %sub3A_281 = arith.subi %add3A_280, %add3A_274 : vector<16xi32>
      %add3A_282 = arith.addi %sub3A_281, %gather3A : vector<16xi32>
      %ge3A_283 = arith.cmpi sge, %add3A_282, %scan3A_34#2 : vector<16xi32>
      %all_reduce_population_count3A = tpu.all_reduce %ge3A_283 {dim = 0 : i64, kind = #tpu.reduction_kind<sum>} : vector<16xi1> -> vector<16xi32>
      %gt3A = arith.constant 0 : i32
      %gt3A_284 = vector.broadcast %gt3A : i32 to vector<16xi32>
      %gt3A_285 = arith.cmpi sgt, %all_reduce_population_count3A, %gt3A_284 : vector<16xi32>
      %eq3A = arith.constant 0 : i32
      %eq3A_286 = vector.broadcast %eq3A : i32 to vector<16xi32>
      %eq3A_287 = arith.cmpi eq, %scan3A_208, %eq3A_286 : vector<16xi32>
      %and3A = arith.andi %gt3A_285, %eq3A_287 : vector<16xi1>
      %sub3A_288 = arith.constant 1 : i32
      %sub3A_289 = vector.broadcast %sub3A_288 : i32 to vector<16xi32>
      %sub3A_290 = arith.subi %all_reduce_population_count3A, %sub3A_289 : vector<16xi32>
      %max3A_291 = arith.constant 0 : i32
      %max3A_292 = vector.broadcast %max3A_291 : i32 to vector<16xi32>
      %max3A_293 = arith.maxsi %sub3A_290, %max3A_292 : vector<16xi32>
      %reshape3A_294 = vector.shape_cast %max3A_293 : vector<16xi32> to vector<16x1xi32>
      %gather3A_295 = vector.shape_cast %reshape3A_294 : vector<16x1xi32> to vector<16xi32>
      %gather3A_296 = tpu.dynamic_gather %add3A_274[%gather3A_295] in [0] : vector<16xi32>, vector<16xi32> -> vector<16xi32>
      %mul3A_297 = arith.constant 16 : i32
      %mul3A_298 = arith.muli %sub3A_209, %mul3A_297 : i32
      %add3A_299 = vector.broadcast %mul3A_298 : i32 to vector<16xi32>
      %add3A_300 = arith.addi %add3A_299, %max3A_293 : vector<16xi32>
      %select_n3A_301 = arith.select %and3A, %add3A_300, %scan3A_206 : vector<16xi1>, vector<16xi32>
      %add3A_302 = arith.addi %scan3A_205, %gather3A_279 : vector<16xi32>
      %sub3A_303 = arith.subi %add3A_302, %gather3A_296 : vector<16xi32>
      %sub3A_304 = arith.subi %scan3A_34#2, %sub3A_303 : vector<16xi32>
      %select_n3A_305 = arith.select %and3A, %sub3A_304, %scan3A_207 : vector<16xi1>, vector<16xi32>
      %gt3A_306 = arith.constant 0 : i32
      %gt3A_307 = vector.broadcast %gt3A_306 : i32 to vector<16xi32>
      %gt3A_308 = arith.cmpi sgt, %all_reduce_population_count3A, %gt3A_307 : vector<16xi32>
      %jit3A_309 = arith.constant 1 : i32
      %broadcast_in_dim3A_310 = vector.broadcast %jit3A_309 : i32 to vector<16xi32>
      %select_n3A_311 = arith.select %gt3A_308, %broadcast_in_dim3A_310, %scan3A_208 : vector<16xi1>, vector<16xi32>
      %gt3A_312 = arith.constant 0 : i32
      %gt3A_313 = vector.broadcast %gt3A_312 : i32 to vector<16xi32>
      %gt3A_314 = arith.cmpi sgt, %select_n3A_311, %gt3A_313 : vector<16xi32>
      %add3A_315 = arith.addi %scan3A_205, %gather3A_279 : vector<16xi32>
      %select_n3A_316 = arith.select %gt3A_314, %scan3A_205, %add3A_315 : vector<16xi1>, vector<16xi32>
      scf.yield %select_n3A_316, %select_n3A_301, %select_n3A_305, %select_n3A_311 : vector<16xi32>, vector<16xi32>, vector<16xi32>, vector<16xi32>
    }
    %scan3A_46 = arith.constant 16 : i32
    %mul3A_47 = arith.constant 256 : i32
    %mul3A_48 = vector.broadcast %mul3A_47 : i32 to vector<16xi32>
    %mul3A_49 = arith.muli %scan3A_34#1, %mul3A_48 : vector<16xi32>
    %add3A_50 = arith.addi %mul3A_49, %scan3A_45#1 : vector<16xi32>
    %dma_start3A_51 = arith.constant 256 : i32
    %dma_start3A_52 = tpu.memref_slice %arg7[%dma_start3A_51] : memref<65280xi32, #tpu.memory_space<vmem>> -> memref<65024xi32, #tpu.memory_space<vmem>>
    %dma_start3A_53 = arith.constant 256 : i32
    %dma_start3A_54 = tpu.memref_slice %arg7[%dma_start3A_53] : memref<65280xi32, #tpu.memory_space<vmem>> -> memref<65024xi32, #tpu.memory_space<vmem>>
    tpu.enqueue_dma source(%arg4 : memref<65024xi32, #tpu.memory_space<hbm>>) target(%dma_start3A_54 : memref<65024xi32, #tpu.memory_space<vmem>>) target_semaphore(%arg11 : memref<!tpu.dma_semaphore, #tpu.memory_space<semaphore_mem>>)
    %broadcast_in_dim3A_55 = arith.constant 0 : i32
    %broadcast_in_dim3A_56 = vector.broadcast %broadcast_in_dim3A_55 : i32 to vector<16xi32>
    %parallel_loop3A_57 = arith.constant 0 : i32
    %parallel_loop3A_58 = arith.constant 256 : i32
    %parallel_loop3A_59 = arith.constant 16 : i32
    scf.for %parallel_loop3A_204 = %parallel_loop3A_57 to %parallel_loop3A_58 step %parallel_loop3A_59  : i32 {
      %parallel_loop3A_205 = arith.index_cast %parallel_loop3A_204 : i32 to index
      %parallel_loop3A_206 = tpu.vector_load %arg8[%parallel_loop3A_205] {strides = array<i32>} : memref<32768xi32, #tpu.memory_space<vmem>>, vector<16xi32>,
      tpu.vector_store %arg8[%parallel_loop3A_205], %broadcast_in_dim3A_56 {strides = array<i32>} : memref<32768xi32, #tpu.memory_space<vmem>>, vector<16xi32>,
    } {sc.loop_unroll_factor = 8 : i64, sc.parallel_access}
    %broadcast_in_dim3A_60 = arith.constant 0 : i32
    %broadcast_in_dim3A_61 = vector.broadcast %broadcast_in_dim3A_60 : i32 to vector<16xi32>
    %parallel_loop3A_62 = arith.constant 0 : i32
    %parallel_loop3A_63 = arith.constant 256 : i32
    %parallel_loop3A_64 = arith.constant 16 : i32
    scf.for %parallel_loop3A_204 = %parallel_loop3A_62 to %parallel_loop3A_63 step %parallel_loop3A_64  : i32 {
      %parallel_loop3A_205 = arith.index_cast %parallel_loop3A_204 : i32 to index
      %parallel_loop3A_206 = tpu.vector_load %arg7[%parallel_loop3A_205] {strides = array<i32>} : memref<65280xi32, #tpu.memory_space<vmem>>, vector<16xi32>,
      tpu.vector_store %arg7[%parallel_loop3A_205], %broadcast_in_dim3A_61 {strides = array<i32>} : memref<65280xi32, #tpu.memory_space<vmem>>, vector<16xi32>,
    } {sc.loop_unroll_factor = 8 : i64, sc.parallel_access}
    %broadcast_in_dim3A_65 = arith.constant 1 : i32
    %broadcast_in_dim3A_66 = vector.broadcast %broadcast_in_dim3A_65 : i32 to vector<16xi32>
    %parallel_loop3A_67 = arith.constant 0 : i32
    %parallel_loop3A_68 = arith.constant 32768 : i32
    %parallel_loop3A_69 = arith.constant 16 : i32
    scf.for %parallel_loop3A_204 = %parallel_loop3A_67 to %parallel_loop3A_68 step %parallel_loop3A_69  : i32 {
      %parallel_loop3A_205 = arith.index_cast %parallel_loop3A_204 : i32 to index
      %parallel_loop3A_206 = tpu.vector_load %arg6[%parallel_loop3A_205] {strides = array<i32>} : memref<32768xf32, #tpu.memory_space<vmem>>, vector<16xf32>,
      %parallel_loop3A_207 = vector.bitcast %parallel_loop3A_206 : vector<16xf32> to vector<16xi32>
      %parallel_loop3A_208 = arith.constant 2147483647 : i32
      %parallel_loop3A_209 = vector.broadcast %parallel_loop3A_208 : i32 to vector<16xi32>
      %parallel_loop3A_210 = arith.andi %parallel_loop3A_207, %parallel_loop3A_209 : vector<16xi32>
      %parallel_loop3A_211 = arith.constant 15 : i32
      %parallel_loop3A_212 = vector.broadcast %parallel_loop3A_211 : i32 to vector<16xi32>
      %parallel_loop3A_213 = arith.shrui %parallel_loop3A_210, %parallel_loop3A_212 : vector<16xi32>
      %parallel_loop3A_214 = arith.cmpi eq, %parallel_loop3A_213, %add3A_50 : vector<16xi32>
      %parallel_loop3A_215 = arith.constant 32767 : i32
      %parallel_loop3A_216 = vector.broadcast %parallel_loop3A_215 : i32 to vector<16xi32>
      %parallel_loop3A_217 = arith.andi %parallel_loop3A_210, %parallel_loop3A_216 : vector<16xi32>
      tpu.vector_store_idx %arg8[%parallel_loop3A_217], %broadcast_in_dim3A_66 masked %parallel_loop3A_214 {add = true} : memref<32768xi32, #tpu.memory_space<vmem>>[vector<16xi32>], vector<16xi32>, vector<16xi1>
      %parallel_loop3A_218 = arith.constant 7 : i32
      %parallel_loop3A_219 = vector.broadcast %parallel_loop3A_218 : i32 to vector<16xi32>
      %parallel_loop3A_220 = arith.shrui %parallel_loop3A_217, %parallel_loop3A_219 : vector<16xi32>
      tpu.vector_store_idx %arg7[%parallel_loop3A_220], %broadcast_in_dim3A_66 masked %parallel_loop3A_214 {add = true} : memref<65280xi32, #tpu.memory_space<vmem>>[vector<16xi32>], vector<16xi32>, vector<16xi1>
    } {sc.loop_unroll_factor = 8 : i64, sc.parallel_access}
    %broadcast_in_dim3A_70 = arith.constant 0 : i32
    %broadcast_in_dim3A_71 = vector.broadcast %broadcast_in_dim3A_70 : i32 to vector<16xi32>
    %scan3A_72 = arith.constant 0 : i32
    %scan3A_73 = arith.constant 16 : i32
    %scan3A_74 = arith.addi %scan3A_72, %scan3A_73 : i32
    %scan3A_75 = arith.constant 1 : i32
    %scan3A_76:4 = scf.for %scan3A_204 = %scan3A_72 to %scan3A_74 step %scan3A_75 iter_args(%scan3A_205 = %broadcast_in_dim3A_71, %scan3A_206 = %broadcast_in_dim3A_71, %scan3A_207 = %scan3A_45#2, %scan3A_208 = %broadcast_in_dim3A_71) -> (vector<16xi32>, vector<16xi32>, vector<16xi32>, vector<16xi32>)  : i32 {
      %sub3A = arith.constant 15 : i32
      %sub3A_209 = arith.subi %sub3A, %scan3A_204 : i32
      %mul3A_210 = arith.constant 16 : i32
      %mul3A_211 = arith.muli %sub3A_209, %mul3A_210 : i32
      %get3A_212 = arith.index_cast %mul3A_211 : i32 to index
      %get3A_213 = tpu.vector_load %arg7[%get3A_212] {strides = array<i32>} : memref<65280xi32, #tpu.memory_space<vmem>>, vector<16xi32>,
      %iota3A_214 = tpu.iota {dimensions = array<i32: 0>} : vector<16xi32>
      %sub3A_215 = arith.constant 1 : i32
      %sub3A_216 = vector.broadcast %sub3A_215 : i32 to vector<16xi32>
      %sub3A_217 = arith.subi %iota3A_214, %sub3A_216 : vector<16xi32>
      %max3A = arith.constant 0 : i32
      %max3A_218 = vector.broadcast %max3A : i32 to vector<16xi32>
      %max3A_219 = arith.maxsi %sub3A_217, %max3A_218 : vector<16xi32>
      %reshape3A = vector.shape_cast %max3A_219 : vector<16xi32> to vector<16x1xi32>
      %gather3A = vector.shape_cast %reshape3A : vector<16x1xi32> to vector<16xi32>
      %gather3A_220 = tpu.dynamic_gather %get3A_213[%gather3A] in [0] : vector<16xi32>, vector<16xi32> -> vector<16xi32>
      %ge3A = arith.constant 1 : i32
      %ge3A_221 = vector.broadcast %ge3A : i32 to vector<16xi32>
      %ge3A_222 = arith.cmpi sge, %iota3A_214, %ge3A_221 : vector<16xi32>
      %jit3A = arith.constant 0 : i32
      %broadcast_in_dim3A_223 = vector.broadcast %jit3A : i32 to vector<16xi32>
      %select_n3A = arith.select %ge3A_222, %gather3A_220, %broadcast_in_dim3A_223 : vector<16xi1>, vector<16xi32>
      %add3A_224 = arith.addi %get3A_213, %select_n3A : vector<16xi32>
      %sub3A_225 = arith.constant 2 : i32
      %sub3A_226 = vector.broadcast %sub3A_225 : i32 to vector<16xi32>
      %sub3A_227 = arith.subi %iota3A_214, %sub3A_226 : vector<16xi32>
      %max3A_228 = arith.constant 0 : i32
      %max3A_229 = vector.broadcast %max3A_228 : i32 to vector<16xi32>
      %max3A_230 = arith.maxsi %sub3A_227, %max3A_229 : vector<16xi32>
      %reshape3A_231 = vector.shape_cast %max3A_230 : vector<16xi32> to vector<16x1xi32>
      %gather3A_232 = vector.shape_cast %reshape3A_231 : vector<16x1xi32> to vector<16xi32>
      %gather3A_233 = tpu.dynamic_gather %add3A_224[%gather3A_232] in [0] : vector<16xi32>, vector<16xi32> -> vector<16xi32>
      %ge3A_234 = arith.constant 2 : i32
      %ge3A_235 = vector.broadcast %ge3A_234 : i32 to vector<16xi32>
      %ge3A_236 = arith.cmpi sge, %iota3A_214, %ge3A_235 : vector<16xi32>
      %jit3A_237 = arith.constant 0 : i32
      %broadcast_in_dim3A_238 = vector.broadcast %jit3A_237 : i32 to vector<16xi32>
      %select_n3A_239 = arith.select %ge3A_236, %gather3A_233, %broadcast_in_dim3A_238 : vector<16xi1>, vector<16xi32>
      %add3A_240 = arith.addi %add3A_224, %select_n3A_239 : vector<16xi32>
      %sub3A_241 = arith.constant 4 : i32
      %sub3A_242 = vector.broadcast %sub3A_241 : i32 to vector<16xi32>
      %sub3A_243 = arith.subi %iota3A_214, %sub3A_242 : vector<16xi32>
      %max3A_244 = arith.constant 0 : i32
      %max3A_245 = vector.broadcast %max3A_244 : i32 to vector<16xi32>
      %max3A_246 = arith.maxsi %sub3A_243, %max3A_245 : vector<16xi32>
      %reshape3A_247 = vector.shape_cast %max3A_246 : vector<16xi32> to vector<16x1xi32>
      %gather3A_248 = vector.shape_cast %reshape3A_247 : vector<16x1xi32> to vector<16xi32>
      %gather3A_249 = tpu.dynamic_gather %add3A_240[%gather3A_248] in [0] : vector<16xi32>, vector<16xi32> -> vector<16xi32>
      %ge3A_250 = arith.constant 4 : i32
      %ge3A_251 = vector.broadcast %ge3A_250 : i32 to vector<16xi32>
      %ge3A_252 = arith.cmpi sge, %iota3A_214, %ge3A_251 : vector<16xi32>
      %jit3A_253 = arith.constant 0 : i32
      %broadcast_in_dim3A_254 = vector.broadcast %jit3A_253 : i32 to vector<16xi32>
      %select_n3A_255 = arith.select %ge3A_252, %gather3A_249, %broadcast_in_dim3A_254 : vector<16xi1>, vector<16xi32>
      %add3A_256 = arith.addi %add3A_240, %select_n3A_255 : vector<16xi32>
      %sub3A_257 = arith.constant 8 : i32
      %sub3A_258 = vector.broadcast %sub3A_257 : i32 to vector<16xi32>
      %sub3A_259 = arith.subi %iota3A_214, %sub3A_258 : vector<16xi32>
      %max3A_260 = arith.constant 0 : i32
      %max3A_261 = vector.broadcast %max3A_260 : i32 to vector<16xi32>
      %max3A_262 = arith.maxsi %sub3A_259, %max3A_261 : vector<16xi32>
      %reshape3A_263 = vector.shape_cast %max3A_262 : vector<16xi32> to vector<16x1xi32>
      %gather3A_264 = vector.shape_cast %reshape3A_263 : vector<16x1xi32> to vector<16xi32>
      %gather3A_265 = tpu.dynamic_gather %add3A_256[%gather3A_264] in [0] : vector<16xi32>, vector<16xi32> -> vector<16xi32>
      %ge3A_266 = arith.constant 8 : i32
      %ge3A_267 = vector.broadcast %ge3A_266 : i32 to vector<16xi32>
      %ge3A_268 = arith.cmpi sge, %iota3A_214, %ge3A_267 : vector<16xi32>
      %jit3A_269 = arith.constant 0 : i32
      %broadcast_in_dim3A_270 = vector.broadcast %jit3A_269 : i32 to vector<16xi32>
      %select_n3A_271 = arith.select %ge3A_268, %gather3A_265, %broadcast_in_dim3A_270 : vector<16xi1>, vector<16xi32>
      %add3A_272 = arith.addi %add3A_256, %select_n3A_271 : vector<16xi32>
      %broadcast_in_dim3A_273 = arith.constant 15 : i32
      %broadcast_in_dim3A_274 = vector.broadcast %broadcast_in_dim3A_273 : i32 to vector<16xi32>
      %reshape3A_275 = vector.shape_cast %broadcast_in_dim3A_274 : vector<16xi32> to vector<16x1xi32>
      %gather3A_276 = vector.shape_cast %reshape3A_275 : vector<16x1xi32> to vector<16xi32>
      %gather3A_277 = tpu.dynamic_gather %add3A_272[%gather3A_276] in [0] : vector<16xi32>, vector<16xi32> -> vector<16xi32>
      %add3A_278 = arith.addi %scan3A_205, %gather3A_277 : vector<16xi32>
      %sub3A_279 = arith.subi %add3A_278, %add3A_272 : vector<16xi32>
      %add3A_280 = arith.addi %sub3A_279, %get3A_213 : vector<16xi32>
      %ge3A_281 = arith.cmpi sge, %add3A_280, %scan3A_45#2 : vector<16xi32>
      %all_reduce_population_count3A = tpu.all_reduce %ge3A_281 {dim = 0 : i64, kind = #tpu.reduction_kind<sum>} : vector<16xi1> -> vector<16xi32>
      %gt3A = arith.constant 0 : i32
      %gt3A_282 = vector.broadcast %gt3A : i32 to vector<16xi32>
      %gt3A_283 = arith.cmpi sgt, %all_reduce_population_count3A, %gt3A_282 : vector<16xi32>
      %eq3A = arith.constant 0 : i32
      %eq3A_284 = vector.broadcast %eq3A : i32 to vector<16xi32>
      %eq3A_285 = arith.cmpi eq, %scan3A_208, %eq3A_284 : vector<16xi32>
      %and3A = arith.andi %gt3A_283, %eq3A_285 : vector<16xi1>
      %sub3A_286 = arith.constant 1 : i32
      %sub3A_287 = vector.broadcast %sub3A_286 : i32 to vector<16xi32>
      %sub3A_288 = arith.subi %all_reduce_population_count3A, %sub3A_287 : vector<16xi32>
      %max3A_289 = arith.constant 0 : i32
      %max3A_290 = vector.broadcast %max3A_289 : i32 to vector<16xi32>
      %max3A_291 = arith.maxsi %sub3A_288, %max3A_290 : vector<16xi32>
      %reshape3A_292 = vector.shape_cast %max3A_291 : vector<16xi32> to vector<16x1xi32>
      %gather3A_293 = vector.shape_cast %reshape3A_292 : vector<16x1xi32> to vector<16xi32>
      %gather3A_294 = tpu.dynamic_gather %add3A_272[%gather3A_293] in [0] : vector<16xi32>, vector<16xi32> -> vector<16xi32>
      %mul3A_295 = arith.constant 16 : i32
      %mul3A_296 = arith.muli %sub3A_209, %mul3A_295 : i32
      %add3A_297 = vector.broadcast %mul3A_296 : i32 to vector<16xi32>
      %add3A_298 = arith.addi %add3A_297, %max3A_291 : vector<16xi32>
      %select_n3A_299 = arith.select %and3A, %add3A_298, %scan3A_206 : vector<16xi1>, vector<16xi32>
      %add3A_300 = arith.addi %scan3A_205, %gather3A_277 : vector<16xi32>
      %sub3A_301 = arith.subi %add3A_300, %gather3A_294 : vector<16xi32>
      %sub3A_302 = arith.subi %scan3A_45#2, %sub3A_301 : vector<16xi32>
      %select_n3A_303 = arith.select %and3A, %sub3A_302, %scan3A_207 : vector<16xi1>, vector<16xi32>
      %gt3A_304 = arith.constant 0 : i32
      %gt3A_305 = vector.broadcast %gt3A_304 : i32 to vector<16xi32>
      %gt3A_306 = arith.cmpi sgt, %all_reduce_population_count3A, %gt3A_305 : vector<16xi32>
      %jit3A_307 = arith.constant 1 : i32
      %broadcast_in_dim3A_308 = vector.broadcast %jit3A_307 : i32 to vector<16xi32>
      %select_n3A_309 = arith.select %gt3A_306, %broadcast_in_dim3A_308, %scan3A_208 : vector<16xi1>, vector<16xi32>
      %gt3A_310 = arith.constant 0 : i32
      %gt3A_311 = vector.broadcast %gt3A_310 : i32 to vector<16xi32>
      %gt3A_312 = arith.cmpi sgt, %select_n3A_309, %gt3A_311 : vector<16xi32>
      %add3A_313 = arith.addi %scan3A_205, %gather3A_277 : vector<16xi32>
      %select_n3A_314 = arith.select %gt3A_312, %scan3A_205, %add3A_313 : vector<16xi1>, vector<16xi32>
      scf.yield %select_n3A_314, %select_n3A_299, %select_n3A_303, %select_n3A_309 : vector<16xi32>, vector<16xi32>, vector<16xi32>, vector<16xi32>
    }
    %scan3A_77 = arith.constant 16 : i32
    %mul3A_78 = arith.constant 128 : i32
    %mul3A_79 = vector.broadcast %mul3A_78 : i32 to vector<16xi32>
    %mul3A_80 = arith.muli %scan3A_76#1, %mul3A_79 : vector<16xi32>
    %iota3A_81 = tpu.iota {dimensions = array<i32: 0>} : vector<16xi32>
    %broadcast_in_dim3A_82 = arith.constant 0 : i32
    %broadcast_in_dim3A_83 = vector.broadcast %broadcast_in_dim3A_82 : i32 to vector<16xi32>
    %scan3A_84 = arith.constant 0 : i32
    %scan3A_85 = arith.constant 8 : i32
    %scan3A_86 = arith.addi %scan3A_84, %scan3A_85 : i32
    %scan3A_87 = arith.constant 1 : i32
    %scan3A_88:4 = scf.for %scan3A_204 = %scan3A_84 to %scan3A_86 step %scan3A_87 iter_args(%scan3A_205 = %broadcast_in_dim3A_83, %scan3A_206 = %broadcast_in_dim3A_83, %scan3A_207 = %scan3A_76#2, %scan3A_208 = %broadcast_in_dim3A_83) -> (vector<16xi32>, vector<16xi32>, vector<16xi32>, vector<16xi32>)  : i32 {
      %sub3A = arith.constant 7 : i32
      %sub3A_209 = arith.subi %sub3A, %scan3A_204 : i32
      %mul3A_210 = arith.constant 16 : i32
      %mul3A_211 = arith.muli %sub3A_209, %mul3A_210 : i32
      %add3A_212 = vector.broadcast %mul3A_211 : i32 to vector<16xi32>
      %add3A_213 = arith.addi %mul3A_80, %add3A_212 : vector<16xi32>
      %add3A_214 = arith.addi %add3A_213, %iota3A_81 : vector<16xi32>
      %gather3A = tpu.vector_load_idx %arg8[%add3A_214] : memref<32768xi32, #tpu.memory_space<vmem>>[vector<16xi32>], vector<16xi32>,
      %iota3A_215 = tpu.iota {dimensions = array<i32: 0>} : vector<16xi32>
      %sub3A_216 = arith.constant 1 : i32
      %sub3A_217 = vector.broadcast %sub3A_216 : i32 to vector<16xi32>
      %sub3A_218 = arith.subi %iota3A_215, %sub3A_217 : vector<16xi32>
      %max3A = arith.constant 0 : i32
      %max3A_219 = vector.broadcast %max3A : i32 to vector<16xi32>
      %max3A_220 = arith.maxsi %sub3A_218, %max3A_219 : vector<16xi32>
      %reshape3A = vector.shape_cast %max3A_220 : vector<16xi32> to vector<16x1xi32>
      %gather3A_221 = vector.shape_cast %reshape3A : vector<16x1xi32> to vector<16xi32>
      %gather3A_222 = tpu.dynamic_gather %gather3A[%gather3A_221] in [0] : vector<16xi32>, vector<16xi32> -> vector<16xi32>
      %ge3A = arith.constant 1 : i32
      %ge3A_223 = vector.broadcast %ge3A : i32 to vector<16xi32>
      %ge3A_224 = arith.cmpi sge, %iota3A_215, %ge3A_223 : vector<16xi32>
      %jit3A = arith.constant 0 : i32
      %broadcast_in_dim3A_225 = vector.broadcast %jit3A : i32 to vector<16xi32>
      %select_n3A = arith.select %ge3A_224, %gather3A_222, %broadcast_in_dim3A_225 : vector<16xi1>, vector<16xi32>
      %add3A_226 = arith.addi %gather3A, %select_n3A : vector<16xi32>
      %sub3A_227 = arith.constant 2 : i32
      %sub3A_228 = vector.broadcast %sub3A_227 : i32 to vector<16xi32>
      %sub3A_229 = arith.subi %iota3A_215, %sub3A_228 : vector<16xi32>
      %max3A_230 = arith.constant 0 : i32
      %max3A_231 = vector.broadcast %max3A_230 : i32 to vector<16xi32>
      %max3A_232 = arith.maxsi %sub3A_229, %max3A_231 : vector<16xi32>
      %reshape3A_233 = vector.shape_cast %max3A_232 : vector<16xi32> to vector<16x1xi32>
      %gather3A_234 = vector.shape_cast %reshape3A_233 : vector<16x1xi32> to vector<16xi32>
      %gather3A_235 = tpu.dynamic_gather %add3A_226[%gather3A_234] in [0] : vector<16xi32>, vector<16xi32> -> vector<16xi32>
      %ge3A_236 = arith.constant 2 : i32
      %ge3A_237 = vector.broadcast %ge3A_236 : i32 to vector<16xi32>
      %ge3A_238 = arith.cmpi sge, %iota3A_215, %ge3A_237 : vector<16xi32>
      %jit3A_239 = arith.constant 0 : i32
      %broadcast_in_dim3A_240 = vector.broadcast %jit3A_239 : i32 to vector<16xi32>
      %select_n3A_241 = arith.select %ge3A_238, %gather3A_235, %broadcast_in_dim3A_240 : vector<16xi1>, vector<16xi32>
      %add3A_242 = arith.addi %add3A_226, %select_n3A_241 : vector<16xi32>
      %sub3A_243 = arith.constant 4 : i32
      %sub3A_244 = vector.broadcast %sub3A_243 : i32 to vector<16xi32>
      %sub3A_245 = arith.subi %iota3A_215, %sub3A_244 : vector<16xi32>
      %max3A_246 = arith.constant 0 : i32
      %max3A_247 = vector.broadcast %max3A_246 : i32 to vector<16xi32>
      %max3A_248 = arith.maxsi %sub3A_245, %max3A_247 : vector<16xi32>
      %reshape3A_249 = vector.shape_cast %max3A_248 : vector<16xi32> to vector<16x1xi32>
      %gather3A_250 = vector.shape_cast %reshape3A_249 : vector<16x1xi32> to vector<16xi32>
      %gather3A_251 = tpu.dynamic_gather %add3A_242[%gather3A_250] in [0] : vector<16xi32>, vector<16xi32> -> vector<16xi32>
      %ge3A_252 = arith.constant 4 : i32
      %ge3A_253 = vector.broadcast %ge3A_252 : i32 to vector<16xi32>
      %ge3A_254 = arith.cmpi sge, %iota3A_215, %ge3A_253 : vector<16xi32>
      %jit3A_255 = arith.constant 0 : i32
      %broadcast_in_dim3A_256 = vector.broadcast %jit3A_255 : i32 to vector<16xi32>
      %select_n3A_257 = arith.select %ge3A_254, %gather3A_251, %broadcast_in_dim3A_256 : vector<16xi1>, vector<16xi32>
      %add3A_258 = arith.addi %add3A_242, %select_n3A_257 : vector<16xi32>
      %sub3A_259 = arith.constant 8 : i32
      %sub3A_260 = vector.broadcast %sub3A_259 : i32 to vector<16xi32>
      %sub3A_261 = arith.subi %iota3A_215, %sub3A_260 : vector<16xi32>
      %max3A_262 = arith.constant 0 : i32
      %max3A_263 = vector.broadcast %max3A_262 : i32 to vector<16xi32>
      %max3A_264 = arith.maxsi %sub3A_261, %max3A_263 : vector<16xi32>
      %reshape3A_265 = vector.shape_cast %max3A_264 : vector<16xi32> to vector<16x1xi32>
      %gather3A_266 = vector.shape_cast %reshape3A_265 : vector<16x1xi32> to vector<16xi32>
      %gather3A_267 = tpu.dynamic_gather %add3A_258[%gather3A_266] in [0] : vector<16xi32>, vector<16xi32> -> vector<16xi32>
      %ge3A_268 = arith.constant 8 : i32
      %ge3A_269 = vector.broadcast %ge3A_268 : i32 to vector<16xi32>
      %ge3A_270 = arith.cmpi sge, %iota3A_215, %ge3A_269 : vector<16xi32>
      %jit3A_271 = arith.constant 0 : i32
      %broadcast_in_dim3A_272 = vector.broadcast %jit3A_271 : i32 to vector<16xi32>
      %select_n3A_273 = arith.select %ge3A_270, %gather3A_267, %broadcast_in_dim3A_272 : vector<16xi1>, vector<16xi32>
      %add3A_274 = arith.addi %add3A_258, %select_n3A_273 : vector<16xi32>
      %broadcast_in_dim3A_275 = arith.constant 15 : i32
      %broadcast_in_dim3A_276 = vector.broadcast %broadcast_in_dim3A_275 : i32 to vector<16xi32>
      %reshape3A_277 = vector.shape_cast %broadcast_in_dim3A_276 : vector<16xi32> to vector<16x1xi32>
      %gather3A_278 = vector.shape_cast %reshape3A_277 : vector<16x1xi32> to vector<16xi32>
      %gather3A_279 = tpu.dynamic_gather %add3A_274[%gather3A_278] in [0] : vector<16xi32>, vector<16xi32> -> vector<16xi32>
      %add3A_280 = arith.addi %scan3A_205, %gather3A_279 : vector<16xi32>
      %sub3A_281 = arith.subi %add3A_280, %add3A_274 : vector<16xi32>
      %add3A_282 = arith.addi %sub3A_281, %gather3A : vector<16xi32>
      %ge3A_283 = arith.cmpi sge, %add3A_282, %scan3A_76#2 : vector<16xi32>
      %all_reduce_population_count3A = tpu.all_reduce %ge3A_283 {dim = 0 : i64, kind = #tpu.reduction_kind<sum>} : vector<16xi1> -> vector<16xi32>
      %gt3A = arith.constant 0 : i32
      %gt3A_284 = vector.broadcast %gt3A : i32 to vector<16xi32>
      %gt3A_285 = arith.cmpi sgt, %all_reduce_population_count3A, %gt3A_284 : vector<16xi32>
      %eq3A = arith.constant 0 : i32
      %eq3A_286 = vector.broadcast %eq3A : i32 to vector<16xi32>
      %eq3A_287 = arith.cmpi eq, %scan3A_208, %eq3A_286 : vector<16xi32>
      %and3A = arith.andi %gt3A_285, %eq3A_287 : vector<16xi1>
      %sub3A_288 = arith.constant 1 : i32
      %sub3A_289 = vector.broadcast %sub3A_288 : i32 to vector<16xi32>
      %sub3A_290 = arith.subi %all_reduce_population_count3A, %sub3A_289 : vector<16xi32>
      %max3A_291 = arith.constant 0 : i32
      %max3A_292 = vector.broadcast %max3A_291 : i32 to vector<16xi32>
      %max3A_293 = arith.maxsi %sub3A_290, %max3A_292 : vector<16xi32>
      %reshape3A_294 = vector.shape_cast %max3A_293 : vector<16xi32> to vector<16x1xi32>
      %gather3A_295 = vector.shape_cast %reshape3A_294 : vector<16x1xi32> to vector<16xi32>
      %gather3A_296 = tpu.dynamic_gather %add3A_274[%gather3A_295] in [0] : vector<16xi32>, vector<16xi32> -> vector<16xi32>
      %mul3A_297 = arith.constant 16 : i32
      %mul3A_298 = arith.muli %sub3A_209, %mul3A_297 : i32
      %add3A_299 = vector.broadcast %mul3A_298 : i32 to vector<16xi32>
      %add3A_300 = arith.addi %add3A_299, %max3A_293 : vector<16xi32>
      %select_n3A_301 = arith.select %and3A, %add3A_300, %scan3A_206 : vector<16xi1>, vector<16xi32>
      %add3A_302 = arith.addi %scan3A_205, %gather3A_279 : vector<16xi32>
      %sub3A_303 = arith.subi %add3A_302, %gather3A_296 : vector<16xi32>
      %sub3A_304 = arith.subi %scan3A_76#2, %sub3A_303 : vector<16xi32>
      %select_n3A_305 = arith.select %and3A, %sub3A_304, %scan3A_207 : vector<16xi1>, vector<16xi32>
      %gt3A_306 = arith.constant 0 : i32
      %gt3A_307 = vector.broadcast %gt3A_306 : i32 to vector<16xi32>
      %gt3A_308 = arith.cmpi sgt, %all_reduce_population_count3A, %gt3A_307 : vector<16xi32>
      %jit3A_309 = arith.constant 1 : i32
      %broadcast_in_dim3A_310 = vector.broadcast %jit3A_309 : i32 to vector<16xi32>
      %select_n3A_311 = arith.select %gt3A_308, %broadcast_in_dim3A_310, %scan3A_208 : vector<16xi1>, vector<16xi32>
      %gt3A_312 = arith.constant 0 : i32
      %gt3A_313 = vector.broadcast %gt3A_312 : i32 to vector<16xi32>
      %gt3A_314 = arith.cmpi sgt, %select_n3A_311, %gt3A_313 : vector<16xi32>
      %add3A_315 = arith.addi %scan3A_205, %gather3A_279 : vector<16xi32>
      %select_n3A_316 = arith.select %gt3A_314, %scan3A_205, %add3A_315 : vector<16xi1>, vector<16xi32>
      scf.yield %select_n3A_316, %select_n3A_301, %select_n3A_305, %select_n3A_311 : vector<16xi32>, vector<16xi32>, vector<16xi32>, vector<16xi32>
    }
    %scan3A_89 = arith.constant 8 : i32
    %mul3A_90 = arith.constant 128 : i32
    %mul3A_91 = vector.broadcast %mul3A_90 : i32 to vector<16xi32>
    %mul3A_92 = arith.muli %scan3A_76#1, %mul3A_91 : vector<16xi32>
    %add3A_93 = arith.addi %mul3A_92, %scan3A_88#1 : vector<16xi32>
    %broadcast_in_dim3A_94 = arith.constant 0 : i32
    %broadcast_in_dim3A_95 = vector.broadcast %broadcast_in_dim3A_94 : i32 to vector<16xi32>
    %parallel_loop3A_96 = arith.constant 0 : i32
    %parallel_loop3A_97 = arith.constant 256 : i32
    %parallel_loop3A_98 = arith.constant 16 : i32
    scf.for %parallel_loop3A_204 = %parallel_loop3A_96 to %parallel_loop3A_97 step %parallel_loop3A_98  : i32 {
      %parallel_loop3A_205 = arith.index_cast %parallel_loop3A_204 : i32 to index
      %parallel_loop3A_206 = tpu.vector_load %arg7[%parallel_loop3A_205] {strides = array<i32>} : memref<65280xi32, #tpu.memory_space<vmem>>, vector<16xi32>,
      tpu.vector_store %arg7[%parallel_loop3A_205], %broadcast_in_dim3A_95 {strides = array<i32>} : memref<65280xi32, #tpu.memory_space<vmem>>, vector<16xi32>,
    } {sc.loop_unroll_factor = 8 : i64, sc.parallel_access}
    %mul3A_99 = arith.constant 32768 : i32
    %mul3A_100 = vector.broadcast %mul3A_99 : i32 to vector<16xi32>
    %mul3A_101 = arith.muli %add3A_50, %mul3A_100 : vector<16xi32>
    %add3A_102 = arith.addi %mul3A_101, %add3A_93 : vector<16xi32>
    %broadcast_in_dim3A_103 = arith.constant 0 : i32
    %broadcast_in_dim3A_104 = vector.broadcast %broadcast_in_dim3A_103 : i32 to vector<16xi32>
    %parallel_loop3A_105 = arith.constant 0 : i32
    %parallel_loop3A_106 = arith.constant 32768 : i32
    %parallel_loop3A_107 = arith.constant 16 : i32
    scf.for %parallel_loop3A_204 = %parallel_loop3A_105 to %parallel_loop3A_106 step %parallel_loop3A_107  : i32 {
      %parallel_loop3A_205 = arith.index_cast %parallel_loop3A_204 : i32 to index
      %parallel_loop3A_206 = tpu.vector_load %arg6[%parallel_loop3A_205] {strides = array<i32>} : memref<32768xf32, #tpu.memory_space<vmem>>, vector<16xf32>,
      %parallel_loop3A_207 = vector.bitcast %parallel_loop3A_206 : vector<16xf32> to vector<16xi32>
      %parallel_loop3A_208 = arith.constant 2147483647 : i32
      %parallel_loop3A_209 = vector.broadcast %parallel_loop3A_208 : i32 to vector<16xi32>
      %parallel_loop3A_210 = arith.andi %parallel_loop3A_207, %parallel_loop3A_209 : vector<16xi32>
      %parallel_loop3A_211 = arith.cmpi sge, %parallel_loop3A_210, %add3A_102 : vector<16xi32>
      %parallel_loop3A_212 = arith.constant 0.000000e+00 : f32
      %parallel_loop3A_213 = vector.broadcast %parallel_loop3A_212 : f32 to vector<16xf32>
      %parallel_loop3A_214 = arith.select %parallel_loop3A_211, %parallel_loop3A_206, %parallel_loop3A_213 : vector<16xi1>, vector<16xf32>
      %parallel_loop3A_215 = arith.index_cast %parallel_loop3A_204 : i32 to index
      %parallel_loop3A_216 = tpu.vector_load %arg6[%parallel_loop3A_215] {strides = array<i32>} : memref<32768xf32, #tpu.memory_space<vmem>>, vector<16xf32>,
      tpu.vector_store %arg6[%parallel_loop3A_215], %parallel_loop3A_214 {strides = array<i32>} : memref<32768xf32, #tpu.memory_space<vmem>>, vector<16xf32>,
      %parallel_loop3A_217 = arith.constant 32767 : i32
      %parallel_loop3A_218 = vector.broadcast %parallel_loop3A_217 : i32 to vector<16xi32>
      %parallel_loop3A_219 = arith.andi %parallel_loop3A_210, %parallel_loop3A_218 : vector<16xi32>
      tpu.vector_store_idx %arg8[%parallel_loop3A_219], %broadcast_in_dim3A_104 : memref<32768xi32, #tpu.memory_space<vmem>>[vector<16xi32>], vector<16xi32>,
    } {sc.loop_unroll_factor = 8 : i64, sc.parallel_access}
    "tpu.region"() ({
      %run_scoped3A = tpu.sem_alloc : memref<!tpu.dma_semaphore, #tpu.memory_space<semaphore_mem>>
      %dma_start3A_204 = arith.constant 0 : i32
      %dma_start3A_205 = tpu.memref_slice %arg5[%add3A_23, %dma_start3A_204] : memref<64x32768xf32, #tpu.memory_space<hbm>> -> memref<1x32768xf32, #tpu.memory_space<hbm>>
      %dma_start3A_206 = tpu.memref_squeeze %dma_start3A_205 : memref<1x32768xf32, #tpu.memory_space<hbm>> -> memref<32768xf32, #tpu.memory_space<hbm>>
      %dma_start3A_207 = arith.constant 0 : i32
      %dma_start3A_208 = tpu.memref_slice %arg5[%add3A_23, %dma_start3A_207] : memref<64x32768xf32, #tpu.memory_space<hbm>> -> memref<1x32768xf32, #tpu.memory_space<hbm>>
      %dma_start3A_209 = tpu.memref_squeeze %dma_start3A_208 : memref<1x32768xf32, #tpu.memory_space<hbm>> -> memref<32768xf32, #tpu.memory_space<hbm>>
      tpu.enqueue_dma source(%arg6 : memref<32768xf32, #tpu.memory_space<vmem>>) target(%dma_start3A_209 : memref<32768xf32, #tpu.memory_space<hbm>>) target_semaphore(%run_scoped3A : memref<!tpu.dma_semaphore, #tpu.memory_space<semaphore_mem>>)
      %dma_wait3A_210 = arith.constant 0 : i32
      %dma_wait3A_211 = tpu.memref_slice %arg5[%add3A_23, %dma_wait3A_210] : memref<64x32768xf32, #tpu.memory_space<hbm>> -> memref<1x32768xf32, #tpu.memory_space<hbm>>
      %dma_wait3A_212 = tpu.memref_squeeze %dma_wait3A_211 : memref<1x32768xf32, #tpu.memory_space<hbm>> -> memref<32768xf32, #tpu.memory_space<hbm>>
      %dma_wait3A_213 = arith.constant 0 : i32
      %dma_wait3A_214 = tpu.memref_slice %arg5[%add3A_23, %dma_wait3A_213] : memref<64x32768xf32, #tpu.memory_space<hbm>> -> memref<1x32768xf32, #tpu.memory_space<hbm>>
      %dma_wait3A_215 = tpu.memref_squeeze %dma_wait3A_214 : memref<1x32768xf32, #tpu.memory_space<hbm>> -> memref<32768xf32, #tpu.memory_space<hbm>>
      tpu.wait_dma2 semaphore(%run_scoped3A : memref<!tpu.dma_semaphore, #tpu.memory_space<semaphore_mem>>) src(%arg6 : memref<32768xf32, #tpu.memory_space<vmem>>) dst(%dma_wait3A_215 : memref<32768xf32, #tpu.memory_space<hbm>>)
      tpu.yield
    }) : () -> ()
    %dma_wait3A_108 = arith.constant 256 : i32
    %dma_wait3A_109 = tpu.memref_slice %arg7[%dma_wait3A_108] : memref<65280xi32, #tpu.memory_space<vmem>> -> memref<65024xi32, #tpu.memory_space<vmem>>
    %dma_wait3A_110 = arith.constant 256 : i32
    %dma_wait3A_111 = tpu.memref_slice %arg7[%dma_wait3A_110] : memref<65280xi32, #tpu.memory_space<vmem>> -> memref<65024xi32, #tpu.memory_space<vmem>>
    tpu.wait_dma2 semaphore(%arg11 : memref<!tpu.dma_semaphore, #tpu.memory_space<semaphore_mem>>) src(%arg4 : memref<65024xi32, #tpu.memory_space<hbm>>) dst(%dma_wait3A_111 : memref<65024xi32, #tpu.memory_space<vmem>>)
    %add3A_112 = arith.constant 1 : i32
    %add3A_113 = arith.addi %mul3A_2, %add3A_112 : i32
    "tpu.region"() ({
      %run_scoped3A = tpu.sem_alloc : memref<!tpu.dma_semaphore, #tpu.memory_space<semaphore_mem>>
      %dma_start3A_204 = arith.constant 0 : i32
      %dma_start3A_205 = tpu.memref_slice %arg2[%add3A_113, %dma_start3A_204] : memref<64x32768xf32, #tpu.memory_space<hbm>> -> memref<1x32768xf32, #tpu.memory_space<hbm>>
      %dma_start3A_206 = tpu.memref_squeeze %dma_start3A_205 : memref<1x32768xf32, #tpu.memory_space<hbm>> -> memref<32768xf32, #tpu.memory_space<hbm>>
      %dma_start3A_207 = arith.constant 0 : i32
      %dma_start3A_208 = tpu.memref_slice %arg2[%add3A_113, %dma_start3A_207] : memref<64x32768xf32, #tpu.memory_space<hbm>> -> memref<1x32768xf32, #tpu.memory_space<hbm>>
      %dma_start3A_209 = tpu.memref_squeeze %dma_start3A_208 : memref<1x32768xf32, #tpu.memory_space<hbm>> -> memref<32768xf32, #tpu.memory_space<hbm>>
      tpu.enqueue_dma source(%dma_start3A_209 : memref<32768xf32, #tpu.memory_space<hbm>>) target(%arg6 : memref<32768xf32, #tpu.memory_space<vmem>>) target_semaphore(%run_scoped3A : memref<!tpu.dma_semaphore, #tpu.memory_space<semaphore_mem>>)
      %dma_wait3A_210 = arith.constant 0 : i32
      %dma_wait3A_211 = tpu.memref_slice %arg2[%add3A_113, %dma_wait3A_210] : memref<64x32768xf32, #tpu.memory_space<hbm>> -> memref<1x32768xf32, #tpu.memory_space<hbm>>
      %dma_wait3A_212 = tpu.memref_squeeze %dma_wait3A_211 : memref<1x32768xf32, #tpu.memory_space<hbm>> -> memref<32768xf32, #tpu.memory_space<hbm>>
      %dma_wait3A_213 = arith.constant 0 : i32
      %dma_wait3A_214 = tpu.memref_slice %arg2[%add3A_113, %dma_wait3A_213] : memref<64x32768xf32, #tpu.memory_space<hbm>> -> memref<1x32768xf32, #tpu.memory_space<hbm>>
      %dma_wait3A_215 = tpu.memref_squeeze %dma_wait3A_214 : memref<1x32768xf32, #tpu.memory_space<hbm>> -> memref<32768xf32, #tpu.memory_space<hbm>>
      tpu.wait_dma2 semaphore(%run_scoped3A : memref<!tpu.dma_semaphore, #tpu.memory_space<semaphore_mem>>) src(%dma_wait3A_215 : memref<32768xf32, #tpu.memory_space<hbm>>) dst(%arg6 : memref<32768xf32, #tpu.memory_space<vmem>>)
      tpu.yield
    }) : () -> ()
    %broadcast_in_dim3A_114 = arith.constant 1 : i32
    %broadcast_in_dim3A_115 = vector.broadcast %broadcast_in_dim3A_114 : i32 to vector<16xi32>
    %parallel_loop3A_116 = arith.constant 0 : i32
    %parallel_loop3A_117 = arith.constant 32768 : i32
    %parallel_loop3A_118 = arith.constant 16 : i32
    scf.for %parallel_loop3A_204 = %parallel_loop3A_116 to %parallel_loop3A_117 step %parallel_loop3A_118  : i32 {
      %parallel_loop3A_205 = arith.index_cast %parallel_loop3A_204 : i32 to index
      %parallel_loop3A_206 = tpu.vector_load %arg6[%parallel_loop3A_205] {strides = array<i32>} : memref<32768xf32, #tpu.memory_space<vmem>>, vector<16xf32>,
      %parallel_loop3A_207 = vector.bitcast %parallel_loop3A_206 : vector<16xf32> to vector<16xi32>
      %parallel_loop3A_208 = arith.constant 2147483647 : i32
      %parallel_loop3A_209 = vector.broadcast %parallel_loop3A_208 : i32 to vector<16xi32>
      %parallel_loop3A_210 = arith.andi %parallel_loop3A_207, %parallel_loop3A_209 : vector<16xi32>
      %parallel_loop3A_211 = arith.constant 15 : i32
      %parallel_loop3A_212 = vector.broadcast %parallel_loop3A_211 : i32 to vector<16xi32>
      %parallel_loop3A_213 = arith.shrui %parallel_loop3A_210, %parallel_loop3A_212 : vector<16xi32>
      tpu.vector_store_idx %arg7[%parallel_loop3A_213], %broadcast_in_dim3A_115 {add = true} : memref<65280xi32, #tpu.memory_space<vmem>>[vector<16xi32>], vector<16xi32>,
      %parallel_loop3A_214 = arith.constant 23 : i32
      %parallel_loop3A_215 = vector.broadcast %parallel_loop3A_214 : i32 to vector<16xi32>
      %parallel_loop3A_216 = arith.shrui %parallel_loop3A_210, %parallel_loop3A_215 : vector<16xi32>
      tpu.vector_store_idx %arg8[%parallel_loop3A_216], %broadcast_in_dim3A_115 {add = true} : memref<32768xi32, #tpu.memory_space<vmem>>[vector<16xi32>], vector<16xi32>,
    } {sc.loop_unroll_factor = 8 : i64, sc.parallel_access}
    %broadcast_in_dim3A_119 = arith.constant 0 : i32
    %broadcast_in_dim3A_120 = vector.broadcast %broadcast_in_dim3A_119 : i32 to vector<16xi32>
    %scan3A_121 = arith.constant 0 : i32
    %scan3A_122 = arith.constant 16 : i32
    %scan3A_123 = arith.addi %scan3A_121, %scan3A_122 : i32
    %scan3A_124 = arith.constant 1 : i32
    %scan3A_125:4 = scf.for %scan3A_204 = %scan3A_121 to %scan3A_123 step %scan3A_124 iter_args(%scan3A_205 = %broadcast_in_dim3A_120, %scan3A_206 = %broadcast_in_dim3A_120, %scan3A_207 = %get3A_8, %scan3A_208 = %broadcast_in_dim3A_120) -> (vector<16xi32>, vector<16xi32>, vector<16xi32>, vector<16xi32>)  : i32 {
      %sub3A = arith.constant 15 : i32
      %sub3A_209 = arith.subi %sub3A, %scan3A_204 : i32
      %mul3A_210 = arith.constant 16 : i32
      %mul3A_211 = arith.muli %sub3A_209, %mul3A_210 : i32
      %get3A_212 = arith.index_cast %mul3A_211 : i32 to index
      %get3A_213 = tpu.vector_load %arg8[%get3A_212] {strides = array<i32>} : memref<32768xi32, #tpu.memory_space<vmem>>, vector<16xi32>,
      %iota3A_214 = tpu.iota {dimensions = array<i32: 0>} : vector<16xi32>
      %sub3A_215 = arith.constant 1 : i32
      %sub3A_216 = vector.broadcast %sub3A_215 : i32 to vector<16xi32>
      %sub3A_217 = arith.subi %iota3A_214, %sub3A_216 : vector<16xi32>
      %max3A = arith.constant 0 : i32
      %max3A_218 = vector.broadcast %max3A : i32 to vector<16xi32>
      %max3A_219 = arith.maxsi %sub3A_217, %max3A_218 : vector<16xi32>
      %reshape3A = vector.shape_cast %max3A_219 : vector<16xi32> to vector<16x1xi32>
      %gather3A = vector.shape_cast %reshape3A : vector<16x1xi32> to vector<16xi32>
      %gather3A_220 = tpu.dynamic_gather %get3A_213[%gather3A] in [0] : vector<16xi32>, vector<16xi32> -> vector<16xi32>
      %ge3A = arith.constant 1 : i32
      %ge3A_221 = vector.broadcast %ge3A : i32 to vector<16xi32>
      %ge3A_222 = arith.cmpi sge, %iota3A_214, %ge3A_221 : vector<16xi32>
      %jit3A = arith.constant 0 : i32
      %broadcast_in_dim3A_223 = vector.broadcast %jit3A : i32 to vector<16xi32>
      %select_n3A = arith.select %ge3A_222, %gather3A_220, %broadcast_in_dim3A_223 : vector<16xi1>, vector<16xi32>
      %add3A_224 = arith.addi %get3A_213, %select_n3A : vector<16xi32>
      %sub3A_225 = arith.constant 2 : i32
      %sub3A_226 = vector.broadcast %sub3A_225 : i32 to vector<16xi32>
      %sub3A_227 = arith.subi %iota3A_214, %sub3A_226 : vector<16xi32>
      %max3A_228 = arith.constant 0 : i32
      %max3A_229 = vector.broadcast %max3A_228 : i32 to vector<16xi32>
      %max3A_230 = arith.maxsi %sub3A_227, %max3A_229 : vector<16xi32>
      %reshape3A_231 = vector.shape_cast %max3A_230 : vector<16xi32> to vector<16x1xi32>
      %gather3A_232 = vector.shape_cast %reshape3A_231 : vector<16x1xi32> to vector<16xi32>
      %gather3A_233 = tpu.dynamic_gather %add3A_224[%gather3A_232] in [0] : vector<16xi32>, vector<16xi32> -> vector<16xi32>
      %ge3A_234 = arith.constant 2 : i32
      %ge3A_235 = vector.broadcast %ge3A_234 : i32 to vector<16xi32>
      %ge3A_236 = arith.cmpi sge, %iota3A_214, %ge3A_235 : vector<16xi32>
      %jit3A_237 = arith.constant 0 : i32
      %broadcast_in_dim3A_238 = vector.broadcast %jit3A_237 : i32 to vector<16xi32>
      %select_n3A_239 = arith.select %ge3A_236, %gather3A_233, %broadcast_in_dim3A_238 : vector<16xi1>, vector<16xi32>
      %add3A_240 = arith.addi %add3A_224, %select_n3A_239 : vector<16xi32>
      %sub3A_241 = arith.constant 4 : i32
      %sub3A_242 = vector.broadcast %sub3A_241 : i32 to vector<16xi32>
      %sub3A_243 = arith.subi %iota3A_214, %sub3A_242 : vector<16xi32>
      %max3A_244 = arith.constant 0 : i32
      %max3A_245 = vector.broadcast %max3A_244 : i32 to vector<16xi32>
      %max3A_246 = arith.maxsi %sub3A_243, %max3A_245 : vector<16xi32>
      %reshape3A_247 = vector.shape_cast %max3A_246 : vector<16xi32> to vector<16x1xi32>
      %gather3A_248 = vector.shape_cast %reshape3A_247 : vector<16x1xi32> to vector<16xi32>
      %gather3A_249 = tpu.dynamic_gather %add3A_240[%gather3A_248] in [0] : vector<16xi32>, vector<16xi32> -> vector<16xi32>
      %ge3A_250 = arith.constant 4 : i32
      %ge3A_251 = vector.broadcast %ge3A_250 : i32 to vector<16xi32>
      %ge3A_252 = arith.cmpi sge, %iota3A_214, %ge3A_251 : vector<16xi32>
      %jit3A_253 = arith.constant 0 : i32
      %broadcast_in_dim3A_254 = vector.broadcast %jit3A_253 : i32 to vector<16xi32>
      %select_n3A_255 = arith.select %ge3A_252, %gather3A_249, %broadcast_in_dim3A_254 : vector<16xi1>, vector<16xi32>
      %add3A_256 = arith.addi %add3A_240, %select_n3A_255 : vector<16xi32>
      %sub3A_257 = arith.constant 8 : i32
      %sub3A_258 = vector.broadcast %sub3A_257 : i32 to vector<16xi32>
      %sub3A_259 = arith.subi %iota3A_214, %sub3A_258 : vector<16xi32>
      %max3A_260 = arith.constant 0 : i32
      %max3A_261 = vector.broadcast %max3A_260 : i32 to vector<16xi32>
      %max3A_262 = arith.maxsi %sub3A_259, %max3A_261 : vector<16xi32>
      %reshape3A_263 = vector.shape_cast %max3A_262 : vector<16xi32> to vector<16x1xi32>
      %gather3A_264 = vector.shape_cast %reshape3A_263 : vector<16x1xi32> to vector<16xi32>
      %gather3A_265 = tpu.dynamic_gather %add3A_256[%gather3A_264] in [0] : vector<16xi32>, vector<16xi32> -> vector<16xi32>
      %ge3A_266 = arith.constant 8 : i32
      %ge3A_267 = vector.broadcast %ge3A_266 : i32 to vector<16xi32>
      %ge3A_268 = arith.cmpi sge, %iota3A_214, %ge3A_267 : vector<16xi32>
      %jit3A_269 = arith.constant 0 : i32
      %broadcast_in_dim3A_270 = vector.broadcast %jit3A_269 : i32 to vector<16xi32>
      %select_n3A_271 = arith.select %ge3A_268, %gather3A_265, %broadcast_in_dim3A_270 : vector<16xi1>, vector<16xi32>
      %add3A_272 = arith.addi %add3A_256, %select_n3A_271 : vector<16xi32>
      %broadcast_in_dim3A_273 = arith.constant 15 : i32
      %broadcast_in_dim3A_274 = vector.broadcast %broadcast_in_dim3A_273 : i32 to vector<16xi32>
      %reshape3A_275 = vector.shape_cast %broadcast_in_dim3A_274 : vector<16xi32> to vector<16x1xi32>
      %gather3A_276 = vector.shape_cast %reshape3A_275 : vector<16x1xi32> to vector<16xi32>
      %gather3A_277 = tpu.dynamic_gather %add3A_272[%gather3A_276] in [0] : vector<16xi32>, vector<16xi32> -> vector<16xi32>
      %add3A_278 = arith.addi %scan3A_205, %gather3A_277 : vector<16xi32>
      %sub3A_279 = arith.subi %add3A_278, %add3A_272 : vector<16xi32>
      %add3A_280 = arith.addi %sub3A_279, %get3A_213 : vector<16xi32>
      %ge3A_281 = arith.cmpi sge, %add3A_280, %get3A_8 : vector<16xi32>
      %all_reduce_population_count3A = tpu.all_reduce %ge3A_281 {dim = 0 : i64, kind = #tpu.reduction_kind<sum>} : vector<16xi1> -> vector<16xi32>
      %gt3A = arith.constant 0 : i32
      %gt3A_282 = vector.broadcast %gt3A : i32 to vector<16xi32>
      %gt3A_283 = arith.cmpi sgt, %all_reduce_population_count3A, %gt3A_282 : vector<16xi32>
      %eq3A = arith.constant 0 : i32
      %eq3A_284 = vector.broadcast %eq3A : i32 to vector<16xi32>
      %eq3A_285 = arith.cmpi eq, %scan3A_208, %eq3A_284 : vector<16xi32>
      %and3A = arith.andi %gt3A_283, %eq3A_285 : vector<16xi1>
      %sub3A_286 = arith.constant 1 : i32
      %sub3A_287 = vector.broadcast %sub3A_286 : i32 to vector<16xi32>
      %sub3A_288 = arith.subi %all_reduce_population_count3A, %sub3A_287 : vector<16xi32>
      %max3A_289 = arith.constant 0 : i32
      %max3A_290 = vector.broadcast %max3A_289 : i32 to vector<16xi32>
      %max3A_291 = arith.maxsi %sub3A_288, %max3A_290 : vector<16xi32>
      %reshape3A_292 = vector.shape_cast %max3A_291 : vector<16xi32> to vector<16x1xi32>
      %gather3A_293 = vector.shape_cast %reshape3A_292 : vector<16x1xi32> to vector<16xi32>
      %gather3A_294 = tpu.dynamic_gather %add3A_272[%gather3A_293] in [0] : vector<16xi32>, vector<16xi32> -> vector<16xi32>
      %mul3A_295 = arith.constant 16 : i32
      %mul3A_296 = arith.muli %sub3A_209, %mul3A_295 : i32
      %add3A_297 = vector.broadcast %mul3A_296 : i32 to vector<16xi32>
      %add3A_298 = arith.addi %add3A_297, %max3A_291 : vector<16xi32>
      %select_n3A_299 = arith.select %and3A, %add3A_298, %scan3A_206 : vector<16xi1>, vector<16xi32>
      %add3A_300 = arith.addi %scan3A_205, %gather3A_277 : vector<16xi32>
      %sub3A_301 = arith.subi %add3A_300, %gather3A_294 : vector<16xi32>
      %sub3A_302 = arith.subi %get3A_8, %sub3A_301 : vector<16xi32>
      %select_n3A_303 = arith.select %and3A, %sub3A_302, %scan3A_207 : vector<16xi1>, vector<16xi32>
      %gt3A_304 = arith.constant 0 : i32
      %gt3A_305 = vector.broadcast %gt3A_304 : i32 to vector<16xi32>
      %gt3A_306 = arith.cmpi sgt, %all_reduce_population_count3A, %gt3A_305 : vector<16xi32>
      %jit3A_307 = arith.constant 1 : i32
      %broadcast_in_dim3A_308 = vector.broadcast %jit3A_307 : i32 to vector<16xi32>
      %select_n3A_309 = arith.select %gt3A_306, %broadcast_in_dim3A_308, %scan3A_208 : vector<16xi1>, vector<16xi32>
      %gt3A_310 = arith.constant 0 : i32
      %gt3A_311 = vector.broadcast %gt3A_310 : i32 to vector<16xi32>
      %gt3A_312 = arith.cmpi sgt, %select_n3A_309, %gt3A_311 : vector<16xi32>
      %add3A_313 = arith.addi %scan3A_205, %gather3A_277 : vector<16xi32>
      %select_n3A_314 = arith.select %gt3A_312, %scan3A_205, %add3A_313 : vector<16xi1>, vector<16xi32>
      scf.yield %select_n3A_314, %select_n3A_299, %select_n3A_303, %select_n3A_309 : vector<16xi32>, vector<16xi32>, vector<16xi32>, vector<16xi32>
    }
    %scan3A_126 = arith.constant 16 : i32
    %mul3A_127 = arith.constant 256 : i32
    %mul3A_128 = vector.broadcast %mul3A_127 : i32 to vector<16xi32>
    %mul3A_129 = arith.muli %scan3A_125#1, %mul3A_128 : vector<16xi32>
    %iota3A_130 = tpu.iota {dimensions = array<i32: 0>} : vector<16xi32>
    %broadcast_in_dim3A_131 = arith.constant 0 : i32
    %broadcast_in_dim3A_132 = vector.broadcast %broadcast_in_dim3A_131 : i32 to vector<16xi32>
    %scan3A_133 = arith.constant 0 : i32
    %scan3A_134 = arith.constant 16 : i32
    %scan3A_135 = arith.addi %scan3A_133, %scan3A_134 : i32
    %scan3A_136 = arith.constant 1 : i32
    %scan3A_137:4 = scf.for %scan3A_204 = %scan3A_133 to %scan3A_135 step %scan3A_136 iter_args(%scan3A_205 = %broadcast_in_dim3A_132, %scan3A_206 = %broadcast_in_dim3A_132, %scan3A_207 = %scan3A_125#2, %scan3A_208 = %broadcast_in_dim3A_132) -> (vector<16xi32>, vector<16xi32>, vector<16xi32>, vector<16xi32>)  : i32 {
      %sub3A = arith.constant 15 : i32
      %sub3A_209 = arith.subi %sub3A, %scan3A_204 : i32
      %mul3A_210 = arith.constant 16 : i32
      %mul3A_211 = arith.muli %sub3A_209, %mul3A_210 : i32
      %add3A_212 = vector.broadcast %mul3A_211 : i32 to vector<16xi32>
      %add3A_213 = arith.addi %mul3A_129, %add3A_212 : vector<16xi32>
      %add3A_214 = arith.addi %add3A_213, %iota3A_130 : vector<16xi32>
      %gather3A = tpu.vector_load_idx %arg7[%add3A_214] : memref<65280xi32, #tpu.memory_space<vmem>>[vector<16xi32>], vector<16xi32>,
      %iota3A_215 = tpu.iota {dimensions = array<i32: 0>} : vector<16xi32>
      %sub3A_216 = arith.constant 1 : i32
      %sub3A_217 = vector.broadcast %sub3A_216 : i32 to vector<16xi32>
      %sub3A_218 = arith.subi %iota3A_215, %sub3A_217 : vector<16xi32>
      %max3A = arith.constant 0 : i32
      %max3A_219 = vector.broadcast %max3A : i32 to vector<16xi32>
      %max3A_220 = arith.maxsi %sub3A_218, %max3A_219 : vector<16xi32>
      %reshape3A = vector.shape_cast %max3A_220 : vector<16xi32> to vector<16x1xi32>
      %gather3A_221 = vector.shape_cast %reshape3A : vector<16x1xi32> to vector<16xi32>
      %gather3A_222 = tpu.dynamic_gather %gather3A[%gather3A_221] in [0] : vector<16xi32>, vector<16xi32> -> vector<16xi32>
      %ge3A = arith.constant 1 : i32
      %ge3A_223 = vector.broadcast %ge3A : i32 to vector<16xi32>
      %ge3A_224 = arith.cmpi sge, %iota3A_215, %ge3A_223 : vector<16xi32>
      %jit3A = arith.constant 0 : i32
      %broadcast_in_dim3A_225 = vector.broadcast %jit3A : i32 to vector<16xi32>
      %select_n3A = arith.select %ge3A_224, %gather3A_222, %broadcast_in_dim3A_225 : vector<16xi1>, vector<16xi32>
      %add3A_226 = arith.addi %gather3A, %select_n3A : vector<16xi32>
      %sub3A_227 = arith.constant 2 : i32
      %sub3A_228 = vector.broadcast %sub3A_227 : i32 to vector<16xi32>
      %sub3A_229 = arith.subi %iota3A_215, %sub3A_228 : vector<16xi32>
      %max3A_230 = arith.constant 0 : i32
      %max3A_231 = vector.broadcast %max3A_230 : i32 to vector<16xi32>
      %max3A_232 = arith.maxsi %sub3A_229, %max3A_231 : vector<16xi32>
      %reshape3A_233 = vector.shape_cast %max3A_232 : vector<16xi32> to vector<16x1xi32>
      %gather3A_234 = vector.shape_cast %reshape3A_233 : vector<16x1xi32> to vector<16xi32>
      %gather3A_235 = tpu.dynamic_gather %add3A_226[%gather3A_234] in [0] : vector<16xi32>, vector<16xi32> -> vector<16xi32>
      %ge3A_236 = arith.constant 2 : i32
      %ge3A_237 = vector.broadcast %ge3A_236 : i32 to vector<16xi32>
      %ge3A_238 = arith.cmpi sge, %iota3A_215, %ge3A_237 : vector<16xi32>
      %jit3A_239 = arith.constant 0 : i32
      %broadcast_in_dim3A_240 = vector.broadcast %jit3A_239 : i32 to vector<16xi32>
      %select_n3A_241 = arith.select %ge3A_238, %gather3A_235, %broadcast_in_dim3A_240 : vector<16xi1>, vector<16xi32>
      %add3A_242 = arith.addi %add3A_226, %select_n3A_241 : vector<16xi32>
      %sub3A_243 = arith.constant 4 : i32
      %sub3A_244 = vector.broadcast %sub3A_243 : i32 to vector<16xi32>
      %sub3A_245 = arith.subi %iota3A_215, %sub3A_244 : vector<16xi32>
      %max3A_246 = arith.constant 0 : i32
      %max3A_247 = vector.broadcast %max3A_246 : i32 to vector<16xi32>
      %max3A_248 = arith.maxsi %sub3A_245, %max3A_247 : vector<16xi32>
      %reshape3A_249 = vector.shape_cast %max3A_248 : vector<16xi32> to vector<16x1xi32>
      %gather3A_250 = vector.shape_cast %reshape3A_249 : vector<16x1xi32> to vector<16xi32>
      %gather3A_251 = tpu.dynamic_gather %add3A_242[%gather3A_250] in [0] : vector<16xi32>, vector<16xi32> -> vector<16xi32>
      %ge3A_252 = arith.constant 4 : i32
      %ge3A_253 = vector.broadcast %ge3A_252 : i32 to vector<16xi32>
      %ge3A_254 = arith.cmpi sge, %iota3A_215, %ge3A_253 : vector<16xi32>
      %jit3A_255 = arith.constant 0 : i32
      %broadcast_in_dim3A_256 = vector.broadcast %jit3A_255 : i32 to vector<16xi32>
      %select_n3A_257 = arith.select %ge3A_254, %gather3A_251, %broadcast_in_dim3A_256 : vector<16xi1>, vector<16xi32>
      %add3A_258 = arith.addi %add3A_242, %select_n3A_257 : vector<16xi32>
      %sub3A_259 = arith.constant 8 : i32
      %sub3A_260 = vector.broadcast %sub3A_259 : i32 to vector<16xi32>
      %sub3A_261 = arith.subi %iota3A_215, %sub3A_260 : vector<16xi32>
      %max3A_262 = arith.constant 0 : i32
      %max3A_263 = vector.broadcast %max3A_262 : i32 to vector<16xi32>
      %max3A_264 = arith.maxsi %sub3A_261, %max3A_263 : vector<16xi32>
      %reshape3A_265 = vector.shape_cast %max3A_264 : vector<16xi32> to vector<16x1xi32>
      %gather3A_266 = vector.shape_cast %reshape3A_265 : vector<16x1xi32> to vector<16xi32>
      %gather3A_267 = tpu.dynamic_gather %add3A_258[%gather3A_266] in [0] : vector<16xi32>, vector<16xi32> -> vector<16xi32>
      %ge3A_268 = arith.constant 8 : i32
      %ge3A_269 = vector.broadcast %ge3A_268 : i32 to vector<16xi32>
      %ge3A_270 = arith.cmpi sge, %iota3A_215, %ge3A_269 : vector<16xi32>
      %jit3A_271 = arith.constant 0 : i32
      %broadcast_in_dim3A_272 = vector.broadcast %jit3A_271 : i32 to vector<16xi32>
      %select_n3A_273 = arith.select %ge3A_270, %gather3A_267, %broadcast_in_dim3A_272 : vector<16xi1>, vector<16xi32>
      %add3A_274 = arith.addi %add3A_258, %select_n3A_273 : vector<16xi32>
      %broadcast_in_dim3A_275 = arith.constant 15 : i32
      %broadcast_in_dim3A_276 = vector.broadcast %broadcast_in_dim3A_275 : i32 to vector<16xi32>
      %reshape3A_277 = vector.shape_cast %broadcast_in_dim3A_276 : vector<16xi32> to vector<16x1xi32>
      %gather3A_278 = vector.shape_cast %reshape3A_277 : vector<16x1xi32> to vector<16xi32>
      %gather3A_279 = tpu.dynamic_gather %add3A_274[%gather3A_278] in [0] : vector<16xi32>, vector<16xi32> -> vector<16xi32>
      %add3A_280 = arith.addi %scan3A_205, %gather3A_279 : vector<16xi32>
      %sub3A_281 = arith.subi %add3A_280, %add3A_274 : vector<16xi32>
      %add3A_282 = arith.addi %sub3A_281, %gather3A : vector<16xi32>
      %ge3A_283 = arith.cmpi sge, %add3A_282, %scan3A_125#2 : vector<16xi32>
      %all_reduce_population_count3A = tpu.all_reduce %ge3A_283 {dim = 0 : i64, kind = #tpu.reduction_kind<sum>} : vector<16xi1> -> vector<16xi32>
      %gt3A = arith.constant 0 : i32
      %gt3A_284 = vector.broadcast %gt3A : i32 to vector<16xi32>
      %gt3A_285 = arith.cmpi sgt, %all_reduce_population_count3A, %gt3A_284 : vector<16xi32>
      %eq3A = arith.constant 0 : i32
      %eq3A_286 = vector.broadcast %eq3A : i32 to vector<16xi32>
      %eq3A_287 = arith.cmpi eq, %scan3A_208, %eq3A_286 : vector<16xi32>
      %and3A = arith.andi %gt3A_285, %eq3A_287 : vector<16xi1>
      %sub3A_288 = arith.constant 1 : i32
      %sub3A_289 = vector.broadcast %sub3A_288 : i32 to vector<16xi32>
      %sub3A_290 = arith.subi %all_reduce_population_count3A, %sub3A_289 : vector<16xi32>
      %max3A_291 = arith.constant 0 : i32
      %max3A_292 = vector.broadcast %max3A_291 : i32 to vector<16xi32>
      %max3A_293 = arith.maxsi %sub3A_290, %max3A_292 : vector<16xi32>
      %reshape3A_294 = vector.shape_cast %max3A_293 : vector<16xi32> to vector<16x1xi32>
      %gather3A_295 = vector.shape_cast %reshape3A_294 : vector<16x1xi32> to vector<16xi32>
      %gather3A_296 = tpu.dynamic_gather %add3A_274[%gather3A_295] in [0] : vector<16xi32>, vector<16xi32> -> vector<16xi32>
      %mul3A_297 = arith.constant 16 : i32
      %mul3A_298 = arith.muli %sub3A_209, %mul3A_297 : i32
      %add3A_299 = vector.broadcast %mul3A_298 : i32 to vector<16xi32>
      %add3A_300 = arith.addi %add3A_299, %max3A_293 : vector<16xi32>
      %select_n3A_301 = arith.select %and3A, %add3A_300, %scan3A_206 : vector<16xi1>, vector<16xi32>
      %add3A_302 = arith.addi %scan3A_205, %gather3A_279 : vector<16xi32>
      %sub3A_303 = arith.subi %add3A_302, %gather3A_296 : vector<16xi32>
      %sub3A_304 = arith.subi %scan3A_125#2, %sub3A_303 : vector<16xi32>
      %select_n3A_305 = arith.select %and3A, %sub3A_304, %scan3A_207 : vector<16xi1>, vector<16xi32>
      %gt3A_306 = arith.constant 0 : i32
      %gt3A_307 = vector.broadcast %gt3A_306 : i32 to vector<16xi32>
      %gt3A_308 = arith.cmpi sgt, %all_reduce_population_count3A, %gt3A_307 : vector<16xi32>
      %jit3A_309 = arith.constant 1 : i32
      %broadcast_in_dim3A_310 = vector.broadcast %jit3A_309 : i32 to vector<16xi32>
      %select_n3A_311 = arith.select %gt3A_308, %broadcast_in_dim3A_310, %scan3A_208 : vector<16xi1>, vector<16xi32>
      %gt3A_312 = arith.constant 0 : i32
      %gt3A_313 = vector.broadcast %gt3A_312 : i32 to vector<16xi32>
      %gt3A_314 = arith.cmpi sgt, %select_n3A_311, %gt3A_313 : vector<16xi32>
      %add3A_315 = arith.addi %scan3A_205, %gather3A_279 : vector<16xi32>
      %select_n3A_316 = arith.select %gt3A_314, %scan3A_205, %add3A_315 : vector<16xi1>, vector<16xi32>
      scf.yield %select_n3A_316, %select_n3A_301, %select_n3A_305, %select_n3A_311 : vector<16xi32>, vector<16xi32>, vector<16xi32>, vector<16xi32>
    }
    %scan3A_138 = arith.constant 16 : i32
    %mul3A_139 = arith.constant 256 : i32
    %mul3A_140 = vector.broadcast %mul3A_139 : i32 to vector<16xi32>
    %mul3A_141 = arith.muli %scan3A_125#1, %mul3A_140 : vector<16xi32>
    %add3A_142 = arith.addi %mul3A_141, %scan3A_137#1 : vector<16xi32>
    %dma_start3A_143 = arith.constant 256 : i32
    %dma_start3A_144 = tpu.memref_slice %arg7[%dma_start3A_143] : memref<65280xi32, #tpu.memory_space<vmem>> -> memref<65024xi32, #tpu.memory_space<vmem>>
    %dma_start3A_145 = arith.constant 256 : i32
    %dma_start3A_146 = tpu.memref_slice %arg7[%dma_start3A_145] : memref<65280xi32, #tpu.memory_space<vmem>> -> memref<65024xi32, #tpu.memory_space<vmem>>
    tpu.enqueue_dma source(%arg4 : memref<65024xi32, #tpu.memory_space<hbm>>) target(%dma_start3A_146 : memref<65024xi32, #tpu.memory_space<vmem>>) target_semaphore(%arg11 : memref<!tpu.dma_semaphore, #tpu.memory_space<semaphore_mem>>)
    %broadcast_in_dim3A_147 = arith.constant 0 : i32
    %broadcast_in_dim3A_148 = vector.broadcast %broadcast_in_dim3A_147 : i32 to vector<16xi32>
    %parallel_loop3A_149 = arith.constant 0 : i32
    %parallel_loop3A_150 = arith.constant 256 : i32
    %parallel_loop3A_151 = arith.constant 16 : i32
    scf.for %parallel_loop3A_204 = %parallel_loop3A_149 to %parallel_loop3A_150 step %parallel_loop3A_151  : i32 {
      %parallel_loop3A_205 = arith.index_cast %parallel_loop3A_204 : i32 to index
      %parallel_loop3A_206 = tpu.vector_load %arg8[%parallel_loop3A_205] {strides = array<i32>} : memref<32768xi32, #tpu.memory_space<vmem>>, vector<16xi32>,
      tpu.vector_store %arg8[%parallel_loop3A_205], %broadcast_in_dim3A_148 {strides = array<i32>} : memref<32768xi32, #tpu.memory_space<vmem>>, vector<16xi32>,
    } {sc.loop_unroll_factor = 8 : i64, sc.parallel_access}
    %broadcast_in_dim3A_152 = arith.constant 0 : i32
    %broadcast_in_dim3A_153 = vector.broadcast %broadcast_in_dim3A_152 : i32 to vector<16xi32>
    %parallel_loop3A_154 = arith.constant 0 : i32
    %parallel_loop3A_155 = arith.constant 256 : i32
    %parallel_loop3A_156 = arith.constant 16 : i32
    scf.for %parallel_loop3A_204 = %parallel_loop3A_154 to %parallel_loop3A_155 step %parallel_loop3A_156  : i32 {
      %parallel_loop3A_205 = arith.index_cast %parallel_loop3A_204 : i32 to index
      %parallel_loop3A_206 = tpu.vector_load %arg7[%parallel_loop3A_205] {strides = array<i32>} : memref<65280xi32, #tpu.memory_space<vmem>>, vector<16xi32>,
      tpu.vector_store %arg7[%parallel_loop3A_205], %broadcast_in_dim3A_153 {strides = array<i32>} : memref<65280xi32, #tpu.memory_space<vmem>>, vector<16xi32>,
    } {sc.loop_unroll_factor = 8 : i64, sc.parallel_access}
    %broadcast_in_dim3A_157 = arith.constant 1 : i32
    %broadcast_in_dim3A_158 = vector.broadcast %broadcast_in_dim3A_157 : i32 to vector<16xi32>
    %parallel_loop3A_159 = arith.constant 0 : i32
    %parallel_loop3A_160 = arith.constant 32768 : i32
    %parallel_loop3A_161 = arith.constant 16 : i32
    scf.for %parallel_loop3A_204 = %parallel_loop3A_159 to %parallel_loop3A_160 step %parallel_loop3A_161  : i32 {
      %parallel_loop3A_205 = arith.index_cast %parallel_loop3A_204 : i32 to index
      %parallel_loop3A_206 = tpu.vector_load %arg6[%parallel_loop3A_205] {strides = array<i32>} : memref<32768xf32, #tpu.memory_space<vmem>>, vector<16xf32>,
      %parallel_loop3A_207 = vector.bitcast %parallel_loop3A_206 : vector<16xf32> to vector<16xi32>
      %parallel_loop3A_208 = arith.constant 2147483647 : i32
      %parallel_loop3A_209 = vector.broadcast %parallel_loop3A_208 : i32 to vector<16xi32>
      %parallel_loop3A_210 = arith.andi %parallel_loop3A_207, %parallel_loop3A_209 : vector<16xi32>
      %parallel_loop3A_211 = arith.constant 15 : i32
      %parallel_loop3A_212 = vector.broadcast %parallel_loop3A_211 : i32 to vector<16xi32>
      %parallel_loop3A_213 = arith.shrui %parallel_loop3A_210, %parallel_loop3A_212 : vector<16xi32>
      %parallel_loop3A_214 = arith.cmpi eq, %parallel_loop3A_213, %add3A_142 : vector<16xi32>
      %parallel_loop3A_215 = arith.constant 32767 : i32
      %parallel_loop3A_216 = vector.broadcast %parallel_loop3A_215 : i32 to vector<16xi32>
      %parallel_loop3A_217 = arith.andi %parallel_loop3A_210, %parallel_loop3A_216 : vector<16xi32>
      tpu.vector_store_idx %arg8[%parallel_loop3A_217], %broadcast_in_dim3A_158 masked %parallel_loop3A_214 {add = true} : memref<32768xi32, #tpu.memory_space<vmem>>[vector<16xi32>], vector<16xi32>, vector<16xi1>
      %parallel_loop3A_218 = arith.constant 7 : i32
      %parallel_loop3A_219 = vector.broadcast %parallel_loop3A_218 : i32 to vector<16xi32>
      %parallel_loop3A_220 = arith.shrui %parallel_loop3A_217, %parallel_loop3A_219 : vector<16xi32>
      tpu.vector_store_idx %arg7[%parallel_loop3A_220], %broadcast_in_dim3A_158 masked %parallel_loop3A_214 {add = true} : memref<65280xi32, #tpu.memory_space<vmem>>[vector<16xi32>], vector<16xi32>, vector<16xi1>
    } {sc.loop_unroll_factor = 8 : i64, sc.parallel_access}
    %broadcast_in_dim3A_162 = arith.constant 0 : i32
    %broadcast_in_dim3A_163 = vector.broadcast %broadcast_in_dim3A_162 : i32 to vector<16xi32>
    %scan3A_164 = arith.constant 0 : i32
    %scan3A_165 = arith.constant 16 : i32
    %scan3A_166 = arith.addi %scan3A_164, %scan3A_165 : i32
    %scan3A_167 = arith.constant 1 : i32
    %scan3A_168:4 = scf.for %scan3A_204 = %scan3A_164 to %scan3A_166 step %scan3A_167 iter_args(%scan3A_205 = %broadcast_in_dim3A_163, %scan3A_206 = %broadcast_in_dim3A_163, %scan3A_207 = %scan3A_137#2, %scan3A_208 = %broadcast_in_dim3A_163) -> (vector<16xi32>, vector<16xi32>, vector<16xi32>, vector<16xi32>)  : i32 {
      %sub3A = arith.constant 15 : i32
      %sub3A_209 = arith.subi %sub3A, %scan3A_204 : i32
      %mul3A_210 = arith.constant 16 : i32
      %mul3A_211 = arith.muli %sub3A_209, %mul3A_210 : i32
      %get3A_212 = arith.index_cast %mul3A_211 : i32 to index
      %get3A_213 = tpu.vector_load %arg7[%get3A_212] {strides = array<i32>} : memref<65280xi32, #tpu.memory_space<vmem>>, vector<16xi32>,
      %iota3A_214 = tpu.iota {dimensions = array<i32: 0>} : vector<16xi32>
      %sub3A_215 = arith.constant 1 : i32
      %sub3A_216 = vector.broadcast %sub3A_215 : i32 to vector<16xi32>
      %sub3A_217 = arith.subi %iota3A_214, %sub3A_216 : vector<16xi32>
      %max3A = arith.constant 0 : i32
      %max3A_218 = vector.broadcast %max3A : i32 to vector<16xi32>
      %max3A_219 = arith.maxsi %sub3A_217, %max3A_218 : vector<16xi32>
      %reshape3A = vector.shape_cast %max3A_219 : vector<16xi32> to vector<16x1xi32>
      %gather3A = vector.shape_cast %reshape3A : vector<16x1xi32> to vector<16xi32>
      %gather3A_220 = tpu.dynamic_gather %get3A_213[%gather3A] in [0] : vector<16xi32>, vector<16xi32> -> vector<16xi32>
      %ge3A = arith.constant 1 : i32
      %ge3A_221 = vector.broadcast %ge3A : i32 to vector<16xi32>
      %ge3A_222 = arith.cmpi sge, %iota3A_214, %ge3A_221 : vector<16xi32>
      %jit3A = arith.constant 0 : i32
      %broadcast_in_dim3A_223 = vector.broadcast %jit3A : i32 to vector<16xi32>
      %select_n3A = arith.select %ge3A_222, %gather3A_220, %broadcast_in_dim3A_223 : vector<16xi1>, vector<16xi32>
      %add3A_224 = arith.addi %get3A_213, %select_n3A : vector<16xi32>
      %sub3A_225 = arith.constant 2 : i32
      %sub3A_226 = vector.broadcast %sub3A_225 : i32 to vector<16xi32>
      %sub3A_227 = arith.subi %iota3A_214, %sub3A_226 : vector<16xi32>
      %max3A_228 = arith.constant 0 : i32
      %max3A_229 = vector.broadcast %max3A_228 : i32 to vector<16xi32>
      %max3A_230 = arith.maxsi %sub3A_227, %max3A_229 : vector<16xi32>
      %reshape3A_231 = vector.shape_cast %max3A_230 : vector<16xi32> to vector<16x1xi32>
      %gather3A_232 = vector.shape_cast %reshape3A_231 : vector<16x1xi32> to vector<16xi32>
      %gather3A_233 = tpu.dynamic_gather %add3A_224[%gather3A_232] in [0] : vector<16xi32>, vector<16xi32> -> vector<16xi32>
      %ge3A_234 = arith.constant 2 : i32
      %ge3A_235 = vector.broadcast %ge3A_234 : i32 to vector<16xi32>
      %ge3A_236 = arith.cmpi sge, %iota3A_214, %ge3A_235 : vector<16xi32>
      %jit3A_237 = arith.constant 0 : i32
      %broadcast_in_dim3A_238 = vector.broadcast %jit3A_237 : i32 to vector<16xi32>
      %select_n3A_239 = arith.select %ge3A_236, %gather3A_233, %broadcast_in_dim3A_238 : vector<16xi1>, vector<16xi32>
      %add3A_240 = arith.addi %add3A_224, %select_n3A_239 : vector<16xi32>
      %sub3A_241 = arith.constant 4 : i32
      %sub3A_242 = vector.broadcast %sub3A_241 : i32 to vector<16xi32>
      %sub3A_243 = arith.subi %iota3A_214, %sub3A_242 : vector<16xi32>
      %max3A_244 = arith.constant 0 : i32
      %max3A_245 = vector.broadcast %max3A_244 : i32 to vector<16xi32>
      %max3A_246 = arith.maxsi %sub3A_243, %max3A_245 : vector<16xi32>
      %reshape3A_247 = vector.shape_cast %max3A_246 : vector<16xi32> to vector<16x1xi32>
      %gather3A_248 = vector.shape_cast %reshape3A_247 : vector<16x1xi32> to vector<16xi32>
      %gather3A_249 = tpu.dynamic_gather %add3A_240[%gather3A_248] in [0] : vector<16xi32>, vector<16xi32> -> vector<16xi32>
      %ge3A_250 = arith.constant 4 : i32
      %ge3A_251 = vector.broadcast %ge3A_250 : i32 to vector<16xi32>
      %ge3A_252 = arith.cmpi sge, %iota3A_214, %ge3A_251 : vector<16xi32>
      %jit3A_253 = arith.constant 0 : i32
      %broadcast_in_dim3A_254 = vector.broadcast %jit3A_253 : i32 to vector<16xi32>
      %select_n3A_255 = arith.select %ge3A_252, %gather3A_249, %broadcast_in_dim3A_254 : vector<16xi1>, vector<16xi32>
      %add3A_256 = arith.addi %add3A_240, %select_n3A_255 : vector<16xi32>
      %sub3A_257 = arith.constant 8 : i32
      %sub3A_258 = vector.broadcast %sub3A_257 : i32 to vector<16xi32>
      %sub3A_259 = arith.subi %iota3A_214, %sub3A_258 : vector<16xi32>
      %max3A_260 = arith.constant 0 : i32
      %max3A_261 = vector.broadcast %max3A_260 : i32 to vector<16xi32>
      %max3A_262 = arith.maxsi %sub3A_259, %max3A_261 : vector<16xi32>
      %reshape3A_263 = vector.shape_cast %max3A_262 : vector<16xi32> to vector<16x1xi32>
      %gather3A_264 = vector.shape_cast %reshape3A_263 : vector<16x1xi32> to vector<16xi32>
      %gather3A_265 = tpu.dynamic_gather %add3A_256[%gather3A_264] in [0] : vector<16xi32>, vector<16xi32> -> vector<16xi32>
      %ge3A_266 = arith.constant 8 : i32
      %ge3A_267 = vector.broadcast %ge3A_266 : i32 to vector<16xi32>
      %ge3A_268 = arith.cmpi sge, %iota3A_214, %ge3A_267 : vector<16xi32>
      %jit3A_269 = arith.constant 0 : i32
      %broadcast_in_dim3A_270 = vector.broadcast %jit3A_269 : i32 to vector<16xi32>
      %select_n3A_271 = arith.select %ge3A_268, %gather3A_265, %broadcast_in_dim3A_270 : vector<16xi1>, vector<16xi32>
      %add3A_272 = arith.addi %add3A_256, %select_n3A_271 : vector<16xi32>
      %broadcast_in_dim3A_273 = arith.constant 15 : i32
      %broadcast_in_dim3A_274 = vector.broadcast %broadcast_in_dim3A_273 : i32 to vector<16xi32>
      %reshape3A_275 = vector.shape_cast %broadcast_in_dim3A_274 : vector<16xi32> to vector<16x1xi32>
      %gather3A_276 = vector.shape_cast %reshape3A_275 : vector<16x1xi32> to vector<16xi32>
      %gather3A_277 = tpu.dynamic_gather %add3A_272[%gather3A_276] in [0] : vector<16xi32>, vector<16xi32> -> vector<16xi32>
      %add3A_278 = arith.addi %scan3A_205, %gather3A_277 : vector<16xi32>
      %sub3A_279 = arith.subi %add3A_278, %add3A_272 : vector<16xi32>
      %add3A_280 = arith.addi %sub3A_279, %get3A_213 : vector<16xi32>
      %ge3A_281 = arith.cmpi sge, %add3A_280, %scan3A_137#2 : vector<16xi32>
      %all_reduce_population_count3A = tpu.all_reduce %ge3A_281 {dim = 0 : i64, kind = #tpu.reduction_kind<sum>} : vector<16xi1> -> vector<16xi32>
      %gt3A = arith.constant 0 : i32
      %gt3A_282 = vector.broadcast %gt3A : i32 to vector<16xi32>
      %gt3A_283 = arith.cmpi sgt, %all_reduce_population_count3A, %gt3A_282 : vector<16xi32>
      %eq3A = arith.constant 0 : i32
      %eq3A_284 = vector.broadcast %eq3A : i32 to vector<16xi32>
      %eq3A_285 = arith.cmpi eq, %scan3A_208, %eq3A_284 : vector<16xi32>
      %and3A = arith.andi %gt3A_283, %eq3A_285 : vector<16xi1>
      %sub3A_286 = arith.constant 1 : i32
      %sub3A_287 = vector.broadcast %sub3A_286 : i32 to vector<16xi32>
      %sub3A_288 = arith.subi %all_reduce_population_count3A, %sub3A_287 : vector<16xi32>
      %max3A_289 = arith.constant 0 : i32
      %max3A_290 = vector.broadcast %max3A_289 : i32 to vector<16xi32>
      %max3A_291 = arith.maxsi %sub3A_288, %max3A_290 : vector<16xi32>
      %reshape3A_292 = vector.shape_cast %max3A_291 : vector<16xi32> to vector<16x1xi32>
      %gather3A_293 = vector.shape_cast %reshape3A_292 : vector<16x1xi32> to vector<16xi32>
      %gather3A_294 = tpu.dynamic_gather %add3A_272[%gather3A_293] in [0] : vector<16xi32>, vector<16xi32> -> vector<16xi32>
      %mul3A_295 = arith.constant 16 : i32
      %mul3A_296 = arith.muli %sub3A_209, %mul3A_295 : i32
      %add3A_297 = vector.broadcast %mul3A_296 : i32 to vector<16xi32>
      %add3A_298 = arith.addi %add3A_297, %max3A_291 : vector<16xi32>
      %select_n3A_299 = arith.select %and3A, %add3A_298, %scan3A_206 : vector<16xi1>, vector<16xi32>
      %add3A_300 = arith.addi %scan3A_205, %gather3A_277 : vector<16xi32>
      %sub3A_301 = arith.subi %add3A_300, %gather3A_294 : vector<16xi32>
      %sub3A_302 = arith.subi %scan3A_137#2, %sub3A_301 : vector<16xi32>
      %select_n3A_303 = arith.select %and3A, %sub3A_302, %scan3A_207 : vector<16xi1>, vector<16xi32>
      %gt3A_304 = arith.constant 0 : i32
      %gt3A_305 = vector.broadcast %gt3A_304 : i32 to vector<16xi32>
      %gt3A_306 = arith.cmpi sgt, %all_reduce_population_count3A, %gt3A_305 : vector<16xi32>
      %jit3A_307 = arith.constant 1 : i32
      %broadcast_in_dim3A_308 = vector.broadcast %jit3A_307 : i32 to vector<16xi32>
      %select_n3A_309 = arith.select %gt3A_306, %broadcast_in_dim3A_308, %scan3A_208 : vector<16xi1>, vector<16xi32>
      %gt3A_310 = arith.constant 0 : i32
      %gt3A_311 = vector.broadcast %gt3A_310 : i32 to vector<16xi32>
      %gt3A_312 = arith.cmpi sgt, %select_n3A_309, %gt3A_311 : vector<16xi32>
      %add3A_313 = arith.addi %scan3A_205, %gather3A_277 : vector<16xi32>
      %select_n3A_314 = arith.select %gt3A_312, %scan3A_205, %add3A_313 : vector<16xi1>, vector<16xi32>
      scf.yield %select_n3A_314, %select_n3A_299, %select_n3A_303, %select_n3A_309 : vector<16xi32>, vector<16xi32>, vector<16xi32>, vector<16xi32>
    }
    %scan3A_169 = arith.constant 16 : i32
    %mul3A_170 = arith.constant 128 : i32
    %mul3A_171 = vector.broadcast %mul3A_170 : i32 to vector<16xi32>
    %mul3A_172 = arith.muli %scan3A_168#1, %mul3A_171 : vector<16xi32>
    %iota3A_173 = tpu.iota {dimensions = array<i32: 0>} : vector<16xi32>
    %broadcast_in_dim3A_174 = arith.constant 0 : i32
    %broadcast_in_dim3A_175 = vector.broadcast %broadcast_in_dim3A_174 : i32 to vector<16xi32>
    %scan3A_176 = arith.constant 0 : i32
    %scan3A_177 = arith.constant 8 : i32
    %scan3A_178 = arith.addi %scan3A_176, %scan3A_177 : i32
    %scan3A_179 = arith.constant 1 : i32
    %scan3A_180:4 = scf.for %scan3A_204 = %scan3A_176 to %scan3A_178 step %scan3A_179 iter_args(%scan3A_205 = %broadcast_in_dim3A_175, %scan3A_206 = %broadcast_in_dim3A_175, %scan3A_207 = %scan3A_168#2, %scan3A_208 = %broadcast_in_dim3A_175) -> (vector<16xi32>, vector<16xi32>, vector<16xi32>, vector<16xi32>)  : i32 {
      %sub3A = arith.constant 7 : i32
      %sub3A_209 = arith.subi %sub3A, %scan3A_204 : i32
      %mul3A_210 = arith.constant 16 : i32
      %mul3A_211 = arith.muli %sub3A_209, %mul3A_210 : i32
      %add3A_212 = vector.broadcast %mul3A_211 : i32 to vector<16xi32>
      %add3A_213 = arith.addi %mul3A_172, %add3A_212 : vector<16xi32>
      %add3A_214 = arith.addi %add3A_213, %iota3A_173 : vector<16xi32>
      %gather3A = tpu.vector_load_idx %arg8[%add3A_214] : memref<32768xi32, #tpu.memory_space<vmem>>[vector<16xi32>], vector<16xi32>,
      %iota3A_215 = tpu.iota {dimensions = array<i32: 0>} : vector<16xi32>
      %sub3A_216 = arith.constant 1 : i32
      %sub3A_217 = vector.broadcast %sub3A_216 : i32 to vector<16xi32>
      %sub3A_218 = arith.subi %iota3A_215, %sub3A_217 : vector<16xi32>
      %max3A = arith.constant 0 : i32
      %max3A_219 = vector.broadcast %max3A : i32 to vector<16xi32>
      %max3A_220 = arith.maxsi %sub3A_218, %max3A_219 : vector<16xi32>
      %reshape3A = vector.shape_cast %max3A_220 : vector<16xi32> to vector<16x1xi32>
      %gather3A_221 = vector.shape_cast %reshape3A : vector<16x1xi32> to vector<16xi32>
      %gather3A_222 = tpu.dynamic_gather %gather3A[%gather3A_221] in [0] : vector<16xi32>, vector<16xi32> -> vector<16xi32>
      %ge3A = arith.constant 1 : i32
      %ge3A_223 = vector.broadcast %ge3A : i32 to vector<16xi32>
      %ge3A_224 = arith.cmpi sge, %iota3A_215, %ge3A_223 : vector<16xi32>
      %jit3A = arith.constant 0 : i32
      %broadcast_in_dim3A_225 = vector.broadcast %jit3A : i32 to vector<16xi32>
      %select_n3A = arith.select %ge3A_224, %gather3A_222, %broadcast_in_dim3A_225 : vector<16xi1>, vector<16xi32>
      %add3A_226 = arith.addi %gather3A, %select_n3A : vector<16xi32>
      %sub3A_227 = arith.constant 2 : i32
      %sub3A_228 = vector.broadcast %sub3A_227 : i32 to vector<16xi32>
      %sub3A_229 = arith.subi %iota3A_215, %sub3A_228 : vector<16xi32>
      %max3A_230 = arith.constant 0 : i32
      %max3A_231 = vector.broadcast %max3A_230 : i32 to vector<16xi32>
      %max3A_232 = arith.maxsi %sub3A_229, %max3A_231 : vector<16xi32>
      %reshape3A_233 = vector.shape_cast %max3A_232 : vector<16xi32> to vector<16x1xi32>
      %gather3A_234 = vector.shape_cast %reshape3A_233 : vector<16x1xi32> to vector<16xi32>
      %gather3A_235 = tpu.dynamic_gather %add3A_226[%gather3A_234] in [0] : vector<16xi32>, vector<16xi32> -> vector<16xi32>
      %ge3A_236 = arith.constant 2 : i32
      %ge3A_237 = vector.broadcast %ge3A_236 : i32 to vector<16xi32>
      %ge3A_238 = arith.cmpi sge, %iota3A_215, %ge3A_237 : vector<16xi32>
      %jit3A_239 = arith.constant 0 : i32
      %broadcast_in_dim3A_240 = vector.broadcast %jit3A_239 : i32 to vector<16xi32>
      %select_n3A_241 = arith.select %ge3A_238, %gather3A_235, %broadcast_in_dim3A_240 : vector<16xi1>, vector<16xi32>
      %add3A_242 = arith.addi %add3A_226, %select_n3A_241 : vector<16xi32>
      %sub3A_243 = arith.constant 4 : i32
      %sub3A_244 = vector.broadcast %sub3A_243 : i32 to vector<16xi32>
      %sub3A_245 = arith.subi %iota3A_215, %sub3A_244 : vector<16xi32>
      %max3A_246 = arith.constant 0 : i32
      %max3A_247 = vector.broadcast %max3A_246 : i32 to vector<16xi32>
      %max3A_248 = arith.maxsi %sub3A_245, %max3A_247 : vector<16xi32>
      %reshape3A_249 = vector.shape_cast %max3A_248 : vector<16xi32> to vector<16x1xi32>
      %gather3A_250 = vector.shape_cast %reshape3A_249 : vector<16x1xi32> to vector<16xi32>
      %gather3A_251 = tpu.dynamic_gather %add3A_242[%gather3A_250] in [0] : vector<16xi32>, vector<16xi32> -> vector<16xi32>
      %ge3A_252 = arith.constant 4 : i32
      %ge3A_253 = vector.broadcast %ge3A_252 : i32 to vector<16xi32>
      %ge3A_254 = arith.cmpi sge, %iota3A_215, %ge3A_253 : vector<16xi32>
      %jit3A_255 = arith.constant 0 : i32
      %broadcast_in_dim3A_256 = vector.broadcast %jit3A_255 : i32 to vector<16xi32>
      %select_n3A_257 = arith.select %ge3A_254, %gather3A_251, %broadcast_in_dim3A_256 : vector<16xi1>, vector<16xi32>
      %add3A_258 = arith.addi %add3A_242, %select_n3A_257 : vector<16xi32>
      %sub3A_259 = arith.constant 8 : i32
      %sub3A_260 = vector.broadcast %sub3A_259 : i32 to vector<16xi32>
      %sub3A_261 = arith.subi %iota3A_215, %sub3A_260 : vector<16xi32>
      %max3A_262 = arith.constant 0 : i32
      %max3A_263 = vector.broadcast %max3A_262 : i32 to vector<16xi32>
      %max3A_264 = arith.maxsi %sub3A_261, %max3A_263 : vector<16xi32>
      %reshape3A_265 = vector.shape_cast %max3A_264 : vector<16xi32> to vector<16x1xi32>
      %gather3A_266 = vector.shape_cast %reshape3A_265 : vector<16x1xi32> to vector<16xi32>
      %gather3A_267 = tpu.dynamic_gather %add3A_258[%gather3A_266] in [0] : vector<16xi32>, vector<16xi32> -> vector<16xi32>
      %ge3A_268 = arith.constant 8 : i32
      %ge3A_269 = vector.broadcast %ge3A_268 : i32 to vector<16xi32>
      %ge3A_270 = arith.cmpi sge, %iota3A_215, %ge3A_269 : vector<16xi32>
      %jit3A_271 = arith.constant 0 : i32
      %broadcast_in_dim3A_272 = vector.broadcast %jit3A_271 : i32 to vector<16xi32>
      %select_n3A_273 = arith.select %ge3A_270, %gather3A_267, %broadcast_in_dim3A_272 : vector<16xi1>, vector<16xi32>
      %add3A_274 = arith.addi %add3A_258, %select_n3A_273 : vector<16xi32>
      %broadcast_in_dim3A_275 = arith.constant 15 : i32
      %broadcast_in_dim3A_276 = vector.broadcast %broadcast_in_dim3A_275 : i32 to vector<16xi32>
      %reshape3A_277 = vector.shape_cast %broadcast_in_dim3A_276 : vector<16xi32> to vector<16x1xi32>
      %gather3A_278 = vector.shape_cast %reshape3A_277 : vector<16x1xi32> to vector<16xi32>
      %gather3A_279 = tpu.dynamic_gather %add3A_274[%gather3A_278] in [0] : vector<16xi32>, vector<16xi32> -> vector<16xi32>
      %add3A_280 = arith.addi %scan3A_205, %gather3A_279 : vector<16xi32>
      %sub3A_281 = arith.subi %add3A_280, %add3A_274 : vector<16xi32>
      %add3A_282 = arith.addi %sub3A_281, %gather3A : vector<16xi32>
      %ge3A_283 = arith.cmpi sge, %add3A_282, %scan3A_168#2 : vector<16xi32>
      %all_reduce_population_count3A = tpu.all_reduce %ge3A_283 {dim = 0 : i64, kind = #tpu.reduction_kind<sum>} : vector<16xi1> -> vector<16xi32>
      %gt3A = arith.constant 0 : i32
      %gt3A_284 = vector.broadcast %gt3A : i32 to vector<16xi32>
      %gt3A_285 = arith.cmpi sgt, %all_reduce_population_count3A, %gt3A_284 : vector<16xi32>
      %eq3A = arith.constant 0 : i32
      %eq3A_286 = vector.broadcast %eq3A : i32 to vector<16xi32>
      %eq3A_287 = arith.cmpi eq, %scan3A_208, %eq3A_286 : vector<16xi32>
      %and3A = arith.andi %gt3A_285, %eq3A_287 : vector<16xi1>
      %sub3A_288 = arith.constant 1 : i32
      %sub3A_289 = vector.broadcast %sub3A_288 : i32 to vector<16xi32>
      %sub3A_290 = arith.subi %all_reduce_population_count3A, %sub3A_289 : vector<16xi32>
      %max3A_291 = arith.constant 0 : i32
      %max3A_292 = vector.broadcast %max3A_291 : i32 to vector<16xi32>
      %max3A_293 = arith.maxsi %sub3A_290, %max3A_292 : vector<16xi32>
      %reshape3A_294 = vector.shape_cast %max3A_293 : vector<16xi32> to vector<16x1xi32>
      %gather3A_295 = vector.shape_cast %reshape3A_294 : vector<16x1xi32> to vector<16xi32>
      %gather3A_296 = tpu.dynamic_gather %add3A_274[%gather3A_295] in [0] : vector<16xi32>, vector<16xi32> -> vector<16xi32>
      %mul3A_297 = arith.constant 16 : i32
      %mul3A_298 = arith.muli %sub3A_209, %mul3A_297 : i32
      %add3A_299 = vector.broadcast %mul3A_298 : i32 to vector<16xi32>
      %add3A_300 = arith.addi %add3A_299, %max3A_293 : vector<16xi32>
      %select_n3A_301 = arith.select %and3A, %add3A_300, %scan3A_206 : vector<16xi1>, vector<16xi32>
      %add3A_302 = arith.addi %scan3A_205, %gather3A_279 : vector<16xi32>
      %sub3A_303 = arith.subi %add3A_302, %gather3A_296 : vector<16xi32>
      %sub3A_304 = arith.subi %scan3A_168#2, %sub3A_303 : vector<16xi32>
      %select_n3A_305 = arith.select %and3A, %sub3A_304, %scan3A_207 : vector<16xi1>, vector<16xi32>
      %gt3A_306 = arith.constant 0 : i32
      %gt3A_307 = vector.broadcast %gt3A_306 : i32 to vector<16xi32>
      %gt3A_308 = arith.cmpi sgt, %all_reduce_population_count3A, %gt3A_307 : vector<16xi32>
      %jit3A_309 = arith.constant 1 : i32
      %broadcast_in_dim3A_310 = vector.broadcast %jit3A_309 : i32 to vector<16xi32>
      %select_n3A_311 = arith.select %gt3A_308, %broadcast_in_dim3A_310, %scan3A_208 : vector<16xi1>, vector<16xi32>
      %gt3A_312 = arith.constant 0 : i32
      %gt3A_313 = vector.broadcast %gt3A_312 : i32 to vector<16xi32>
      %gt3A_314 = arith.cmpi sgt, %select_n3A_311, %gt3A_313 : vector<16xi32>
      %add3A_315 = arith.addi %scan3A_205, %gather3A_279 : vector<16xi32>
      %select_n3A_316 = arith.select %gt3A_314, %scan3A_205, %add3A_315 : vector<16xi1>, vector<16xi32>
      scf.yield %select_n3A_316, %select_n3A_301, %select_n3A_305, %select_n3A_311 : vector<16xi32>, vector<16xi32>, vector<16xi32>, vector<16xi32>
    }
    %scan3A_181 = arith.constant 8 : i32
    %mul3A_182 = arith.constant 128 : i32
    %mul3A_183 = vector.broadcast %mul3A_182 : i32 to vector<16xi32>
    %mul3A_184 = arith.muli %scan3A_168#1, %mul3A_183 : vector<16xi32>
    %add3A_185 = arith.addi %mul3A_184, %scan3A_180#1 : vector<16xi32>
    %broadcast_in_dim3A_186 = arith.constant 0 : i32
    %broadcast_in_dim3A_187 = vector.broadcast %broadcast_in_dim3A_186 : i32 to vector<16xi32>
    %parallel_loop3A_188 = arith.constant 0 : i32
    %parallel_loop3A_189 = arith.constant 256 : i32
    %parallel_loop3A_190 = arith.constant 16 : i32
    scf.for %parallel_loop3A_204 = %parallel_loop3A_188 to %parallel_loop3A_189 step %parallel_loop3A_190  : i32 {
      %parallel_loop3A_205 = arith.index_cast %parallel_loop3A_204 : i32 to index
      %parallel_loop3A_206 = tpu.vector_load %arg7[%parallel_loop3A_205] {strides = array<i32>} : memref<65280xi32, #tpu.memory_space<vmem>>, vector<16xi32>,
      tpu.vector_store %arg7[%parallel_loop3A_205], %broadcast_in_dim3A_187 {strides = array<i32>} : memref<65280xi32, #tpu.memory_space<vmem>>, vector<16xi32>,
    } {sc.loop_unroll_factor = 8 : i64, sc.parallel_access}
    %mul3A_191 = arith.constant 32768 : i32
    %mul3A_192 = vector.broadcast %mul3A_191 : i32 to vector<16xi32>
    %mul3A_193 = arith.muli %add3A_142, %mul3A_192 : vector<16xi32>
    %add3A_194 = arith.addi %mul3A_193, %add3A_185 : vector<16xi32>
    %broadcast_in_dim3A_195 = arith.constant 0 : i32
    %broadcast_in_dim3A_196 = vector.broadcast %broadcast_in_dim3A_195 : i32 to vector<16xi32>
    %parallel_loop3A_197 = arith.constant 0 : i32
    %parallel_loop3A_198 = arith.constant 32768 : i32
    %parallel_loop3A_199 = arith.constant 16 : i32
    scf.for %parallel_loop3A_204 = %parallel_loop3A_197 to %parallel_loop3A_198 step %parallel_loop3A_199  : i32 {
      %parallel_loop3A_205 = arith.index_cast %parallel_loop3A_204 : i32 to index
      %parallel_loop3A_206 = tpu.vector_load %arg6[%parallel_loop3A_205] {strides = array<i32>} : memref<32768xf32, #tpu.memory_space<vmem>>, vector<16xf32>,
      %parallel_loop3A_207 = vector.bitcast %parallel_loop3A_206 : vector<16xf32> to vector<16xi32>
      %parallel_loop3A_208 = arith.constant 2147483647 : i32
      %parallel_loop3A_209 = vector.broadcast %parallel_loop3A_208 : i32 to vector<16xi32>
      %parallel_loop3A_210 = arith.andi %parallel_loop3A_207, %parallel_loop3A_209 : vector<16xi32>
      %parallel_loop3A_211 = arith.cmpi sge, %parallel_loop3A_210, %add3A_194 : vector<16xi32>
      %parallel_loop3A_212 = arith.constant 0.000000e+00 : f32
      %parallel_loop3A_213 = vector.broadcast %parallel_loop3A_212 : f32 to vector<16xf32>
      %parallel_loop3A_214 = arith.select %parallel_loop3A_211, %parallel_loop3A_206, %parallel_loop3A_213 : vector<16xi1>, vector<16xf32>
      %parallel_loop3A_215 = arith.index_cast %parallel_loop3A_204 : i32 to index
      %parallel_loop3A_216 = tpu.vector_load %arg6[%parallel_loop3A_215] {strides = array<i32>} : memref<32768xf32, #tpu.memory_space<vmem>>, vector<16xf32>,
      tpu.vector_store %arg6[%parallel_loop3A_215], %parallel_loop3A_214 {strides = array<i32>} : memref<32768xf32, #tpu.memory_space<vmem>>, vector<16xf32>,
      %parallel_loop3A_217 = arith.constant 32767 : i32
      %parallel_loop3A_218 = vector.broadcast %parallel_loop3A_217 : i32 to vector<16xi32>
      %parallel_loop3A_219 = arith.andi %parallel_loop3A_210, %parallel_loop3A_218 : vector<16xi32>
      tpu.vector_store_idx %arg8[%parallel_loop3A_219], %broadcast_in_dim3A_196 : memref<32768xi32, #tpu.memory_space<vmem>>[vector<16xi32>], vector<16xi32>,
    } {sc.loop_unroll_factor = 8 : i64, sc.parallel_access}
    "tpu.region"() ({
      %run_scoped3A = tpu.sem_alloc : memref<!tpu.dma_semaphore, #tpu.memory_space<semaphore_mem>>
      %dma_start3A_204 = arith.constant 0 : i32
      %dma_start3A_205 = tpu.memref_slice %arg5[%add3A_113, %dma_start3A_204] : memref<64x32768xf32, #tpu.memory_space<hbm>> -> memref<1x32768xf32, #tpu.memory_space<hbm>>
      %dma_start3A_206 = tpu.memref_squeeze %dma_start3A_205 : memref<1x32768xf32, #tpu.memory_space<hbm>> -> memref<32768xf32, #tpu.memory_space<hbm>>
      %dma_start3A_207 = arith.constant 0 : i32
      %dma_start3A_208 = tpu.memref_slice %arg5[%add3A_113, %dma_start3A_207] : memref<64x32768xf32, #tpu.memory_space<hbm>> -> memref<1x32768xf32, #tpu.memory_space<hbm>>
      %dma_start3A_209 = tpu.memref_squeeze %dma_start3A_208 : memref<1x32768xf32, #tpu.memory_space<hbm>> -> memref<32768xf32, #tpu.memory_space<hbm>>
      tpu.enqueue_dma source(%arg6 : memref<32768xf32, #tpu.memory_space<vmem>>) target(%dma_start3A_209 : memref<32768xf32, #tpu.memory_space<hbm>>) target_semaphore(%run_scoped3A : memref<!tpu.dma_semaphore, #tpu.memory_space<semaphore_mem>>)
      %dma_wait3A_210 = arith.constant 0 : i32
      %dma_wait3A_211 = tpu.memref_slice %arg5[%add3A_113, %dma_wait3A_210] : memref<64x32768xf32, #tpu.memory_space<hbm>> -> memref<1x32768xf32, #tpu.memory_space<hbm>>
      %dma_wait3A_212 = tpu.memref_squeeze %dma_wait3A_211 : memref<1x32768xf32, #tpu.memory_space<hbm>> -> memref<32768xf32, #tpu.memory_space<hbm>>
      %dma_wait3A_213 = arith.constant 0 : i32
      %dma_wait3A_214 = tpu.memref_slice %arg5[%add3A_113, %dma_wait3A_213] : memref<64x32768xf32, #tpu.memory_space<hbm>> -> memref<1x32768xf32, #tpu.memory_space<hbm>>
      %dma_wait3A_215 = tpu.memref_squeeze %dma_wait3A_214 : memref<1x32768xf32, #tpu.memory_space<hbm>> -> memref<32768xf32, #tpu.memory_space<hbm>>
      tpu.wait_dma2 semaphore(%run_scoped3A : memref<!tpu.dma_semaphore, #tpu.memory_space<semaphore_mem>>) src(%arg6 : memref<32768xf32, #tpu.memory_space<vmem>>) dst(%dma_wait3A_215 : memref<32768xf32, #tpu.memory_space<hbm>>)
      tpu.yield
    }) : () -> ()
    %dma_wait3A_200 = arith.constant 256 : i32
    %dma_wait3A_201 = tpu.memref_slice %arg7[%dma_wait3A_200] : memref<65280xi32, #tpu.memory_space<vmem>> -> memref<65024xi32, #tpu.memory_space<vmem>>
    %dma_wait3A_202 = arith.constant 256 : i32
    %dma_wait3A_203 = tpu.memref_slice %arg7[%dma_wait3A_202] : memref<65280xi32, #tpu.memory_space<vmem>> -> memref<65024xi32, #tpu.memory_space<vmem>>
    tpu.wait_dma2 semaphore(%arg11 : memref<!tpu.dma_semaphore, #tpu.memory_space<semaphore_mem>>) src(%arg4 : memref<65024xi32, #tpu.memory_space<hbm>>) dst(%dma_wait3A_203 : memref<65024xi32, #tpu.memory_space<vmem>>)
    return
  }
}

</mosaic_0001>

<sc_bundles>
// kernel: kernel.3.cloned.1.call-start
scs
__scs_entry_jumppad:
0x0: {  	(pc) =	sbr.rel $0x88, $3  }
0x1: {  	(tag) =	ssettag $0x0;
	lr =	simm.s32 $0x1  }
0x2: {  	[smem:$0x3F9F] =	sst lr;
	_ =	strace $0xD0000000  }
0x3: {  	_ = 	snop  }
0x4: {  	_ = 	snop  }
0x5: {  	_ = 	snop  }
0x6: {  	_ = 	snop  }
0x7: {  	_ = 	snop  }
__scs_overlays_trampoline_lowered:
0x8: {  	[smem:$0x3FAE] =	sst s0  }
0x9: {  	[smem:$0x3FAF] =	sst s1  }
0xa: {  	[smem:$0x3FB0] =	sst s2  }
0xb: {  	[smem:$0x3FB1] =	sst s3  }
0xc: {  	[smem:$0x3FB2] =	sst s4  }
0xd: {  	[smem:$0x3FB3] =	sst s5  }
0xe: {  	[smem:$0x3FB4] =	sst s6  }
0xf: {  	[smem:$0x3FB5] =	sst s7  }
0x10: {  	[smem:$0x3FB6] =	sst s8  }
0x11: {  	[smem:$0x3FB7] =	sst s9;
	s0 =	simm.s32 @!p0 $0x0  }
0x12: {  	s1 =	sld [smem:$0x3F9D];
	s0 =	simm.s32 @p0 $0x1  }
0x13: {  	[smem:$0x3FB8] =	sst s0;
	s0 =	simm.s32 @!p1 $0x0  }
0x14: {  	s2 =	sld [smem:$0x3F9C];
	s0 =	simm.s32 @p1 $0x1  }
0x15: {  	[smem:$0x3FB9] =	sst s0;
	s0 =	simm.s32 @!p2 $0x0  }
0x16: {  	s3 =	sld [smem:$0x3FDB];
	s0 =	simm.s32 @p2 $0x1  }
0x17: {  	s4 =	simm.s32 $0x1BF5;
	[smem:$0x3FBB] =	sst s0  }
0x18: {  	s0 =	sld [smem:$0x3F9E];
	_ =	swait.ge [sflag:s4], $0x0  }
0x19: {  	s7 =	sld [smem:$0x3F9F]  }
0x1a: {  	s8 =	sadd.s32 $0xFFFFE003, lr  }
0x1b: {  	s9 =	sadd.s32 $0xFFFFFEF7, lr;
	s5 =	simm.s32 $0xFFFFFFFF;
	p2 =	slt.u32 s8, $0xFFFFF086  }
0x1c: {  	p1 =	slt.u32 s9, $0xF7A;
	s5 =	simm.s32 @!p2 $0x0  }
0x1d: {  	s5 =	simm.s32 @p1 $0x1;
	p0 =	seq.s32 s7, s2  }
0x1e: {  	s7 =	smul.u32 @!p0 $0xF7A, s2;
	p2 =	seq.s32 @!p0 s5, $0x0  }
0x1f: {  	s9 =	smul.u32 $0xF7A, s1;
	s8 =	simm.s32 @!p0 $0x1BF5;
	p2 =	por !p2, p0  }
0x20: {  	[sflag:s8] =	ssyncset.s32 @!p0 $0xFFFFF086;
	s6 =	sadd.s32 @!p0 s3, s7;
	s7 =	simm.s32 @!p0 $0x108  }
0x21: {  	s3 =	sadd.s32 s3, s9;
	s6 =	sadd.s32 @!p0 $0x88, s6;
	s7 =	simm.s32 @p2 $0x1082  }
0x22: {  	[simem:s7], [sflag:s8] =	dma.local @!p0 [hbm:s6], $0xF7A  }
0x23: {  	s9 =	sor.u32 $0xD0000000, s2;
	s6 =	simm.s32 $0x108;
	_ =	swait.ge @!p0 [sflag:s8], $0x0  }
0x24: {  	s3 =	sadd.s32 $0x88, s3;
	s6 =	simm.s32 @!p1 $0x1082;
	[sflag:s4] =	ssyncset.s32 $0xFFFFF086  }
0x25: {  	[simem:s6], [sflag:s4] =	dma.local [hbm:s3], $0xF7A  }
0x26: {  	[smem:$0x3F9F] =	sst s1;
	(tag) =	ssettag s2;
	_ =	strace s9  }
0x27: {  	s1 =	sld [smem:$0x3FAF]  }
0x28: {  	s2 =	sld [smem:$0x3FB0]  }
0x29: {  	s4 =	sld [smem:$0x3FB2]  }
0x2a: {  	p0 =	seq.s32 s5, $0x0;
	s5 =	sld [smem:$0x3FB3]  }
0x2b: {  	s6 =	sld [smem:$0x3FB4]  }
0x2c: {  	s7 =	sld [smem:$0x3FB5]  }
0x2d: {  	s3 =	simm.s32 $0x108;
	s8 =	sld [smem:$0x3FB6]  }
0x2e: {  	s3 =	simm.s32 @!p0 $0x1082;
	s9 =	sld [smem:$0x3FB7]  }
0x2f: {  	lr =	sadd.s32 s0, s3;
	s0 =	sld [smem:$0x3FAE]  }
0x30: {  	s3 =	sld [smem:$0x3FB1]  }
0x31: {  	[smem:$0x3FBA] =	sst s10  }
0x32: {  	s10 =	sld [smem:$0x3FB8];
	_ =	sdelay $0x3  }
0x33: {  	p0 =	seq.s32 s10, $0x1;
	s10 =	sld [smem:$0x3FBA];
	_ =	sdelay $0x3  }
0x34: {  	[smem:$0x3FBA] =	sst s10  }
0x35: {  	s10 =	sld [smem:$0x3FB9];
	_ =	sdelay $0x3  }
0x36: {  	p1 =	seq.s32 s10, $0x1;
	s10 =	sld [smem:$0x3FBA];
	_ =	sdelay $0x3  }
0x37: {  	[smem:$0x3FBA] =	sst s10  }
0x38: {  	s10 =	sld [smem:$0x3FBB]  }
0x39: {  	_ = 	snop;
	(pc) =	sbr.ind lr, $3  }
0x3a: {  	_ = 	snop  }
0x3b: {  	_ = 	snop  }
0x3c: {  	p2 =	seq.s32 s10, $0x1;
	s10 =	sld [smem:$0x3FBA]  }
0x3d: {  	_ =	shalt  }
0x3e: {  	_ =	shalt  }
0x3f: {  	_ =	shalt  }
0x40: {  	_ =	shalt  }
0x41: {  	_ =	shalt  }
0x42: {  	_ =	shalt  }
0x43: {  	_ =	shalt  }
0x44: {  	_ =	shalt  }
0x45: {  	_ =	shalt  }
0x46: {  	_ =	shalt  }
0x47: {  	_ =	shalt  }
0x48: {  	_ =	shalt  }
0x49: {  	_ =	shalt  }
0x4a: {  	_ =	shalt  }
0x4b: {  	_ =	shalt  }
0x4c: {  	_ =	shalt  }
0x4d: {  	_ =	shalt  }
0x4e: {  	_ =	shalt  }
0x4f: {  	_ =	shalt  }
0x50: {  	_ =	shalt  }
0x51: {  	_ =	shalt  }
0x52: {  	_ =	shalt  }
0x53: {  	_ =	shalt  }
0x54: {  	_ =	shalt  }
0x55: {  	_ =	shalt  }
0x56: {  	_ =	shalt  }
0x57: {  	_ =	shalt  }
0x58: {  	_ =	shalt  }
0x59: {  	_ =	shalt  }
0x5a: {  	_ =	shalt  }
0x5b: {  	_ =	shalt  }
0x5c: {  	_ =	shalt  }
0x5d: {  	_ =	shalt  }
0x5e: {  	_ =	shalt  }
0x5f: {  	_ =	shalt  }
0x60: {  	_ =	shalt  }
0x61: {  	_ =	shalt  }
0x62: {  	_ =	shalt  }
0x63: {  	_ =	shalt  }
0x64: {  	_ =	shalt  }
0x65: {  	_ =	shalt  }
0x66: {  	_ =	shalt  }
0x67: {  	_ =	shalt  }
0x68: {  	_ =	shalt  }
0x69: {  	_ =	shalt  }
0x6a: {  	_ =	shalt  }
0x6b: {  	_ =	shalt  }
0x6c: {  	_ =	shalt  }
0x6d: {  	_ =	shalt  }
0x6e: {  	_ =	shalt  }
0x6f: {  	_ =	shalt  }
0x70: {  	_ =	shalt  }
0x71: {  	_ =	shalt  }
0x72: {  	_ =	shalt  }
0x73: {  	_ =	shalt  }
0x74: {  	_ =	shalt  }
0x75: {  	_ =	shalt  }
0x76: {  	_ =	shalt  }
0x77: {  	_ =	shalt  }
0x78: {  	_ =	shalt  }
0x79: {  	_ =	shalt  }
0x7a: {  	_ =	shalt  }
0x7b: {  	_ =	shalt  }
0x7c: {  	_ =	shalt  }
0x7d: {  	_ =	shalt  }
0x7e: {  	_ =	shalt  }
0x7f: {  	_ =	shalt  }
0x80: {  	_ =	shalt  }
0x81: {  	_ =	shalt  }
0x82: {  	_ =	shalt  }
0x83: {  	_ =	shalt  }
0x84: {  	_ =	shalt  }
0x85: {  	_ =	shalt  }
0x86: {  	_ =	shalt  }
0x87: {  	_ =	shalt  }
.Lfunc_end0:
.L_simem_size_0:
called_computation_lowered:
.L_overlay_start_0:
0x88: {  	s2 =	sld [smem:$0x3FD9]  }
0x89: {  	s3 =	sld [smem:$0x3FFE];
	_ =	sdelay $0x1  }
0x8a: {  	s1 =	srdreg.scid  }
0x8b: {  	s0 =	sand.u32 $0x1, s1  }
0x8c: {  	s17 =	sshll.u32 s0, $0xA;
	s2 =	sadd.s32 s3, s2  }
0x8d: {  	s2 =	sadd.s32 s2, s17  }
0x8e: {  	[smem:$0x3FC6] =	sst s2  }
0x8f: {  	_ = 	snop  }
0x90: {  	s2 =	sld [smem:$0x3FC9]  }
0x91: {  	s18 =	sld [smem:$0x3FD0];
	(tm) =	ssettm $0x1  }
0x92: {  	s4 =	sld [smem:$0x3FFB];
	_ =	sdelay $0x3  }
0x93: {  	_ =	strace s4  }
0x94: {  	s4 =	sld [smem:$0x3FFC];
	_ =	sdelay $0x3  }
0x95: {  	_ =	strace s4  }
0x96: {  	s4 =	sld [smem:$0x3FFD];
	_ =	sdelay $0x3  }
0x97: {  	_ =	strace s4  }
0x98: {  	_ =	strace $0x8FFFFFFF  }
0x99: {  	s19 =	sld [smem:$0x3FDB];
	_ =	sdelay $0x1  }
0x9a: {  	s5 =	simm.s32 $_scs_section_size  }
0x9b: {  	s6 =	simm.s32 $_size__tile_overlayer_lowered;
	s7 =	simm.s32 $_tile_overlayer_lowered  }
0x9c: {  	s22 =	simm.s32 $0x1BFF;
	s21 =	sshll.u32 s7, $0x1;
	s4 =	sadd.s32 s5, s19  }
0x9d: {  	s8 =	simm.s32 $0x0;
	s20 =	sshll.u32 s6, $0x1;
	s6 =	sadd.s32 s21, s4  }
0x9e: {  	[timem:s8], [sflag:s22] =	dma.local [hbm:s6], s20  }
0x9f: {  	_ =	swait.ge [sflag:s22], s20  }
0xa0: {  	s5 =	ssub.s32 $0x0, s20;
	[sflag:s22] =	ssyncset.done $0x0  }
0xa1: {  	[sflag:s22] =	ssyncadd.s32 s5;
	_ =	sdelay $0x1  }
0xa2: {  	s23 =	simm.s32 $0x1B8B  }
0xa3: {  	_ =	swait.ge [sflag:s23], $0x1  }
0xa4: {  	[sflag:s23] =	ssyncset.done $0x0  }
0xa5: {  	s25 =	simm.s32 $0x1B8E;
	s24 =	sld [smem:$0x3FFE];
	[sflag:s23] =	ssyncadd.s32 $0xFFFFFFFF  }
0xa6: {  	s26 =	simm.s32 $execute0_lowered;
	[smem:$0x3FD2] =	sst s25  }
0xa7: {  	s6 =	sshll.u32 s26, $0x1;
	_ =	strace $0x80000046;
	[dreg:$0x1] =	wrdreg $0xFFFFFFFF  }
0xa8: {  	s28 =	simm.s32 $_size_execute0_lowered;
	s4 =	sadd.s32 s4, s6;
	[dreg:$0x0] =	wrdreg $0x0  }
0xa9: {  	s6 =	sshll.u32 s28, $0x1;
	[dreg:$0x2] =	wrdreg s4  }
0xaa: {  	[dreg:$0x3] =	wrdreg s6  }
0xab: {  	[dreg:$0x4] =	wrdreg $0xC0  }
0xac: {  	_ =	task [dreg:s8], $0x5FFFF  }
0xad: {  	[dreg:$0x1] =	wrdreg $0xFFFFFFFF  }
0xae: {  	[dreg:$0x0] =	wrdreg $0x60  }
0xaf: {  	[dreg:$0x2] =	wrdreg s2  }
0xb0: {  	[dreg:$0x3] =	wrdreg s24  }
0xb1: {  	[dreg:$0x4] =	wrdreg s18  }
0xb2: {  	[dreg:$0x5] =	wrdreg $0x9  }
0xb3: {  	_ =	task.clear_ibuf [dreg:s8], $0x6FFFF;
	_ =	strace $0x90000046  }
0xb4: {  	s29 =	simm.s32 $0x9;
	_ =	strace $0x80000048  }
0xb5: {  	_ =	swait.ge [sflag:s29], $0x1  }
0xb6: {  	[sflag:s29] =	ssyncadd.s32 $0xFFFFFFFF  }
0xb7: {  	_ =	strace $0x90000048  }
0xb8: {  	_ =	sfence  }
0xb9: {  	s30 =	sld [smem:$0x0];
	_ =	sdelay $0x2  }
0xba: {  	s31 =	sshll.u32 s1, $0xD;
	s1 =	sshrl.u32 s1, $0x2  }
0xbb: {  	s3 =	sand.u32 $0x4000, s31;
	s1 =	sadd.s32 s1, s30  }
0xbc: {  	s0 =	sor.u32 s3, s0;
	s1 =	sshll.u32 s1, $0x11  }
0xbd: {  	s0 =	sor.u32 s1, s0  }
0xbe: {  	s0 =	sadd.s32 $0x8F2B, s0  }
0xbf: {  	[sflag:s0] =	ssyncadd.remote.s32 $0x1  }
0xc0: {  	_ =	sfence.sel $0xFFFF  }
0xc1: {  	[dreg:$0x0] =	wrdreg $0xFFFFFFFF;
	(pc) =	sbr.abs _section_cstart, $3  }
0xc2: {  	[dreg:$0x1] =	wrdreg $0xFFFFFFFF  }
0xc3: {  	_ =	task.clear_ibuf [dreg:s8], $0x2FFFF;
	_ =	strace $0x9FFFFFFF  }
0xc4: {  	(tm) =	ssettm $0x7FFFFFFF  }
0xc5: {  	_ =	shalt  }
tec
execute0_lowered:
.L_overlay_start_1:
0x0: {  	(tag) =	ssettag $0x1  }
0x1: {  	s7 =	rddreg [dreg:$0x0]  }
0x2: {  	v0 =	vimm.s32 $0xEDCBA987;
	s4 =	rddreg [dreg:$0x1]  }
0x3: {  	v1 =	vimm.s32 $0x65432100;
	s8 =	rddreg [dreg:$0x2];
	v3 =	vimm.s32 $0x54321000;
	v4 =	vimm.s32 $0xDCBA9876  }
0x4: {  	s0 =	rddreg [dreg:$0x3];
	s1 =	simm.s32 $0x0;
	v5 =	vimm.s32 $0xBA987654;
	v6 =	vimm.s32 $0x32100000;
	v7 =	vimm.s32 $0xE40000  }
0x5: {  	s3 =	srdreg.scid;
	s2 =	stileid.u32;
	s12 =	simm.s32 $0x1FF00;
	vm0 =	vmmov $0x3;
	vm1 =	vmmov $0xf;
	vm2 =	vcmask $0x3F30  }
0x6: {  	s13 =	simm.s32 $0x3;
	s14 =	simm.s32 $0x1;
	s15 =	simm.s32 $0x8000;
	v0 =	vunpack.c.l.s4.s8 v0;
	v1 =	vunpack.c.l.s4.s8 v1;
	v4 =	vunpack.c.l.s4.s8 v4  }
0x7: {  	s16 =	simm.s32 $0x17F00;
	s17 =	simm.s32 $0x8100;
	s18 =	simm.s32 $0x2;
	v3 =	vunpack.c.l.s4.s8 v3;
	v5 =	vunpack.c.l.s4.s8 v5;
	v6 =	vunpack.c.l.s4.s8 v6  }
0x8: {  	s19 =	simm.s32 $0x0;
	[smem:$0x7FF] =	sst s1;
	s3 =	sand.u32 $0x1, s3;
	v7 =	vunpack.c.l.s2.s4 v7;
	v2 =	vunpack.c.0.s8.s32 v0;
	v4 =	vunpack.c.0.s8.s32 v4  }
0x9: {  	s5 =	sshll.u32 s2, $0x6;
	s9 =	sshll.u32 s2, $0xE;
	_ =	strace $0x80000047;
	v1 =	vunpack.c.0.s8.s32 v1;
	v3 =	vunpack.c.0.s8.s32 v3;
	v5 =	vunpack.c.0.s8.s32 v5  }
0xa: {  	s6 =	sshll.u32 s3, $0x5;
	s5 =	sand.u32 $0x40, s5;
	s10 =	ssub.s32 $0x2, s3;
	v6 =	vunpack.c.0.s8.s32 v6;
	v7 =	vunpack.c.l.s4.s8 v7;
	v4 =	vand.u32 $0xF, v4  }
0xb: {  	s9 =	sand.u32 $0x38000, s9;
	s3 =	sadd.s32 $0x400, s4;
	s5 =	sor.u32 s6, s5;
	v2 =	vand.u32 $0xF, v2;
	v3 =	vcombine.low v3, v4;
	v4 =	vand.u32 $0xF, v5  }
0xc: {  	s4 =	sadd.s32 $0x600, s4;
	s31 =	sshrl.u32 s10, $0x1;
	s9 =	sor.u32 s9, s5;
	v7 =	vunpack.c.0.s8.s32 v7;
	v4 =	vcombine.low v6, v4;
	v6 =	vimm.s32 $0x7060504  }
0xd: {  	v0 =	vimm.s32 $0x0;
	s10 =	ssub.s32 s10, s31;
	s11 =	sor.u32 $0x10, s9;
	s5 =	sadd.s32 s7, s9;
	v1 =	vcombine.low v1, v2;
	v6 =	vunpack.c.0.s8.s32 v6  }
0xe: {  	s6 =	sadd.s32 s8, s9;
	s9 =	smax.u32 s10, $0x1;
	s10 =	simm.s32 $0x80;
	v2 =	vimm.s32 $0x1;
	v5 =	vlaneseq.u32;
	v7 =	vand.u32 $0x3, v7  }
0xf: {  	s7 =	sadd.s32 s7, s11;
	s8 =	sadd.s32 s8, s11;
	s11 =	simm.s32 $0x400;
	v6 =	vsel vm2, v6, v7;
	vm2 =	vmmov $0xff;
	v7 =	vimm.s32 $0xF  }
.LBB2_1:
0x10: {  	[tilespmem:s1], [sflag:$0x1] =	stream.strided.gather [hbm4b:s5+s10], $0x8000, s11, s10, $0x38;
	[tilespmem:$0x1FF80] =	vst v63  }
0x11: {  	_ = 	snop  }
0x12: {  	[tilespmem:s12], [sflag:$0x3] =	stream.linear.gather [hbm4b:s3+s1], $0x80, $0x38;
	[tilespmem:$0x1FF80] =	vst v63  }
0x13: {  	_ =	swait.ge [sflag:s13], $0x80  }
0x14: {  	[sflag:s13] =	ssyncset.done $0x0  }
0x15: {  	s21 =	simm.s32 $0x8040;
	[sflag:s13] =	ssyncadd.s32 $0xFFFFFF80  }
0x16: {  	v8 =	vld [tilespmem:$0x1FF00];
	[tilespmem:s21+$0xFFFFFFC0] =	vst v0  }
0x17: {  	[tilespmem:s21+$0x30] =	vst v0  }
0x18: {  	[tilespmem:s21+$0x20] =	vst v0  }
0x19: {  	[tilespmem:s21+$0x10] =	vst v0  }
0x1a: {  	[tilespmem:s21+$0x0] =	vst v0  }
0x1b: {  	[tilespmem:s21+$0xFFFFFFF0] =	vst v0  }
0x1c: {  	s22 =	simm.s32 $0x0;
	[tilespmem:s21+$0xFFFFFFE0] =	vst v0  }
.LBB2_2:
0x1d: {  	s22 =	sadd.s32 $0x80, s22;
	[tilespmem:s21+$0xFFFFFFD0] =	vst v0;
	s21 =	sadd.s32 $0x80, s21;
	s20 =	simm.s32 $0x17F40  }
0x1e: {  	[tilespmem:s21+$0xFFFFFFC0] =	vst v0;
	p0 =	slt.u32 s22, $0xFE80  }
0x1f: {  	[tilespmem:s21+$0x30] =	vst v0  }
.Ltmp0:
0x20: {  	[tilespmem:s21+$0x20] =	vst v0;
	(pc) =	sbr.rel @p0 .LBB2_2-.Ltmp0, $4  }
0x21: {  	[tilespmem:s21+$0x10] =	vst v0  }
0x22: {  	[tilespmem:s21+$0x0] =	vst v0  }
0x23: {  	[tilespmem:s21+$0xFFFFFFF0] =	vst v0  }
0x24: {  	[tilespmem:s21+$0xFFFFFFE0] =	vst v0  }
0x25: {  	[tilespmem:s21+$0xFFFFFFD0] =	vst v0  }
0x26: {  	[tilespmem:s20+$0xFFFFFFC0] =	vst v0  }
0x27: {  	[tilespmem:s20+$0x30] =	vst v0  }
0x28: {  	[tilespmem:s20+$0x20] =	vst v0  }
0x29: {  	[tilespmem:s20+$0x10] =	vst v0  }
0x2a: {  	[tilespmem:s20+$0x0] =	vst v0  }
0x2b: {  	[tilespmem:s20+$0xFFFFFFF0] =	vst v0  }
0x2c: {  	s21 =	simm.s32 $0x0;
	[tilespmem:s20+$0xFFFFFFE0] =	vst v0  }
.LBB2_4:
0x2d: {  	s21 =	sadd.s32 $0x80, s21;
	[tilespmem:s20+$0xFFFFFFD0] =	vst v0;
	s20 =	sadd.s32 $0x80, s20  }
0x2e: {  	[tilespmem:s20+$0xFFFFFFC0] =	vst v0;
	p0 =	slt.u32 s21, $0x7F80  }
0x2f: {  	[tilespmem:s20+$0x30] =	vst v0  }
.Ltmp1:
0x30: {  	[tilespmem:s20+$0x20] =	vst v0;
	(pc) =	sbr.rel @p0 .LBB2_4-.Ltmp1, $4  }
0x31: {  	[tilespmem:s20+$0x10] =	vst v0  }
0x32: {  	[tilespmem:s20+$0x0] =	vst v0  }
0x33: {  	[tilespmem:s20+$0xFFFFFFF0] =	vst v0  }
0x34: {  	[tilespmem:s20+$0xFFFFFFE0] =	vst v0  }
0x35: {  	[tilespmem:s20+$0xFFFFFFD0] =	vst v0  }
0x36: {  	_ =	swait.ge [sflag:s14], $0x8000  }
0x37: {  	[sflag:s14] =	ssyncset.done $0x0  }
0x38: {  	s31 =	simm.s32 $0x40;
	[sflag:s14] =	ssyncadd.s32 $0xFFFF8000  }
0x39: {  	v9 =	vld [tilespmem:s31+$0x30];
	_ =	sdelay $0x1  }
0x3a: {  	v10 =	vld [tilespmem:s31+$0xFFFFFFD0];
	_ =	sdelay $0x1  }
0x3b: {  	v11 =	vld [tilespmem:s31+$0xFFFFFFE0]  }
0x3c: {  	v12 =	vshrl.u32 v9, $0xF  }
0x3d: {  	v13 =	vld [tilespmem:s31+$0xFFFFFFC0];
	v9 =	vshrl.u32 v9, $0x17;
	v12 =	vand.u32 $0xFFFF, v12  }
0x3e: {  	v14 =	vld [tilespmem:s31+$0xFFFFFFF0];
	v15 =	vshrl.u32 v10, $0xF;
	v9 =	vand.u32 $0xFF, v9  }
0x3f: {  	v16 =	vld [tilespmem:s31+$0x0];
	v10 =	vshrl.u32 v10, $0x17;
	v15 =	vand.u32 $0xFFFF, v15  }
0x40: {  	v17 =	vld [tilespmem:s31+$0x10];
	v18 =	vshrl.u32 v11, $0xF;
	v10 =	vand.u32 $0xFF, v10  }
0x41: {  	v19 =	vld [tilespmem:s31+$0x20];
	v11 =	vshrl.u32 v11, $0x17;
	v18 =	vand.u32 $0xFFFF, v18  }
0x42: {  	v11 =	vand.u32 $0xFF, v11;
	[tilespmem:v12+s15+$0x0] =	vst.idx.add.s32.msk $0xffff, v2;
	v12 =	vshrl.u32 v13, $0xF  }
0x43: {  	v13 =	vshrl.u32 v13, $0x17;
	[tilespmem:v9+s16+$0x0] =	vst.idx.add.s32.msk $0xffff, v2;
	v9 =	vand.u32 $0xFFFF, v12  }
0x44: {  	[tilespmem:v15+s15+$0x0] =	vst.idx.add.s32.msk $0xffff, v2;
	v12 =	vshrl.u32 v14, $0xF;
	v13 =	vand.u32 $0xFF, v13  }
0x45: {  	[tilespmem:v10+s16+$0x0] =	vst.idx.add.s32.msk $0xffff, v2;
	v10 =	vshrl.u32 v16, $0xF;
	v12 =	vand.u32 $0xFFFF, v12  }
0x46: {  	[tilespmem:v18+s15+$0x0] =	vst.idx.add.s32.msk $0xffff, v2;
	v14 =	vshrl.u32 v14, $0x17;
	v10 =	vand.u32 $0xFFFF, v10  }
0x47: {  	v15 =	vshrl.u32 v16, $0x17;
	[tilespmem:v11+s16+$0x0] =	vst.idx.add.s32.msk $0xffff, v2;
	v14 =	vand.u32 $0xFF, v14  }
0x48: {  	v15 =	vand.u32 $0xFF, v15;
	[tilespmem:v9+s15+$0x0] =	vst.idx.add.s32.msk $0xffff, v2  }
0x49: {  	[tilespmem:v13+s16+$0x0] =	vst.idx.add.s32.msk $0xffff, v2  }
0x4a: {  	[tilespmem:v12+s15+$0x0] =	vst.idx.add.s32.msk $0xffff, v2  }
0x4b: {  	v63 =	vshrl.u32 v19, $0x17;
	v9 =	vshrl.u32 v17, $0xF;
	[tilespmem:v10+s15+$0x0] =	vst.idx.add.s32.msk $0xffff, v2  }
0x4c: {  	s21 =	simm.s32 $0x0;
	v11 =	vshrl.u32 v17, $0x17;
	v13 =	vand.u32 $0xFFFF, v9;
	[tilespmem:v14+s16+$0x0] =	vst.idx.add.s32.msk $0xffff, v2;
	v14 =	vshrl.u32 v19, $0xF  }
0x4d: {  	s20 =	simm.s32 $0xF0;
	s22 =	simm.s32 $0x17FF0;
	s23 =	simm.s32 $0xC0;
	v12 =	vand.u32 $0xFF, v11;
	v10 =	vand.u32 $0xFF, v63;
	[tilespmem:v15+s16+$0x0] =	vst.idx.add.s32.msk $0xffff, v2;
	v11 =	vand.u32 $0xFFFF, v14  }
.LBB2_6:
0x4e: {  	v14 =	vld [tilespmem:s23+$0x30]  }
0x4f: {  	s21 =	sadd.s32 $0x80, s21;
	v15 =	vld [tilespmem:s23+$0xFFFFFFD0]  }
0x50: {  	p0 =	slt.u32 s21, $0x7F80;
	v16 =	vld [tilespmem:s23+$0xFFFFFFE0]  }
0x51: {  	v17 =	vld [tilespmem:s23+$0xFFFFFFF0]  }
0x52: {  	v18 =	vld [tilespmem:s23+$0x0]  }
0x53: {  	v9 =	vimm.s32 $0x0;
	v19 =	vld [tilespmem:s23+$0x10];
	v20 =	vshrl.u32 v14, $0xF  }
0x54: {  	v14 =	vshrl.u32 v14, $0x17;
	v21 =	vshrl.u32 v15, $0xF;
	v22 =	vld [tilespmem:s23+$0x20];
	v20 =	vand.u32 $0xFFFF, v20  }
0x55: {  	v15 =	vshrl.u32 v15, $0x17;
	v14 =	vand.u32 $0xFF, v14;
	v23 =	vld [tilespmem:s23+$0xFFFFFFC0];
	v24 =	vshrl.u32 v16, $0xF  }
0x56: {  	v16 =	vshrl.u32 v16, $0x17;
	v25 =	vshrl.u32 v17, $0xF;
	v17 =	vshrl.u32 v17, $0x17;
	[tilespmem:v13+s15+$0x0] =	vst.idx.add.s32.msk $0xffff, v2  }
0x57: {  	v13 =	vand.u32 $0xFFFF, v21;
	v21 =	vshrl.u32 v18, $0xF;
	v18 =	vshrl.u32 v18, $0x17;
	[tilespmem:v12+s16+$0x0] =	vst.idx.add.s32.msk $0xffff, v2  }
0x58: {  	v12 =	vand.u32 $0xFF, v15;
	v15 =	vshrl.u32 v19, $0xF;
	v19 =	vshrl.u32 v19, $0x17;
	[tilespmem:v11+s15+$0x0] =	vst.idx.add.s32.msk $0xffff, v2  }
0x59: {  	v24 =	vand.u32 $0xFFFF, v24;
	v11 =	vshrl.u32 v22, $0xF;
	v22 =	vshrl.u32 v22, $0x17;
	[tilespmem:v20+s15+$0x0] =	vst.idx.add.s32.msk $0xffff, v2  }
0x5a: {  	v16 =	vand.u32 $0xFF, v16;
	v20 =	vshrl.u32 v23, $0xF;
	v23 =	vshrl.u32 v23, $0x17;
	[tilespmem:v14+s16+$0x0] =	vst.idx.add.s32.msk $0xffff, v2  }
0x5b: {  	v14 =	vand.u32 $0xFFFF, v20;
	v20 =	vand.u32 $0xFF, v23;
	v23 =	vand.u32 $0xFFFF, v25;
	[tilespmem:v10+s16+$0x0] =	vst.idx.add.s32.msk $0xffff, v2  }
0x5c: {  	v17 =	vand.u32 $0xFF, v17;
	v21 =	vand.u32 $0xFFFF, v21;
	v18 =	vand.u32 $0xFF, v18;
	[tilespmem:v13+s15+$0x0] =	vst.idx.add.s32.msk $0xffff, v2  }
0x5d: {  	v11 =	vand.u32 $0xFFFF, v11;
	v13 =	vand.u32 $0xFFFF, v15;
	[tilespmem:v12+s16+$0x0] =	vst.idx.add.s32.msk $0xffff, v2;
	v12 =	vand.u32 $0xFF, v19  }
0x5e: {  	v10 =	vand.u32 $0xFF, v22;
	[tilespmem:v24+s15+$0x0] =	vst.idx.add.s32.msk $0xffff, v2  }
0x5f: {  	[tilespmem:v16+s16+$0x0] =	vst.idx.add.s32.msk $0xffff, v2  }
0x60: {  	[tilespmem:v14+s15+$0x0] =	vst.idx.add.s32.msk $0xffff, v2  }
.Ltmp2:
0x61: {  	[tilespmem:v20+s16+$0x0] =	vst.idx.add.s32.msk $0xffff, v2;
	(pc) =	sbr.rel @p0 .LBB2_6-.Ltmp2, $4  }
0x62: {  	[tilespmem:v23+s15+$0x0] =	vst.idx.add.s32.msk $0xffff, v2  }
0x63: {  	[tilespmem:v17+s16+$0x0] =	vst.idx.add.s32.msk $0xffff, v2  }
0x64: {  	[tilespmem:v21+s15+$0x0] =	vst.idx.add.s32.msk $0xffff, v2  }
0x65: {  	s23 =	sadd.s32 $0x80, s23;
	[tilespmem:v18+s16+$0x0] =	vst.idx.add.s32.msk $0xffff, v2  }
0x66: {  	_ =	sdelay $0x3  }
0x67: {  	[tilespmem:v13+s15+$0x0] =	vst.idx.add.s32.msk $0xffff, v2  }
0x68: {  	[tilespmem:v11+s15+$0x0] =	vst.idx.add.s32.msk $0xffff, v2  }
0x69: {  	[tilespmem:v12+s16+$0x0] =	vst.idx.add.s32.msk $0xffff, v2  }
0x6a: {  	[tilespmem:v10+s16+$0x0] =	vst.idx.add.s32.msk $0xffff, v2  }
0x6b: {  	v11 =	vld [tilespmem:s22+$0x0];
	_ =	sdelay $0x4  }
0x6c: {  	v10 =	vperm.xlane v11, v1  }
0x6d: {  	vm3 =	veq.s32 v5, $0x0  }
0x6e: {  	v10 =	vsel vm3, $0x0, v10  }
0x6f: {  	v10 =	vadd.s32 v11, v10  }
0x70: {  	v12 =	vperm.xlane v10, v3  }
0x71: {  	s21 =	simm.s32 $0x17FE0  }
0x72: {  	v14 =	vld [tilespmem:s21+$0x0];
	v12 =	vsel vm0, $0x0, v12  }
0x73: {  	v10 =	vadd.s32 v12, v10  }
0x74: {  	v12 =	vperm.xlane v10, v4;
	_ =	sdelay $0x1  }
0x75: {  	v12 =	vsel vm1, $0x0, v12  }
0x76: {  	v13 =	vperm.xlane v14, v1;
	v10 =	vadd.s32 v12, v10  }
0x77: {  	v12 =	vperm.xlane v10, v6  }
0x78: {  	v13 =	vsel vm3, $0x0, v13  }
0x79: {  	v13 =	vadd.s32 v14, v13;
	v12 =	vsel vm2, $0x0, v12  }
0x7a: {  	s24 =	simm.s32 $0x17FD0;
	v16 =	vperm.xlane v13, v3;
	v10 =	vadd.s32 v12, v10  }
0x7b: {  	v15 =	vld [tilespmem:s24+$0x0];
	v12 =	vperm.xlane v10, v7  }
0x7c: {  	v16 =	vsel vm0, $0x0, v16  }
0x7d: {  	v13 =	vadd.s32 v16, v13;
	v11 =	vsub.s32 v11, v10;
	v18 =	vadd.s32 v9, v12  }
0x7e: {  	v12 =	vperm.xlane v13, v4;
	v11 =	vadd.s32 v18, v11  }
0x7f: {  	vm4 =	vge.s32 v11, v8  }
0x80: {  	v16 =	vperm.xlane v15, v1;
	v11 =	vsel vm1, $0x0, v12;
	v12 =	vmpcnt.ones.xlane vm4  }
0x81: {  	v19 =	vadd.s32 v11, v13  }
0x82: {  	vm5 =	vgt.s32 v12, $0x0;
	v17 =	vadd.s32 $0xFFFFFFFF, v12;
	v12 =	vsel vm3, $0x0, v16  }
0x83: {  	vm4 =	veq.s32 v9, $0x0;
	v11 =	vsub.s32 v8, v18;
	v13 =	vperm.xlane v19, v6  }
0x84: {  	s23 =	simm.s32 $0xD0;
	vm6 =	vgt.s32 v17, $0x0;
	v16 =	vsel vm5, $0x1, v9;
	v20 =	vadd.s32 v15, v12  }
0x85: {  	s25 =	simm.s32 $0xB0;
	s22 =	simm.s32 $0xE0;
	s21 =	simm.s32 $0xC0;
	v21 =	vsel vm2, $0x0, v13;
	v13 =	vimm.s32 $0x0;
	vm7 =	veq.s32 v16, $0x0;
	v12 =	vmovc v8  }
.LBB2_8:
0x86: {  	v22 =	vperm.xlane v20, v3  }
0x87: {  	p0 =	sne.s32 s25, $0x0;
	v19 =	vadd.s32 v21, v19;
	v9 =	vsel vm7, v18, v9;
	vm7 =	vmmov vm4  }
0x88: {  	s24 =	sadd.s32 $0xFFFFFFF0, s24;
	vm4 =	veq.s32 v16, $0x0;
	v17 =	vnsel vm6, $0x0, v17;
	v18 =	vperm.xlane v19, v7  }
0x89: {  	v23 =	vperm.xlane v10, v17;
	v17 =	vadd.s32 s20, v17;
	v10 =	vmovc v19;
	s20 =	smov.u32 s22;
	s22 =	smov.u32 s23;
	s23 =	smov.u32 s21;
	v21 =	vld [tilespmem:s24+$0x0];
	v22 =	vsel vm0, $0x0, v22  }
0x8a: {  	s21 =	smov.u32 s25;
	v19 =	vadd.s32 v22, v20;
	v18 =	vadd.s32 v9, v18;
	v20 =	vsub.s32 v14, v10;
	v14 =	vmovc v15  }
0x8b: {  	v24 =	vperm.xlane v19, v4;
	v20 =	vadd.s32 v18, v20;
	v22 =	vsub.s32 v8, v18  }
0x8c: {  	vm5 =	vmand vm7, vm5;
	vm6 =	vge.s32 v20, v8;
	v20 =	vadd.s32 v23, v11;
	v11 =	vmovc v22  }
.Ltmp3:
0x8d: {  	v23 =	vsel vm1, $0x0, v24;
	v22 =	vmpcnt.ones.xlane vm6;
	v12 =	vsel vm5, v20, v12;
	(pc) =	sbr.rel @p0 .LBB2_8-.Ltmp3, $4  }
0x8e: {  	v13 =	vsel vm5, v17, v13;
	v20 =	vperm.xlane v21, v1;
	v19 =	vadd.s32 v23, v19;
	v15 =	vmovc v21  }
0x8f: {  	v21 =	vperm.xlane v19, v6;
	vm5 =	vgt.s32 v22, $0x0;
	v17 =	vadd.s32 $0xFFFFFFFF, v22  }
0x90: {  	v20 =	vsel vm3, $0x0, v20;
	vm6 =	vgt.s32 v17, $0x0;
	v16 =	vsel vm5, $0x1, v16  }
0x91: {  	s25 =	sadd.s32 $0xFFFFFFF0, s25;
	v20 =	vadd.s32 v15, v20;
	v21 =	vsel vm2, $0x0, v21;
	vm7 =	veq.s32 v16, $0x0  }
0x92: {  	s24 =	sadd.s32 $0xFFFFFFF0, s24  }
0x93: {  	v22 =	vperm.xlane v20, v3;
	v23 =	vld [tilespmem:s24+$0x0];
	_ =	sdelay $0x1  }
0x94: {  	v19 =	vadd.s32 v21, v19;
	v21 =	vsel vm0, $0x0, v22  }
0x95: {  	v22 =	vperm.xlane v19, v7;
	v20 =	vadd.s32 v21, v20  }
0x96: {  	v9 =	vsel vm7, v18, v9;
	v18 =	vperm.xlane v20, v4  }
0x97: {  	v14 =	vsub.s32 v14, v19;
	v21 =	vadd.s32 v9, v22;
	v22 =	vperm.xlane v23, v1  }
0x98: {  	vm3 =	veq.s32 v5, $0x0;
	v14 =	vadd.s32 v21, v14;
	v18 =	vsel vm1, $0x0, v18  }
0x99: {  	vm8 =	vge.s32 v14, v8;
	v14 =	vadd.s32 v18, v20;
	v18 =	vsel vm3, $0x0, v22  }
0x9a: {  	v20 =	vmpcnt.ones.xlane vm8;
	v22 =	vperm.xlane v14, v6;
	v18 =	vadd.s32 v23, v18  }
0x9b: {  	v24 =	vperm.xlane v18, v3  }
0x9c: {  	vm9 =	vgt.s32 v20, $0x0;
	v22 =	vsel vm2, $0x0, v22  }
0x9d: {  	v16 =	vsel vm9, $0x1, v16;
	v22 =	vadd.s32 v22, v14;
	v14 =	vsel vm0, $0x0, v24  }
0x9e: {  	vm14 =	veq.s32 v16, $0x0;
	v61 =	vperm.xlane v22, v7;
	v14 =	vadd.s32 v14, v18  }
0x9f: {  	v9 =	vsel vm14, v21, v9;
	v18 =	vperm.xlane v14, v4  }
0xa0: {  	v15 =	vsub.s32 v15, v22;
	v24 =	vadd.s32 v9, v61  }
0xa1: {  	v15 =	vadd.s32 v24, v15;
	v18 =	vsel vm1, $0x0, v18  }
0xa2: {  	vm10 =	vge.s32 v15, v8;
	v14 =	vadd.s32 v18, v14  }
0xa3: {  	v15 =	vmpcnt.ones.xlane vm10;
	v18 =	vperm.xlane v14, v6;
	_ =	sdelay $0x1  }
0xa4: {  	vm10 =	vgt.s32 v15, $0x0;
	v18 =	vsel vm2, $0x0, v18  }
0xa5: {  	vm4 =	vmmov vm4;
	v16 =	vsel vm10, $0x1, v16;
	v18 =	vadd.s32 v18, v14  }
0xa6: {  	v17 =	vnsel vm6, $0x0, v17;
	vm11 =	veq.s32 v16, $0x0;
	v14 =	vperm.xlane v18, v7  }
0xa7: {  	vm5 =	vmand vm4, vm5;
	v16 =	vadd.s32 $0xFFFFFFFF, v20;
	v9 =	vsel vm11, v24, v9  }
0xa8: {  	vm4 =	vgt.s32 v16, $0x0;
	v20 =	vadd.s32 v9, v14;
	v9 =	vsub.s32 v23, v18  }
0xa9: {  	v16 =	vnsel vm4, $0x0, v16;
	vm4 =	vmmov vm7;
	v9 =	vadd.s32 v20, v9  }
0xaa: {  	vm6 =	vmand vm4, vm9;
	v14 =	vadd.s32 $0xFFFFFFFF, v15;
	vm4 =	vge.s32 v9, v8  }
0xab: {  	v9 =	vadd.s32 s20, v17;
	v15 =	vmpcnt.ones.xlane vm4;
	vm4 =	vgt.s32 v14, $0x0  }
0xac: {  	v9 =	vsel vm5, v9, v13;
	v13 =	vadd.s32 s22, v16;
	v23 =	vnsel vm4, $0x0, v14  }
0xad: {  	v9 =	vsel vm6, v13, v9;
	vm4 =	vmmov vm14;
	v13 =	vadd.s32 $0xFFFFFFFF, v15  }
0xae: {  	vm15 =	vmmov vm11;
	vm7 =	vmand vm4, vm10;
	vm4 =	vgt.s32 v13, $0x0  }
0xaf: {  	v14 =	vadd.s32 s23, v23;
	v25 =	vnsel vm4, $0x0, v13;
	vm4 =	vgt.s32 v15, $0x0  }
0xb0: {  	v9 =	vsel vm7, v14, v9;
	vm4 =	vmand vm15, vm4;
	v13 =	vadd.s32 s21, v25  }
0xb1: {  	v9 =	vsel vm4, v13, v9  }
0xb2: {  	v9 =	vshll.u32 v9, $0x8  }
0xb3: {  	s22 =	simm.s32 $0xF0;
	v14 =	vor.u32 v5, v9  }
0xb4: {  	v13 =	vor.u32 s22, v14;
	_ =	sdelay $0x4  }
0xb5: {  	v15 =	vld.idx.msk [tilespmem:v13+s15+$0x0], $0xffff;
	_ =	sdelay $0x4  }
0xb6: {  	v13 =	vperm.xlane v15, v1  }
0xb7: {  	s20 =	simm.s32 $0xE0  }
0xb8: {  	v26 =	vor.u32 s20, v14;
	v13 =	vsel vm3, $0x0, v13  }
0xb9: {  	v27 =	vadd.s32 v15, v13  }
0xba: {  	v28 =	vperm.xlane v27, v3;
	_ =	sdelay $0x1  }
0xbb: {  	v62 =	vsel vm0, $0x0, v28  }
0xbc: {  	v10 =	vperm.xlane v10, v17;
	v13 =	vld.idx.msk [tilespmem:v26+s15+$0x0], $0xffff;
	v17 =	vadd.s32 v62, v27  }
0xbd: {  	v26 =	vperm.xlane v17, v4  }
0xbe: {  	v10 =	vadd.s32 v10, v11;
	v11 =	vperm.xlane v19, v16  }
0xbf: {  	v10 =	vsel vm5, v10, v12;
	v12 =	vsub.s32 v8, v21;
	v16 =	vsel vm1, $0x0, v26  }
0xc0: {  	v11 =	vadd.s32 v11, v12;
	v12 =	vadd.s32 v16, v17  }
0xc1: {  	v10 =	vsel vm6, v11, v10;
	v16 =	vperm.xlane v13, v1;
	v11 =	vperm.xlane v12, v6  }
0xc2: {  	v20 =	vsub.s32 v8, v20;
	v19 =	vperm.xlane v22, v23;
	v18 =	vperm.xlane v18, v25;
	s21 =	simm.s32 $0xD0  }
0xc3: {  	v63 =	vor.u32 s21, v14;
	v16 =	vsel vm3, $0x0, v16;
	v11 =	vsel vm2, $0x0, v11  }
0xc4: {  	v17 =	vsub.s32 v8, v24;
	v16 =	vadd.s32 v13, v16;
	v11 =	vadd.s32 v11, v12  }
0xc5: {  	v17 =	vadd.s32 v19, v17;
	v12 =	vperm.xlane v16, v3;
	v19 =	vperm.xlane v11, v7  }
0xc6: {  	v10 =	vsel vm7, v17, v10;
	v17 =	vadd.s32 v18, v20;
	v18 =	vimm.s32 $0x0  }
0xc7: {  	v15 =	vsub.s32 v15, v11;
	v12 =	vsel vm0, $0x0, v12;
	v20 =	vadd.s32 v18, v19  }
0xc8: {  	v10 =	vsel vm4, v17, v10;
	v17 =	vld.idx.msk [tilespmem:v63+s15+$0x0], $0xffff;
	v22 =	vadd.s32 v12, v16;
	v12 =	vadd.s32 v20, v15  }
0xc9: {  	vm4 =	veq.s32 v18, $0x0;
	v15 =	vperm.xlane v22, v4;
	vm5 =	vge.s32 v12, v10  }
0xca: {  	vm4 =	vmmov vm4;
	v19 =	vimm.s32 $0x0;
	v21 =	vmpcnt.ones.xlane vm5  }
0xcb: {  	s24 =	simm.s32 $0xB0;
	s23 =	simm.s32 $0xC0;
	v16 =	vmovc v10;
	v12 =	vsub.s32 v10, v20;
	v23 =	vsel vm1, $0x0, v15;
	v15 =	vimm.s32 $0x0  }
.LBB2_10:
0xcc: {  	p0 =	sne.s32 s24, $0x0;
	v22 =	vadd.s32 v23, v22;
	vm6 =	vgt.s32 v21, $0x0;
	v21 =	vadd.s32 $0xFFFFFFFF, v21  }
0xcd: {  	v23 =	vperm.xlane v17, v1;
	v24 =	vperm.xlane v22, v6;
	v18 =	vsel vm6, $0x1, v18  }
0xce: {  	v25 =	vor.u32 s23, v14;
	vm7 =	vgt.s32 v21, $0x0;
	vm5 =	veq.s32 v18, $0x0  }
0xcf: {  	v23 =	vsel vm3, $0x0, v23;
	v24 =	vsel vm2, $0x0, v24;
	v19 =	vsel vm5, v20, v19  }
0xd0: {  	v21 =	vnsel vm7, $0x0, v21;
	v23 =	vadd.s32 v17, v23;
	v20 =	vadd.s32 v24, v22  }
0xd1: {  	v22 =	vperm.xlane v23, v3;
	v24 =	vperm.xlane v20, v7  }
0xd2: {  	vm4 =	vmand vm4, vm6;
	v26 =	vperm.xlane v11, v21;
	v27 =	vadd.s32 s22, v21;
	s22 =	smov.u32 s20;
	s20 =	smov.u32 s21;
	s21 =	smov.u32 s23;
	v11 =	vmovc v20  }
.Ltmp4:
0xd3: {  	s23 =	smov.u32 s24;
	v21 =	vsel vm0, $0x0, v22;
	v20 =	vadd.s32 v19, v24;
	v24 =	vsub.s32 v13, v11;
	v13 =	vmovc v17;
	v17 =	vld.idx.msk [tilespmem:v25+s15+$0x0], $0xffff;
	(pc) =	sbr.rel @p0 .LBB2_10-.Ltmp4, $4  }
0xd4: {  	v22 =	vadd.s32 v21, v23;
	v21 =	vadd.s32 v20, v24;
	v23 =	vsub.s32 v10, v20  }
0xd5: {  	v25 =	vadd.s32 v26, v12;
	v24 =	vperm.xlane v22, v4;
	vm6 =	vge.s32 v21, v10;
	v12 =	vmovc v23  }
0xd6: {  	v15 =	vsel vm4, v27, v15;
	v16 =	vsel vm4, v25, v16;
	v21 =	vmpcnt.ones.xlane vm6  }
0xd7: {  	s24 =	sadd.s32 $0xFFFFFFF0, s24;
	vm4 =	vmmov vm5;
	v23 =	vsel vm1, $0x0, v24  }
0xd8: {  	v14 =	vor.u32 s23, v14  }
0xd9: {  	v24 =	vperm.xlane v17, v1  }
0xda: {  	vm5 =	veq.s32 v5, $0x0  }
0xdb: {  	v22 =	vadd.s32 v23, v22;
	v40 =	vsel vm5, $0x0, v24  }
0xdc: {  	v41 =	vperm.xlane v22, v6;
	v23 =	vadd.s32 v17, v40  }
0xdd: {  	v25 =	vperm.xlane v23, v3;
	v14 =	vld.idx.msk [tilespmem:v14+s15+$0x0], $0xffff  }
0xde: {  	vm7 =	vgt.s32 v21, $0x0;
	v24 =	vsel vm2, $0x0, v41  }
0xdf: {  	v18 =	vsel vm7, $0x1, v18;
	v22 =	vadd.s32 v24, v22;
	v42 =	vsel vm0, $0x0, v25  }
0xe0: {  	vm3 =	veq.s32 v18, $0x0;
	v43 =	vperm.xlane v22, v7;
	v23 =	vadd.s32 v42, v23  }
0xe1: {  	v19 =	vsel vm3, v20, v19;
	v44 =	vperm.xlane v23, v4  }
0xe2: {  	v13 =	vsub.s32 v13, v22;
	v45 =	vadd.s32 v19, v43;
	v46 =	vperm.xlane v14, v1  }
0xe3: {  	v13 =	vadd.s32 v45, v13;
	v20 =	vsel vm1, $0x0, v44  }
0xe4: {  	vm6 =	vge.s32 v13, v10;
	v13 =	vadd.s32 v20, v23;
	v47 =	vsel vm5, $0x0, v46  }
0xe5: {  	v48 =	vmpcnt.ones.xlane vm6;
	v49 =	vperm.xlane v13, v6;
	v20 =	vadd.s32 v14, v47  }
0xe6: {  	v26 =	vperm.xlane v20, v3  }
0xe7: {  	vm6 =	vgt.s32 v48, $0x0;
	v25 =	vsel vm2, $0x0, v49  }
0xe8: {  	v18 =	vsel vm6, $0x1, v18;
	v13 =	vadd.s32 v25, v13;
	v51 =	vsel vm0, $0x0, v26  }
0xe9: {  	vm5 =	veq.s32 v18, $0x0;
	v52 =	vperm.xlane v13, v7;
	v20 =	vadd.s32 v51, v20  }
0xea: {  	v50 =	vadd.s32 $0xFFFFFFFF, v21;
	v19 =	vsel vm5, v45, v19;
	v25 =	vperm.xlane v20, v4  }
0xeb: {  	vm8 =	vgt.s32 v50, $0x0;
	v53 =	vsub.s32 v17, v13;
	v26 =	vadd.s32 v19, v52  }
0xec: {  	v21 =	vnsel vm8, $0x0, v50;
	v17 =	vadd.s32 v26, v53;
	v25 =	vsel vm1, $0x0, v25  }
0xed: {  	v11 =	vperm.xlane v11, v21;
	vm14 =	vge.s32 v17, v10;
	v54 =	vadd.s32 v25, v20  }
0xee: {  	vm4 =	vmand vm4, vm7;
	v56 =	vmpcnt.ones.xlane vm14;
	v25 =	vperm.xlane v54, v6  }
0xef: {  	v55 =	vadd.s32 s22, v21;
	vm3 =	vmmov vm3;
	v11 =	vadd.s32 v11, v12  }
0xf0: {  	v12 =	vsel vm4, v55, v15;
	vm7 =	vgt.s32 v56, $0x0;
	v15 =	vsel vm2, $0x0, v25  }
0xf1: {  	v11 =	vsel vm4, v11, v16;
	v18 =	vsel vm7, $0x1, v18;
	v15 =	vadd.s32 v15, v54  }
0xf2: {  	v57 =	vadd.s32 $0xFFFFFFFF, v48;
	vm12 =	veq.s32 v18, $0x0;
	v17 =	vperm.xlane v15, v7  }
0xf3: {  	v58 =	vsub.s32 v10, v45;
	vm15 =	vgt.s32 v57, $0x0;
	v19 =	vsel vm12, v26, v19  }
0xf4: {  	v16 =	vnsel vm15, $0x0, v57;
	v14 =	vsub.s32 v14, v15;
	v17 =	vadd.s32 v19, v17  }
0xf5: {  	vm3 =	vmand vm3, vm6;
	v59 =	vperm.xlane v22, v16;
	v14 =	vadd.s32 v17, v14  }
0xf6: {  	v16 =	vadd.s32 s20, v16;
	vm5 =	vmmov vm5;
	vm13 =	vge.s32 v14, v10  }
0xf7: {  	v61 =	vadd.s32 $0xFFFFFFFF, v56;
	v14 =	vadd.s32 v59, v58;
	v62 =	vmpcnt.ones.xlane vm13  }
0xf8: {  	v12 =	vsel vm3, v16, v12;
	v11 =	vsel vm3, v14, v11;
	vm3 =	vgt.s32 v61, $0x0  }
0xf9: {  	v60 =	vsub.s32 v10, v26;
	v14 =	vnsel vm3, $0x0, v61;
	v63 =	vadd.s32 $0xFFFFFFFF, v62  }
0xfa: {  	v10 =	vsub.s32 v10, v17;
	v13 =	vperm.xlane v13, v14;
	vm14 =	vgt.s32 v63, $0x0  }
0xfb: {  	vm3 =	vmand vm5, vm7;
	v14 =	vadd.s32 s21, v14;
	v16 =	vnsel vm14, $0x0, v63  }
0xfc: {  	v12 =	vsel vm3, v14, v12;
	v13 =	vadd.s32 v13, v60;
	v14 =	vperm.xlane v15, v16  }
0xfd: {  	s20 =	simm.s32 $0x0;
	vm15 =	vgt.s32 v62, $0x0;
	v11 =	vsel vm3, v13, v11;
	vm3 =	vmmov vm12  }
0xfe: {  	[tilespmem:s17], [sflag:$0x2] =	stream.linear.gather [hbm4b:s4+s20], $0xFE00, $0x38;
	v13 =	vadd.s32 s23, v16;
	vm3 =	vmand vm3, vm15;
	v10 =	vadd.s32 v14, v10;
	[tilespmem:$0x1FF80] =	vst v63  }
0xff: {  	p0 =	por $0x1, $0x1;
	p1 =	por $0x1, $0x1;
	s21 =	simm.s32 $0x0;
	v12 =	vsel vm3, v13, v12;
	v10 =	vsel vm3, v10, v11  }
.LBB2_12:
0x100: {  	[tilespmem:s21+$0x17F00] =	vst v0  }
0x101: {  	[tilespmem:s21+$0x17F10] =	vst v0  }
0x102: {  	[tilespmem:s21+$0x17F20] =	vst v0;
	p2 =	por p1, p1  }
.Ltmp5:
0x103: {  	[tilespmem:s21+$0x17F30] =	vst v0;
	(pc) =	sbr.rel @p2 .LBB2_12-.Ltmp5, $4  }
0x104: {  	[tilespmem:s21+$0x17F40] =	vst v0  }
0x105: {  	[tilespmem:s21+$0x17F50] =	vst v0  }
0x106: {  	[tilespmem:s21+$0x17F60] =	vst v0  }
0x107: {  	[tilespmem:s21+$0x17F70] =	vst v0;
	s21 =	simm.s32 $0x80;
	p1 =	por $0x0, $0x0  }
.LBB2_13:
0x108: {  	[tilespmem:s20+$0x8000] =	vst v0  }
0x109: {  	[tilespmem:s20+$0x8010] =	vst v0  }
0x10a: {  	[tilespmem:s20+$0x8020] =	vst v0;
	p1 =	por p0, p0  }
.Ltmp6:
0x10b: {  	[tilespmem:s20+$0x8030] =	vst v0;
	(pc) =	sbr.rel @p1 .LBB2_13-.Ltmp6, $4  }
0x10c: {  	[tilespmem:s20+$0x8040] =	vst v0  }
0x10d: {  	[tilespmem:s20+$0x8050] =	vst v0  }
0x10e: {  	[tilespmem:s20+$0x8060] =	vst v0  }
0x10f: {  	[tilespmem:s20+$0x8070] =	vst v0;
	s20 =	simm.s32 $0x80;
	p0 =	por $0x0, $0x0  }
0x110: {  	s20 =	simm.s32 $0x40  }
0x111: {  	v16 =	vld [tilespmem:s20+$0x0]  }
0x112: {  	v22 =	vld [tilespmem:s20+$0x10]  }
0x113: {  	v11 =	vld [tilespmem:s20+$0xFFFFFFD0]  }
0x114: {  	v13 =	vld [tilespmem:s20+$0xFFFFFFE0]  }
0x115: {  	v23 =	vld [tilespmem:s20+$0x20];
	_ =	sdelay $0x1  }
0x116: {  	v9 =	vadd.s32 v9, v12;
	v12 =	vshrl.u32 v16, $0xF  }
0x117: {  	v15 =	vshrl.u32 v22, $0x7;
	v17 =	vshrl.u32 v16, $0x7;
	v14 =	vand.u32 $0xFFFF, v12  }
0x118: {  	v18 =	vshrl.u32 v13, $0xF;
	v24 =	vand.u32 $0x7FFF, v16;
	vm5 =	veq.s32 v14, v9  }
0x119: {  	v16 =	vshrl.u32 v11, $0xF;
	v20 =	vshrl.u32 v22, $0xF;
	v25 =	vshrl.u32 v23, $0xF  }
0x11a: {  	v22 =	vand.u32 $0x7FFF, v22;
	v12 =	vshrl.u32 v11, $0x7;
	v18 =	vand.u32 $0xFFFF, v18  }
0x11b: {  	v21 =	vld [tilespmem:s20+$0x30];
	v19 =	vand.u32 $0xFF, v17;
	v20 =	vand.u32 $0xFFFF, v20;
	v25 =	vand.u32 $0xFFFF, v25  }
0x11c: {  	v16 =	vand.u32 $0xFFFF, v16;
	v17 =	vld [tilespmem:s20+$0xFFFFFFF0];
	vm3 =	veq.s32 v18, v9;
	vm6 =	veq.s32 v25, v9  }
0x11d: {  	v18 =	vshrl.u32 v23, $0x7;
	vm4 =	veq.s32 v20, v9;
	v20 =	vld [tilespmem:s20+$0xFFFFFFC0];
	v23 =	vand.u32 $0x7FFF, v23  }
0x11e: {  	s21 =	simm.s32 $0x0;
	s22 =	simm.s32 $0xC0;
	v14 =	vand.u32 $0x7FFF, v13;
	v13 =	vshrl.u32 v13, $0x7;
	v18 =	vand.u32 $0xFF, v18;
	[tilespmem:v24+s16+$0x0] =	vst.idx.add.s32.msk vm5, v2  }
.LBB2_15:
0x11f: {  	v24 =	vld [tilespmem:s22+$0x0];
	s21 =	sadd.s32 $0x80, s21;
	v15 =	vand.u32 $0xFF, v15;
	s20 =	simm.s32 $0x80F0  }
0x120: {  	p0 =	slt.u32 s21, $0x7F80;
	[tilespmem:v19+s15+$0x0] =	vst.idx.add.s32.msk vm5, v2;
	v19 =	vshrl.u32 v21, $0xF;
	v25 =	vand.u32 $0x7FFF, v21;
	v21 =	vshrl.u32 v21, $0x7  }
0x121: {  	v26 =	vld [tilespmem:s22+$0x10];
	v27 =	vshrl.u32 v17, $0xF;
	v28 =	vand.u32 $0x7FFF, v17;
	v19 =	vand.u32 $0xFFFF, v19  }
0x122: {  	v29 =	vshrl.u32 v20, $0xF;
	v27 =	vand.u32 $0xFFFF, v27;
	[tilespmem:v23+s16+$0x0] =	vst.idx.add.s32.msk vm6, v2;
	vm5 =	veq.s32 v19, v9  }
0x123: {  	v17 =	vshrl.u32 v17, $0x7;
	v19 =	vand.u32 $0xFFFF, v29;
	vm8 =	veq.s32 v27, v9;
	[tilespmem:v22+s16+$0x0] =	vst.idx.add.s32.msk vm4, v2  }
0x124: {  	vm7 =	veq.s32 v16, v9;
	vm9 =	veq.s32 v19, v9;
	v19 =	vshrl.u32 v20, $0x7;
	[tilespmem:v18+s15+$0x0] =	vst.idx.add.s32.msk vm6, v2  }
0x125: {  	v16 =	vand.u32 $0x7FFF, v20;
	[tilespmem:v15+s15+$0x0] =	vst.idx.add.s32.msk vm4, v2  }
0x126: {  	v18 =	vand.u32 $0xFF, v19;
	v15 =	vshrl.u32 v26, $0x7;
	[tilespmem:v14+s16+$0x0] =	vst.idx.add.s32.msk vm3, v2  }
0x127: {  	v14 =	vld [tilespmem:s22+$0xFFFFFFD0]  }
0x128: {  	v17 =	vand.u32 $0xFF, v17;
	v20 =	vand.u32 $0xFF, v13;
	v19 =	vld [tilespmem:s22+$0xFFFFFFE0]  }
0x129: {  	v21 =	vand.u32 $0xFF, v21;
	v22 =	vld [tilespmem:s22+$0x20]  }
0x12a: {  	v23 =	vshrl.u32 v24, $0x7;
	[tilespmem:v16+s16+$0x0] =	vst.idx.add.s32.msk vm9, v2  }
0x12b: {  	v13 =	vshrl.u32 v24, $0xF;
	[tilespmem:v18+s15+$0x0] =	vst.idx.add.s32.msk vm9, v2;
	v18 =	vand.u32 $0x7FFF, v11  }
0x12c: {  	v29 =	vand.u32 $0xFF, v12;
	v27 =	vand.u32 $0xFFFF, v13;
	v12 =	vshrl.u32 v14, $0x7;
	[tilespmem:v25+s16+$0x0] =	vst.idx.add.s32.msk vm5, v2;
	v11 =	vmovc v14  }
0x12d: {  	v16 =	vshrl.u32 v19, $0xF;
	v14 =	vand.u32 $0x7FFF, v19;
	v13 =	vshrl.u32 v19, $0x7;
	[tilespmem:v20+s15+$0x0] =	vst.idx.add.s32.msk vm3, v2  }
0x12e: {  	v25 =	vshrl.u32 v26, $0xF;
	v20 =	vshrl.u32 v11, $0xF;
	v30 =	vshrl.u32 v22, $0xF;
	[tilespmem:v21+s15+$0x0] =	vst.idx.add.s32.msk vm5, v2  }
0x12f: {  	v19 =	vand.u32 $0xFF, v23;
	v23 =	vand.u32 $0xFFFF, v25;
	v21 =	vand.u32 $0xFFFF, v16;
	[tilespmem:v28+s16+$0x0] =	vst.idx.add.s32.msk vm8, v2  }
0x130: {  	v16 =	vand.u32 $0xFFFF, v20;
	vm5 =	veq.s32 v27, v9;
	v20 =	vand.u32 $0xFFFF, v30;
	[tilespmem:v17+s15+$0x0] =	vst.idx.add.s32.msk vm8, v2  }
0x131: {  	v24 =	vand.u32 $0x7FFF, v24;
	vm3 =	veq.s32 v21, v9;
	v17 =	vshrl.u32 v22, $0x7;
	[tilespmem:v18+s16+$0x0] =	vst.idx.add.s32.msk vm7, v2  }
.Ltmp7:
0x132: {  	v18 =	vand.u32 $0xFF, v17;
	[tilespmem:v29+s15+$0x0] =	vst.idx.add.s32.msk vm7, v2;
	(pc) =	sbr.rel @p0 .LBB2_15-.Ltmp7, $4  }
0x133: {  	v21 =	vld [tilespmem:s22+$0x30]  }
0x134: {  	vm4 =	veq.s32 v23, v9;
	vm6 =	veq.s32 v20, v9;
	v17 =	vld [tilespmem:s22+$0xFFFFFFF0]  }
0x135: {  	v23 =	vand.u32 $0x7FFF, v22;
	v20 =	vld [tilespmem:s22+$0xFFFFFFC0]  }
0x136: {  	v22 =	vand.u32 $0x7FFF, v26;
	s22 =	sadd.s32 $0x80, s22;
	[tilespmem:v24+s16+$0x0] =	vst.idx.add.s32.msk vm5, v2  }
0x137: {  	_ =	sdelay $0x4  }
0x138: {  	[tilespmem:v19+s15+$0x0] =	vst.idx.add.s32.msk vm5, v2  }
0x139: {  	v15 =	vand.u32 $0xFF, v15;
	[tilespmem:v23+s16+$0x0] =	vst.idx.add.s32.msk vm6, v2;
	v13 =	vand.u32 $0xFF, v13  }
0x13a: {  	v11 =	vand.u32 $0x7FFF, v11;
	v19 =	vshrl.u32 v21, $0xF;
	[tilespmem:v18+s15+$0x0] =	vst.idx.add.s32.msk vm6, v2;
	vm6 =	veq.s32 v16, v9  }
0x13b: {  	[tilespmem:v22+s16+$0x0] =	vst.idx.add.s32.msk vm4, v2;
	v12 =	vand.u32 $0xFF, v12;
	v22 =	vand.u32 $0x7FFF, v21;
	v19 =	vand.u32 $0xFFFF, v19  }
0x13c: {  	v18 =	vshrl.u32 v21, $0x7;
	v24 =	vshrl.u32 v20, $0xF;
	vm7 =	veq.s32 v19, v9  }
0x13d: {  	[tilespmem:v14+s16+$0x0] =	vst.idx.add.s32.msk vm3, v2;
	v14 =	vand.u32 $0xFF, v18;
	v23 =	vshrl.u32 v20, $0x7;
	v24 =	vand.u32 $0xFFFF, v24  }
0x13e: {  	v19 =	vand.u32 $0xFF, v23;
	v23 =	vshrl.u32 v17, $0xF;
	vm5 =	veq.s32 v24, v9;
	[tilespmem:v15+s15+$0x0] =	vst.idx.add.s32.msk vm4, v2  }
0x13f: {  	v20 =	vand.u32 $0x7FFF, v20;
	v21 =	vand.u32 $0xFFFF, v23;
	[tilespmem:v13+s15+$0x0] =	vst.idx.add.s32.msk vm3, v2  }
0x140: {  	vm4 =	veq.s32 v21, v9;
	[tilespmem:v11+s16+$0x0] =	vst.idx.add.s32.msk vm6, v2  }
0x141: {  	v15 =	vand.u32 $0x7FFF, v17;
	v17 =	vshrl.u32 v17, $0x7;
	[tilespmem:v12+s15+$0x0] =	vst.idx.add.s32.msk vm6, v2  }
0x142: {  	v16 =	vand.u32 $0xFF, v17;
	[tilespmem:v22+s16+$0x0] =	vst.idx.add.s32.msk vm7, v2  }
0x143: {  	[tilespmem:v14+s15+$0x0] =	vst.idx.add.s32.msk vm7, v2  }
0x144: {  	[tilespmem:v20+s16+$0x0] =	vst.idx.add.s32.msk vm5, v2  }
0x145: {  	[tilespmem:v19+s15+$0x0] =	vst.idx.add.s32.msk vm5, v2  }
0x146: {  	[tilespmem:v15+s16+$0x0] =	vst.idx.add.s32.msk vm4, v2  }
0x147: {  	[tilespmem:v16+s15+$0x0] =	vst.idx.add.s32.msk vm4, v2  }
0x148: {  	v11 =	vld [tilespmem:s20+$0x0];
	_ =	sdelay $0x4  }
0x149: {  	v12 =	vperm.xlane v11, v1  }
0x14a: {  	vm3 =	veq.s32 v5, $0x0  }
0x14b: {  	v12 =	vsel vm3, $0x0, v12  }
0x14c: {  	v12 =	vadd.s32 v11, v12  }
0x14d: {  	v13 =	vperm.xlane v12, v3  }
0x14e: {  	s31 =	simm.s32 $0x80E0  }
0x14f: {  	v15 =	vld [tilespmem:s31+$0x0];
	v13 =	vsel vm0, $0x0, v13  }
0x150: {  	v12 =	vadd.s32 v13, v12  }
0x151: {  	v13 =	vperm.xlane v12, v4;
	_ =	sdelay $0x1  }
0x152: {  	v13 =	vsel vm1, $0x0, v13  }
0x153: {  	v14 =	vperm.xlane v15, v1;
	v12 =	vadd.s32 v13, v12  }
0x154: {  	v13 =	vperm.xlane v12, v6  }
0x155: {  	v14 =	vsel vm3, $0x0, v14  }
0x156: {  	s24 =	simm.s32 $0x80D0;
	v14 =	vadd.s32 v15, v14;
	v13 =	vsel vm2, $0x0, v13  }
0x157: {  	v16 =	vld [tilespmem:s24+$0x0];
	v17 =	vperm.xlane v14, v3;
	v12 =	vadd.s32 v13, v12  }
0x158: {  	v13 =	vperm.xlane v12, v7  }
0x159: {  	v18 =	vsel vm0, $0x0, v17;
	v17 =	vimm.s32 $0x0  }
0x15a: {  	v14 =	vadd.s32 v18, v14;
	v11 =	vsub.s32 v11, v12;
	v20 =	vadd.s32 v17, v13  }
0x15b: {  	v13 =	vperm.xlane v14, v4;
	v11 =	vadd.s32 v20, v11  }
0x15c: {  	v22 =	vperm.xlane v16, v1;
	vm4 =	vge.s32 v11, v10  }
0x15d: {  	v11 =	vsel vm1, $0x0, v13;
	v13 =	vsub.s32 v10, v20;
	v18 =	vmpcnt.ones.xlane vm4  }
0x15e: {  	v21 =	vadd.s32 v11, v14;
	vm4 =	veq.s32 v17, $0x0;
	v14 =	vsel vm3, $0x0, v22  }
0x15f: {  	v11 =	vperm.xlane v21, v6;
	vm5 =	vgt.s32 v18, $0x0;
	v19 =	vadd.s32 $0xFFFFFFFF, v18  }
0x160: {  	s23 =	simm.s32 $0xF0;
	s21 =	simm.s32 $0xE0;
	v22 =	vadd.s32 v16, v14;
	vm6 =	vgt.s32 v19, $0x0;
	v18 =	vsel vm5, $0x1, v17  }
0x161: {  	s22 =	simm.s32 $0xD0;
	s25 =	simm.s32 $0xB0;
	s20 =	simm.s32 $0xC0;
	v23 =	vsel vm2, $0x0, v11;
	v14 =	vmovc v10;
	v11 =	vimm.s32 $0x0;
	vm7 =	veq.s32 v18, $0x0  }
.LBB2_17:
0x162: {  	v24 =	vperm.xlane v22, v3  }
0x163: {  	p0 =	sne.s32 s25, $0x0;
	v21 =	vadd.s32 v23, v21;
	v17 =	vsel vm7, v20, v17;
	vm7 =	vmmov vm4  }
0x164: {  	s24 =	sadd.s32 $0xFFFFFFF0, s24;
	vm4 =	veq.s32 v18, $0x0;
	v19 =	vnsel vm6, $0x0, v19;
	v20 =	vperm.xlane v21, v7  }
0x165: {  	v25 =	vperm.xlane v12, v19;
	v19 =	vadd.s32 s23, v19;
	v12 =	vmovc v21;
	s23 =	smov.u32 s21;
	s21 =	smov.u32 s22;
	s22 =	smov.u32 s20;
	v23 =	vld [tilespmem:s24+$0x0];
	v24 =	vsel vm0, $0x0, v24  }
0x166: {  	s20 =	smov.u32 s25;
	v21 =	vadd.s32 v24, v22;
	v20 =	vadd.s32 v17, v20;
	v22 =	vsub.s32 v15, v12;
	v15 =	vmovc v16  }
0x167: {  	v26 =	vperm.xlane v21, v4;
	v22 =	vadd.s32 v20, v22;
	v24 =	vsub.s32 v10, v20  }
0x168: {  	vm5 =	vmand vm7, vm5;
	vm6 =	vge.s32 v22, v10;
	v22 =	vadd.s32 v25, v13;
	v13 =	vmovc v24  }
.Ltmp8:
0x169: {  	v25 =	vsel vm1, $0x0, v26;
	v24 =	vmpcnt.ones.xlane vm6;
	v14 =	vsel vm5, v22, v14;
	(pc) =	sbr.rel @p0 .LBB2_17-.Ltmp8, $4  }
0x16a: {  	v11 =	vsel vm5, v19, v11;
	v22 =	vperm.xlane v23, v1;
	v21 =	vadd.s32 v25, v21;
	v16 =	vmovc v23  }
0x16b: {  	v23 =	vperm.xlane v21, v6;
	vm5 =	vgt.s32 v24, $0x0;
	v19 =	vadd.s32 $0xFFFFFFFF, v24  }
0x16c: {  	v22 =	vsel vm3, $0x0, v22;
	vm6 =	vgt.s32 v19, $0x0;
	v18 =	vsel vm5, $0x1, v18  }
0x16d: {  	s25 =	sadd.s32 $0xFFFFFFF0, s25;
	v22 =	vadd.s32 v16, v22;
	v23 =	vsel vm2, $0x0, v23;
	vm7 =	veq.s32 v18, $0x0  }
0x16e: {  	s24 =	sadd.s32 $0xFFFFFFF0, s24  }
0x16f: {  	v24 =	vperm.xlane v22, v3;
	v25 =	vld [tilespmem:s24+$0x0];
	_ =	sdelay $0x1  }
0x170: {  	v21 =	vadd.s32 v23, v21;
	v23 =	vsel vm0, $0x0, v24  }
0x171: {  	v57 =	vperm.xlane v21, v7;
	v22 =	vadd.s32 v23, v22  }
0x172: {  	v17 =	vsel vm7, v20, v17;
	v20 =	vperm.xlane v22, v4  }
0x173: {  	v15 =	vsub.s32 v15, v21;
	v23 =	vadd.s32 v17, v57;
	v58 =	vperm.xlane v25, v1  }
0x174: {  	vm3 =	veq.s32 v5, $0x0;
	v15 =	vadd.s32 v23, v15;
	v20 =	vsel vm1, $0x0, v20  }
0x175: {  	vm8 =	vge.s32 v15, v10;
	v15 =	vadd.s32 v20, v22;
	v20 =	vsel vm3, $0x0, v58  }
0x176: {  	v22 =	vmpcnt.ones.xlane vm8;
	v59 =	vperm.xlane v15, v6;
	v20 =	vadd.s32 v25, v20  }
0x177: {  	v26 =	vperm.xlane v20, v3  }
0x178: {  	vm9 =	vgt.s32 v22, $0x0;
	v24 =	vsel vm2, $0x0, v59  }
0x179: {  	v18 =	vsel vm9, $0x1, v18;
	v24 =	vadd.s32 v24, v15;
	v15 =	vsel vm0, $0x0, v26  }
0x17a: {  	vm8 =	veq.s32 v18, $0x0;
	v60 =	vperm.xlane v24, v7;
	v15 =	vadd.s32 v15, v20  }
0x17b: {  	v17 =	vsel vm8, v23, v17;
	v20 =	vperm.xlane v15, v4  }
0x17c: {  	v16 =	vsub.s32 v16, v24;
	v26 =	vadd.s32 v17, v60  }
0x17d: {  	v16 =	vadd.s32 v26, v16;
	v20 =	vsel vm1, $0x0, v20  }
0x17e: {  	vm10 =	vge.s32 v16, v10;
	v15 =	vadd.s32 v20, v15  }
0x17f: {  	v16 =	vmpcnt.ones.xlane vm10;
	v20 =	vperm.xlane v15, v6;
	_ =	sdelay $0x1  }
0x180: {  	vm10 =	vgt.s32 v16, $0x0;
	v20 =	vsel vm2, $0x0, v20  }
0x181: {  	vm4 =	vmmov vm4;
	v18 =	vsel vm10, $0x1, v18;
	v20 =	vadd.s32 v20, v15  }
0x182: {  	v19 =	vnsel vm6, $0x0, v19;
	vm11 =	veq.s32 v18, $0x0;
	v15 =	vperm.xlane v20, v7  }
0x183: {  	vm4 =	vmand vm4, vm5;
	v18 =	vadd.s32 $0xFFFFFFFF, v22;
	v17 =	vsel vm11, v26, v17  }
0x184: {  	vm5 =	vgt.s32 v18, $0x0;
	v17 =	vadd.s32 v17, v15;
	v15 =	vsub.s32 v25, v20  }
0x185: {  	v18 =	vnsel vm5, $0x0, v18;
	vm5 =	vmmov vm7;
	v15 =	vadd.s32 v17, v15  }
0x186: {  	v16 =	vadd.s32 $0xFFFFFFFF, v16;
	vm7 =	vmand vm5, vm9;
	vm5 =	vge.s32 v15, v10  }
0x187: {  	v15 =	vadd.s32 s23, v19;
	v22 =	vmpcnt.ones.xlane vm5;
	vm5 =	vgt.s32 v16, $0x0  }
0x188: {  	v11 =	vsel vm4, v15, v11;
	v15 =	vadd.s32 s21, v18;
	v16 =	vnsel vm5, $0x0, v16  }
0x189: {  	v11 =	vsel vm7, v15, v11;
	vm5 =	vmmov vm8;
	v15 =	vadd.s32 $0xFFFFFFFF, v22  }
0x18a: {  	vm8 =	vmmov vm11;
	vm6 =	vmand vm5, vm10;
	vm5 =	vgt.s32 v15, $0x0  }
0x18b: {  	v61 =	vadd.s32 s22, v16;
	v27 =	vnsel vm5, $0x0, v15;
	vm5 =	vgt.s32 v22, $0x0  }
0x18c: {  	v11 =	vsel vm6, v61, v11;
	vm5 =	vmand vm8, vm5;
	v15 =	vadd.s32 s20, v27  }
0x18d: {  	v11 =	vsel vm5, v15, v11  }
0x18e: {  	v11 =	vshll.u32 v11, $0x7  }
0x18f: {  	s22 =	simm.s32 $0x70;
	v15 =	vor.u32 v5, v11  }
0x190: {  	v22 =	vor.u32 s22, v15;
	_ =	sdelay $0x4  }
0x191: {  	v22 =	vld.idx.msk [tilespmem:v22+s16+$0x0], $0xffff;
	_ =	sdelay $0x2  }
0x192: {  	s21 =	simm.s32 $0x60  }
0x193: {  	v62 =	vor.u32 s21, v15  }
0x194: {  	v28 =	vperm.xlane v22, v1;
	_ =	sdelay $0x1  }
0x195: {  	v28 =	vsel vm3, $0x0, v28  }
0x196: {  	v28 =	vadd.s32 v22, v28  }
0x197: {  	v12 =	vperm.xlane v12, v19;
	v25 =	vld.idx.msk [tilespmem:v62+s16+$0x0], $0xffff;
	v29 =	vperm.xlane v28, v3;
	_ =	sdelay $0x1  }
0x198: {  	v12 =	vadd.s32 v12, v13;
	s20 =	simm.s32 $0x50;
	v29 =	vsel vm0, $0x0, v29  }
0x199: {  	v13 =	vperm.xlane v21, v18;
	v18 =	vor.u32 s20, v15;
	v19 =	vadd.s32 v29, v28  }
0x19a: {  	v28 =	vperm.xlane v19, v4  }
0x19b: {  	v23 =	vsub.s32 v10, v23;
	v21 =	vperm.xlane v25, v1  }
0x19c: {  	v12 =	vsel vm4, v12, v14;
	v13 =	vadd.s32 v13, v23;
	v28 =	vsel vm1, $0x0, v28  }
0x19d: {  	v12 =	vsel vm7, v13, v12;
	v13 =	vsel vm3, $0x0, v21;
	v14 =	vadd.s32 v28, v19  }
0x19e: {  	v16 =	vperm.xlane v24, v16;
	v23 =	vadd.s32 v25, v13;
	v13 =	vld.idx.msk [tilespmem:v18+s16+$0x0], $0xffff;
	v19 =	vperm.xlane v14, v6  }
0x19f: {  	v20 =	vperm.xlane v20, v27;
	v21 =	vsub.s32 v10, v26;
	v10 =	vsub.s32 v10, v17  }
0x1a0: {  	v16 =	vadd.s32 v16, v21;
	v17 =	vperm.xlane v23, v3;
	v19 =	vsel vm2, $0x0, v19  }
0x1a1: {  	v10 =	vadd.s32 v20, v10;
	v16 =	vsel vm6, v16, v12;
	v14 =	vadd.s32 v19, v14  }
0x1a2: {  	v12 =	vimm.s32 $0x0;
	v17 =	vsel vm0, $0x0, v17;
	v18 =	vperm.xlane v14, v7  }
0x1a3: {  	v10 =	vsel vm5, v10, v16;
	v17 =	vadd.s32 v17, v23;
	v16 =	vperm.xlane v13, v1  }
0x1a4: {  	v19 =	vperm.xlane v17, v4;
	v14 =	vsub.s32 v22, v14;
	v18 =	vadd.s32 v12, v18  }
0x1a5: {  	vm5 =	veq.s32 v12, $0x0;
	v14 =	vadd.s32 v18, v14  }
0x1a6: {  	s23 =	simm.s32 $0x40;
	v16 =	vsel vm3, $0x0, v16;
	v19 =	vsel vm1, $0x0, v19;
	vm4 =	vge.s32 v14, v10  }
0x1a7: {  	v14 =	vadd.s32 v19, v17;
	v19 =	vor.u32 s23, v15;
	v17 =	vmpcnt.ones.xlane vm4  }
0x1a8: {  	v21 =	vadd.s32 v13, v16;
	v20 =	vperm.xlane v14, v6;
	vm4 =	vmmov vm5  }
0x1a9: {  	vm5 =	vgt.s32 v17, $0x0;
	v22 =	vadd.s32 $0xFFFFFFFF, v17;
	v17 =	vperm.xlane v21, v3  }
0x1aa: {  	v20 =	vsel vm2, $0x0, v20;
	v16 =	vsel vm5, $0x1, v12  }
0x1ab: {  	v23 =	vadd.s32 v20, v14;
	vm7 =	vgt.s32 v22, $0x0;
	v14 =	vsel vm0, $0x0, v17  }
0x1ac: {  	vm6 =	veq.s32 v16, $0x0;
	v63 =	vperm.xlane v23, v7;
	v20 =	vadd.s32 v14, v21;
	v14 =	vld.idx.msk [tilespmem:v19+s16+$0x0], $0xffff  }
0x1ad: {  	v17 =	vsel vm6, v18, v12;
	v18 =	vnsel vm7, $0x0, v22  }
0x1ae: {  	s25 =	simm.s32 $0x20;
	s24 =	simm.s32 $0x30;
	v22 =	vsub.s32 v25, v23;
	v21 =	vperm.xlane v20, v4;
	v19 =	vadd.s32 v17, v63  }
.LBB2_19:
0x1af: {  	p0 =	sne.s32 s25, $0x0;
	v23 =	vor.u32 s24, v15;
	v22 =	vadd.s32 v19, v22  }
0x1b0: {  	v18 =	vadd.s32 s22, v18;
	vm7 =	vmmov vm4;
	vm4 =	vmmov vm6;
	s22 =	smov.u32 s21;
	s21 =	smov.u32 s20;
	s20 =	smov.u32 s23  }
0x1b1: {  	v24 =	vperm.xlane v14, v1;
	v25 =	vmovc v14;
	s23 =	smov.u32 s24;
	s24 =	smov.u32 s25;
	v21 =	vsel vm1, $0x0, v21;
	vm6 =	vge.s32 v22, v10  }
0x1b2: {  	vm5 =	vmand vm7, vm5;
	v20 =	vadd.s32 v21, v20;
	v14 =	vmpcnt.ones.xlane vm6  }
0x1b3: {  	v21 =	vsel vm3, $0x0, v24;
	v12 =	vsel vm5, v18, v12;
	v22 =	vperm.xlane v20, v6  }
0x1b4: {  	v18 =	vadd.s32 v25, v21;
	vm5 =	vgt.s32 v14, $0x0;
	v21 =	vadd.s32 $0xFFFFFFFF, v14  }
.Ltmp9:
0x1b5: {  	v14 =	vld.idx.msk [tilespmem:v23+s16+$0x0], $0xffff;
	v23 =	vperm.xlane v18, v3;
	v22 =	vsel vm2, $0x0, v22;
	v16 =	vsel vm5, $0x1, v16;
	(pc) =	sbr.rel @p0 .LBB2_19-.Ltmp9, $4  }
0x1b6: {  	vm7 =	vgt.s32 v21, $0x0;
	v22 =	vadd.s32 v22, v20;
	vm6 =	veq.s32 v16, $0x0  }
0x1b7: {  	v20 =	vsel vm0, $0x0, v23;
	v23 =	vperm.xlane v22, v7;
	v17 =	vsel vm6, v19, v17  }
0x1b8: {  	v20 =	vadd.s32 v20, v18;
	v18 =	vnsel vm7, $0x0, v21  }
0x1b9: {  	s25 =	sadd.s32 $0xFFFFFFF0, s25;
	v22 =	vsub.s32 v13, v22;
	v13 =	vmovc v25;
	v21 =	vperm.xlane v20, v4;
	v19 =	vadd.s32 v17, v23  }
0x1ba: {  	v15 =	vor.u32 s24, v15  }
0x1bb: {  	v23 =	vperm.xlane v14, v1  }
0x1bc: {  	v22 =	vadd.s32 v19, v22;
	vm8 =	veq.s32 v5, $0x0;
	v21 =	vsel vm1, $0x0, v21  }
0x1bd: {  	vm3 =	vge.s32 v22, v10;
	v20 =	vadd.s32 v21, v20;
	v40 =	vsel vm8, $0x0, v23  }
0x1be: {  	v22 =	vmpcnt.ones.xlane vm3;
	v41 =	vperm.xlane v20, v6;
	v21 =	vadd.s32 v14, v40  }
0x1bf: {  	v24 =	vperm.xlane v21, v3;
	v15 =	vld.idx.msk [tilespmem:v15+s16+$0x0], $0xffff  }
0x1c0: {  	vm3 =	vgt.s32 v22, $0x0;
	v23 =	vsel vm2, $0x0, v41  }
0x1c1: {  	v16 =	vsel vm3, $0x1, v16;
	v20 =	vadd.s32 v23, v20;
	v42 =	vsel vm0, $0x0, v24  }
0x1c2: {  	vm7 =	veq.s32 v16, $0x0;
	v43 =	vperm.xlane v20, v7;
	v21 =	vadd.s32 v42, v21  }
0x1c3: {  	v17 =	vsel vm7, v19, v17;
	v44 =	vperm.xlane v21, v4  }
0x1c4: {  	v13 =	vsub.s32 v13, v20;
	v45 =	vadd.s32 v17, v43;
	v46 =	vperm.xlane v15, v1  }
0x1c5: {  	v19 =	vsel vm1, $0x0, v44;
	v13 =	vadd.s32 v45, v13  }
0x1c6: {  	v19 =	vadd.s32 v19, v21;
	vm9 =	vge.s32 v13, v10;
	v47 =	vsel vm8, $0x0, v46  }
0x1c7: {  	v48 =	vperm.xlane v19, v6;
	v49 =	vmpcnt.ones.xlane vm9;
	v13 =	vadd.s32 v15, v47  }
0x1c8: {  	v50 =	vperm.xlane v13, v3  }
0x1c9: {  	vm12 =	vmmov vm4;
	v20 =	vsel vm2, $0x0, v48;
	vm8 =	vgt.s32 v49, $0x0  }
0x1ca: {  	v19 =	vadd.s32 v20, v19;
	v16 =	vsel vm8, $0x1, v16;
	v51 =	vsel vm0, $0x0, v50  }
0x1cb: {  	vm4 =	veq.s32 v16, $0x0;
	v52 =	vperm.xlane v19, v7;
	v13 =	vadd.s32 v51, v13  }
0x1cc: {  	v18 =	vadd.s32 s22, v18;
	v17 =	vsel vm4, v45, v17;
	v53 =	vperm.xlane v13, v4  }
0x1cd: {  	vm6 =	vmmov vm6;
	v54 =	vsub.s32 v14, v19;
	v20 =	vadd.s32 v17, v52  }
0x1ce: {  	vm5 =	vmand vm12, vm5;
	v14 =	vadd.s32 v20, v54;
	v55 =	vsel vm1, $0x0, v53  }
0x1cf: {  	vm15 =	vmmov vm6;
	vm14 =	vge.s32 v14, v10;
	v13 =	vadd.s32 v55, v13  }
0x1d0: {  	v22 =	vadd.s32 $0xFFFFFFFF, v22;
	v14 =	vmpcnt.ones.xlane vm14;
	v19 =	vperm.xlane v13, v6  }
0x1d1: {  	v12 =	vsel vm5, v18, v12;
	vm13 =	vgt.s32 v22, $0x0;
	vm3 =	vmand vm15, vm3  }
0x1d2: {  	v22 =	vnsel vm13, $0x0, v22;
	vm9 =	vgt.s32 v14, $0x0;
	v19 =	vsel vm2, $0x0, v19  }
0x1d3: {  	v56 =	vadd.s32 s21, v22;
	v16 =	vsel vm9, $0x1, v16;
	v13 =	vadd.s32 v19, v13  }
0x1d4: {  	vm7 =	vmmov vm7;
	vm10 =	veq.s32 v16, $0x0;
	v57 =	vperm.xlane v13, v7  }
0x1d5: {  	v12 =	vsel vm3, v56, v12;
	v58 =	vadd.s32 $0xFFFFFFFF, v49;
	v17 =	vsel vm10, v20, v17  }
0x1d6: {  	vm3 =	vgt.s32 v58, $0x0;
	v13 =	vsub.s32 v15, v13;
	v16 =	vadd.s32 v17, v57  }
0x1d7: {  	v59 =	vnsel vm3, $0x0, v58;
	vm3 =	vmmov vm7;
	v13 =	vadd.s32 v16, v13  }
0x1d8: {  	vm3 =	vmand vm3, vm8;
	v14 =	vadd.s32 $0xFFFFFFFF, v14;
	vm11 =	vge.s32 v13, v10  }
0x1d9: {  	vm4 =	vmmov vm4;
	vm12 =	vgt.s32 v14, $0x0;
	v13 =	vmpcnt.ones.xlane vm11  }
0x1da: {  	v60 =	vnsel vm12, $0x0, v14;
	vm13 =	vmmov vm10;
	v10 =	vadd.s32 s20, v59  }
0x1db: {  	v10 =	vsel vm3, v10, v12;
	v12 =	vadd.s32 s23, v60;
	v61 =	vadd.s32 $0xFFFFFFFF, v13  }
0x1dc: {  	vm3 =	vmmov vm4;
	vm4 =	vmmov vm13;
	vm14 =	vgt.s32 v61, $0x0  }
0x1dd: {  	vm3 =	vmand vm3, vm9;
	vm15 =	vgt.s32 v13, $0x0;
	v62 =	vnsel vm14, $0x0, v61  }
0x1de: {  	v10 =	vsel vm3, v12, v10;
	vm3 =	vmand vm4, vm15;
	v63 =	vadd.s32 s24, v62  }
0x1df: {  	p0 =	por $0x1, $0x1;
	s20 =	simm.s32 $0x0;
	v10 =	vsel vm3, v63, v10  }
.LBB2_21:
0x1e0: {  	[tilespmem:s20+$0x8000] =	vst v0  }
0x1e1: {  	[tilespmem:s20+$0x8010] =	vst v0  }
0x1e2: {  	[tilespmem:s20+$0x8020] =	vst v0;
	p1 =	por p0, p0  }
.Ltmp10:
0x1e3: {  	[tilespmem:s20+$0x8030] =	vst v0;
	(pc) =	sbr.rel @p1 .LBB2_21-.Ltmp10, $4  }
0x1e4: {  	[tilespmem:s20+$0x8040] =	vst v0  }
0x1e5: {  	[tilespmem:s20+$0x8050] =	vst v0  }
0x1e6: {  	[tilespmem:s20+$0x8060] =	vst v0  }
0x1e7: {  	[tilespmem:s20+$0x8070] =	vst v0;
	s20 =	simm.s32 $0x80;
	p0 =	por $0x0, $0x0  }
0x1e8: {  	s20 =	simm.s32 $0x40  }
0x1e9: {  	v12 =	vld [tilespmem:s20+$0x20]  }
0x1ea: {  	v13 =	vld [tilespmem:s20+$0x10]  }
0x1eb: {  	v14 =	vld [tilespmem:s20+$0x30]  }
0x1ec: {  	v15 =	vld [tilespmem:s20+$0x0]  }
0x1ed: {  	v17 =	vld [tilespmem:s20+$0xFFFFFFD0]  }
0x1ee: {  	v19 =	vld [tilespmem:s20+$0xFFFFFFE0]  }
0x1ef: {  	v9 =	vshll.u32 v9, $0xF  }
0x1f0: {  	v9 =	vadd.s32 v9, v11;
	v16 =	vld [tilespmem:s20+$0xFFFFFFF0]  }
0x1f1: {  	v9 =	vadd.s32 v10, v9;
	v10 =	vand.u32 $0x7FFFFFFF, v12  }
0x1f2: {  	v11 =	vand.u32 $0x7FFFFFFF, v13;
	v21 =	vand.u32 $0x7FFFFFFF, v14;
	v22 =	vand.u32 $0x7FFFFFFF, v15  }
0x1f3: {  	v18 =	vld [tilespmem:s20+$0xFFFFFFC0];
	v63 =	vand.u32 $0x7FFFFFFF, v17;
	v24 =	vand.u32 $0x7FFFFFFF, v19;
	vm3 =	vgt.s32 v9, v10  }
0x1f4: {  	vm4 =	vgt.s32 v9, v11;
	v20 =	vand.u32 $0x7FFF, v11;
	v11 =	vsel vm3, $0x0, v12  }
0x1f5: {  	v13 =	vsel vm4, $0x0, v13;
	vm3 =	vgt.s32 v9, v21;
	v12 =	vand.u32 $0x7FFFFFFF, v16;
	[tilespmem:s20+$0x20] =	vst v11  }
0x1f6: {  	v10 =	vand.u32 $0x7FFF, v10;
	v14 =	vsel vm3, $0x0, v14;
	vm3 =	vgt.s32 v9, v12;
	[tilespmem:s20+$0x10] =	vst v13  }
0x1f7: {  	v11 =	vand.u32 $0x7FFF, v12;
	v12 =	vand.u32 $0x7FFF, v21;
	v23 =	vsel vm3, $0x0, v16;
	[tilespmem:s20+$0x30] =	vst v14  }
0x1f8: {  	v13 =	vand.u32 $0x7FFF, v24;
	vm3 =	vgt.s32 v9, v22;
	v14 =	vand.u32 $0x7FFFFFFF, v18;
	[tilespmem:s20+$0xFFFFFFF0] =	vst v23  }
0x1f9: {  	v16 =	vand.u32 $0x7FFF, v22;
	v15 =	vsel vm3, $0x0, v15;
	vm3 =	vgt.s32 v9, v63;
	[tilespmem:v20+s16+$0x0] =	vst.idx.msk $0xffff, v0  }
0x1fa: {  	vm15 =	vgt.s32 v9, v14;
	[tilespmem:s20+$0x0] =	vst v15;
	v15 =	vsel vm3, $0x0, v17;
	vm3 =	vgt.s32 v9, v24  }
0x1fb: {  	s21 =	simm.s32 $0x0;
	s22 =	simm.s32 $0xC0;
	v17 =	vsel vm15, $0x0, v18;
	[tilespmem:s20+$0xFFFFFFD0] =	vst v15;
	v15 =	vand.u32 $0x7FFF, v63;
	v18 =	vsel vm3, $0x0, v19  }
.LBB2_23:
0x1fc: {  	v19 =	vld [tilespmem:s22+$0x20];
	s21 =	sadd.s32 $0x80, s21;
	[tilespmem:v10+s16+$0x0] =	vst.idx.msk $0xffff, v0  }
0x1fd: {  	v20 =	vld [tilespmem:s22+$0x10];
	p0 =	slt.u32 s21, $0x7F80;
	[tilespmem:v12+s16+$0x0] =	vst.idx.msk $0xffff, v0  }
0x1fe: {  	v14 =	vand.u32 $0x7FFF, v14;
	v12 =	vld [tilespmem:s22+$0x30];
	[tilespmem:v16+s16+$0x0] =	vst.idx.msk $0xffff, v0  }
0x1ff: {  	v16 =	vld [tilespmem:s22+$0x0];
	[tilespmem:s20+$0xFFFFFFC0] =	vst v17  }
0x200: {  	v17 =	vld [tilespmem:s22+$0xFFFFFFF0];
	[tilespmem:s20+$0xFFFFFFE0] =	vst v18;
	s20 =	smov.u32 s22  }
0x201: {  	v18 =	vld [tilespmem:s22+$0xFFFFFFD0];
	v10 =	vand.u32 $0x7FFFFFFF, v19;
	[tilespmem:v13+s16+$0x0] =	vst.idx.msk $0xffff, v0  }
0x202: {  	v21 =	vld [tilespmem:s22+$0xFFFFFFC0];
	v13 =	vand.u32 $0x7FFFFFFF, v20;
	vm3 =	vgt.s32 v9, v10;
	v10 =	vand.u32 $0x7FFF, v10;
	[tilespmem:v11+s16+$0x0] =	vst.idx.msk $0xffff, v0  }
0x203: {  	v22 =	vld [tilespmem:s22+$0xFFFFFFE0];
	vm4 =	vgt.s32 v9, v13;
	v13 =	vand.u32 $0x7FFF, v13;
	v23 =	vand.u32 $0x7FFFFFFF, v12;
	[tilespmem:v15+s16+$0x0] =	vst.idx.msk $0xffff, v0  }
0x204: {  	v11 =	vsel vm3, $0x0, v19;
	v15 =	vsel vm4, $0x0, v20;
	vm3 =	vgt.s32 v9, v23;
	[tilespmem:v14+s16+$0x0] =	vst.idx.msk $0xffff, v0  }
0x205: {  	v19 =	vand.u32 $0x7FFFFFFF, v16;
	v14 =	vand.u32 $0x7FFFFFFF, v17;
	[tilespmem:s22+$0x20] =	vst v11;
	v20 =	vsel vm3, $0x0, v12  }
0x206: {  	v12 =	vand.u32 $0x7FFF, v23;
	vm3 =	vgt.s32 v9, v14;
	v11 =	vand.u32 $0x7FFF, v14;
	[tilespmem:s22+$0x10] =	vst v15  }
.Ltmp11:
0x207: {  	v15 =	vand.u32 $0x7FFFFFFF, v18;
	v17 =	vsel vm3, $0x0, v17;
	vm3 =	vgt.s32 v9, v19;
	[tilespmem:s22+$0x30] =	vst v20;
	(pc) =	sbr.rel @p0 .LBB2_23-.Ltmp11, $4  }
0x208: {  	v14 =	vand.u32 $0x7FFFFFFF, v21;
	v20 =	vand.u32 $0x7FFFFFFF, v22;
	v16 =	vsel vm3, $0x0, v16;
	[tilespmem:v13+s16+$0x0] =	vst.idx.msk $0xffff, v0  }
0x209: {  	vm3 =	vgt.s32 v9, v15;
	v13 =	vand.u32 $0x7FFF, v20;
	[tilespmem:s22+$0x0] =	vst v16;
	v16 =	vand.u32 $0x7FFF, v19  }
0x20a: {  	vm4 =	vgt.s32 v9, v14;
	v18 =	vsel vm3, $0x0, v18;
	vm3 =	vgt.s32 v9, v20;
	[tilespmem:s22+$0xFFFFFFF0] =	vst v17  }
0x20b: {  	v15 =	vand.u32 $0x7FFF, v15;
	v17 =	vsel vm4, $0x0, v21;
	s22 =	sadd.s32 $0x80, s22;
	[tilespmem:s20+$0xFFFFFFD0] =	vst v18;
	v18 =	vsel vm3, $0x0, v22  }
0x20c: {  	_ =	sdelay $0x3  }
0x20d: {  	[tilespmem:v10+s16+$0x0] =	vst.idx.msk $0xffff, v0  }
0x20e: {  	[tilespmem:v12+s16+$0x0] =	vst.idx.msk $0xffff, v0  }
0x20f: {  	[tilespmem:v16+s16+$0x0] =	vst.idx.msk $0xffff, v0  }
0x210: {  	v9 =	vand.u32 $0x7FFF, v14;
	[tilespmem:s20+$0xFFFFFFC0] =	vst v17  }
0x211: {  	[tilespmem:s20+$0xFFFFFFE0] =	vst v18  }
0x212: {  	[tilespmem:v11+s16+$0x0] =	vst.idx.msk $0xffff, v0  }
0x213: {  	[tilespmem:v15+s16+$0x0] =	vst.idx.msk $0xffff, v0  }
0x214: {  	[tilespmem:v13+s16+$0x0] =	vst.idx.msk $0xffff, v0  }
0x215: {  	[tilespmem:v9+s16+$0x0] =	vst.idx.msk $0xffff, v0  }
0x216: {  	[hbm4b:s6+s10] =	stream.strided.scatter [tilespmem:s1], [sflag:$0x3], $0x8000, s11, s10, $0x38;
	[tilespmem:$0x1FF80] =	vst v63  }
0x217: {  	_ =	swait.ge [sflag:s13], $0x8000  }
0x218: {  	[sflag:s13] =	ssyncset.done $0x0  }
0x219: {  	[sflag:s13] =	ssyncadd.s32 $0xFFFF8000  }
0x21a: {  	_ =	swait.ge [sflag:s18], $0xFE00  }
0x21b: {  	[sflag:s18] =	ssyncset.done $0x0  }
0x21c: {  	[sflag:s18] =	ssyncadd.s32 $0xFFFF0200  }
0x21d: {  	[tilespmem:s1], [sflag:$0x3] =	stream.strided.gather [hbm4b:s7+s10], $0x8000, s11, s10, $0x38;
	[tilespmem:$0x1FF80] =	vst v63  }
0x21e: {  	_ =	swait.ge [sflag:s13], $0x8000  }
0x21f: {  	[sflag:s13] =	ssyncset.done $0x0  }
0x220: {  	s31 =	simm.s32 $0x40;
	[sflag:s13] =	ssyncadd.s32 $0xFFFF8000  }
0x221: {  	v9 =	vld [tilespmem:s31+$0x30];
	_ =	sdelay $0x1  }
0x222: {  	v10 =	vld [tilespmem:s31+$0xFFFFFFD0];
	_ =	sdelay $0x1  }
0x223: {  	v11 =	vld [tilespmem:s31+$0xFFFFFFE0]  }
0x224: {  	v12 =	vshrl.u32 v9, $0xF  }
0x225: {  	v13 =	vld [tilespmem:s31+$0xFFFFFFC0];
	v9 =	vshrl.u32 v9, $0x17;
	v12 =	vand.u32 $0xFFFF, v12  }
0x226: {  	v14 =	vld [tilespmem:s31+$0xFFFFFFF0];
	v15 =	vshrl.u32 v10, $0xF;
	v9 =	vand.u32 $0xFF, v9  }
0x227: {  	v60 =	vld [tilespmem:s31+$0x0];
	v10 =	vshrl.u32 v10, $0x17;
	v15 =	vand.u32 $0xFFFF, v15  }
0x228: {  	v61 =	vld [tilespmem:s31+$0x10];
	v62 =	vshrl.u32 v11, $0xF;
	v10 =	vand.u32 $0xFF, v10  }
0x229: {  	v19 =	vld [tilespmem:s31+$0x20];
	v11 =	vshrl.u32 v11, $0x17;
	v18 =	vand.u32 $0xFFFF, v62  }
0x22a: {  	v11 =	vand.u32 $0xFF, v11;
	[tilespmem:v12+s15+$0x0] =	vst.idx.add.s32.msk $0xffff, v2;
	v12 =	vshrl.u32 v13, $0xF  }
0x22b: {  	v13 =	vshrl.u32 v13, $0x17;
	[tilespmem:v9+s16+$0x0] =	vst.idx.add.s32.msk $0xffff, v2;
	v9 =	vand.u32 $0xFFFF, v12  }
0x22c: {  	[tilespmem:v15+s15+$0x0] =	vst.idx.add.s32.msk $0xffff, v2;
	v12 =	vshrl.u32 v14, $0xF;
	v13 =	vand.u32 $0xFF, v13  }
0x22d: {  	[tilespmem:v10+s16+$0x0] =	vst.idx.add.s32.msk $0xffff, v2;
	v10 =	vshrl.u32 v60, $0xF;
	v12 =	vand.u32 $0xFFFF, v12  }
0x22e: {  	[tilespmem:v18+s15+$0x0] =	vst.idx.add.s32.msk $0xffff, v2;
	v14 =	vshrl.u32 v14, $0x17;
	v10 =	vand.u32 $0xFFFF, v10  }
0x22f: {  	v15 =	vshrl.u32 v60, $0x17;
	[tilespmem:v11+s16+$0x0] =	vst.idx.add.s32.msk $0xffff, v2;
	v14 =	vand.u32 $0xFF, v14  }
0x230: {  	v15 =	vand.u32 $0xFF, v15;
	[tilespmem:v9+s15+$0x0] =	vst.idx.add.s32.msk $0xffff, v2  }
0x231: {  	[tilespmem:v13+s16+$0x0] =	vst.idx.add.s32.msk $0xffff, v2  }
0x232: {  	[tilespmem:v12+s15+$0x0] =	vst.idx.add.s32.msk $0xffff, v2  }
0x233: {  	v63 =	vshrl.u32 v19, $0x17;
	v9 =	vshrl.u32 v61, $0xF;
	[tilespmem:v10+s15+$0x0] =	vst.idx.add.s32.msk $0xffff, v2  }
0x234: {  	v11 =	vshrl.u32 v61, $0x17;
	v13 =	vand.u32 $0xFFFF, v9;
	[tilespmem:v14+s16+$0x0] =	vst.idx.add.s32.msk $0xffff, v2;
	v14 =	vshrl.u32 v19, $0xF  }
0x235: {  	s21 =	simm.s32 $0x0;
	s22 =	simm.s32 $0xC0;
	v12 =	vand.u32 $0xFF, v11;
	v10 =	vand.u32 $0xFF, v63;
	[tilespmem:v15+s16+$0x0] =	vst.idx.add.s32.msk $0xffff, v2;
	v11 =	vand.u32 $0xFFFF, v14  }
.LBB2_25:
0x236: {  	v14 =	vld [tilespmem:s22+$0x30]  }
0x237: {  	s21 =	sadd.s32 $0x80, s21;
	v15 =	vld [tilespmem:s22+$0xFFFFFFD0]  }
0x238: {  	p0 =	slt.u32 s21, $0x7F80;
	v16 =	vld [tilespmem:s22+$0xFFFFFFE0]  }
0x239: {  	v17 =	vld [tilespmem:s22+$0xFFFFFFF0]  }
0x23a: {  	v18 =	vld [tilespmem:s22+$0x0]  }
0x23b: {  	v9 =	vimm.s32 $0x0;
	v19 =	vld [tilespmem:s22+$0x10];
	v20 =	vshrl.u32 v14, $0xF  }
0x23c: {  	v14 =	vshrl.u32 v14, $0x17;
	v21 =	vshrl.u32 v15, $0xF;
	v22 =	vld [tilespmem:s22+$0x20];
	v20 =	vand.u32 $0xFFFF, v20  }
0x23d: {  	v15 =	vshrl.u32 v15, $0x17;
	v14 =	vand.u32 $0xFF, v14;
	v23 =	vld [tilespmem:s22+$0xFFFFFFC0];
	v24 =	vshrl.u32 v16, $0xF  }
0x23e: {  	v16 =	vshrl.u32 v16, $0x17;
	v25 =	vshrl.u32 v17, $0xF;
	v17 =	vshrl.u32 v17, $0x17;
	[tilespmem:v13+s15+$0x0] =	vst.idx.add.s32.msk $0xffff, v2  }
0x23f: {  	v13 =	vand.u32 $0xFFFF, v21;
	v21 =	vshrl.u32 v18, $0xF;
	v18 =	vshrl.u32 v18, $0x17;
	[tilespmem:v12+s16+$0x0] =	vst.idx.add.s32.msk $0xffff, v2  }
0x240: {  	v12 =	vand.u32 $0xFF, v15;
	v15 =	vshrl.u32 v19, $0xF;
	v19 =	vshrl.u32 v19, $0x17;
	[tilespmem:v11+s15+$0x0] =	vst.idx.add.s32.msk $0xffff, v2  }
0x241: {  	v24 =	vand.u32 $0xFFFF, v24;
	v11 =	vshrl.u32 v22, $0xF;
	v22 =	vshrl.u32 v22, $0x17;
	[tilespmem:v20+s15+$0x0] =	vst.idx.add.s32.msk $0xffff, v2  }
0x242: {  	s20 =	simm.s32 $0xF0;
	s23 =	simm.s32 $0x17FF0;
	v16 =	vand.u32 $0xFF, v16;
	v20 =	vshrl.u32 v23, $0xF;
	v23 =	vshrl.u32 v23, $0x17;
	[tilespmem:v14+s16+$0x0] =	vst.idx.add.s32.msk $0xffff, v2  }
0x243: {  	v14 =	vand.u32 $0xFFFF, v20;
	v20 =	vand.u32 $0xFF, v23;
	v23 =	vand.u32 $0xFFFF, v25;
	[tilespmem:v10+s16+$0x0] =	vst.idx.add.s32.msk $0xffff, v2  }
0x244: {  	v17 =	vand.u32 $0xFF, v17;
	v21 =	vand.u32 $0xFFFF, v21;
	v18 =	vand.u32 $0xFF, v18;
	[tilespmem:v13+s15+$0x0] =	vst.idx.add.s32.msk $0xffff, v2  }
0x245: {  	v11 =	vand.u32 $0xFFFF, v11;
	v13 =	vand.u32 $0xFFFF, v15;
	[tilespmem:v12+s16+$0x0] =	vst.idx.add.s32.msk $0xffff, v2;
	v12 =	vand.u32 $0xFF, v19  }
0x246: {  	v10 =	vand.u32 $0xFF, v22;
	[tilespmem:v24+s15+$0x0] =	vst.idx.add.s32.msk $0xffff, v2  }
0x247: {  	[tilespmem:v16+s16+$0x0] =	vst.idx.add.s32.msk $0xffff, v2  }
0x248: {  	[tilespmem:v14+s15+$0x0] =	vst.idx.add.s32.msk $0xffff, v2  }
.Ltmp12:
0x249: {  	[tilespmem:v20+s16+$0x0] =	vst.idx.add.s32.msk $0xffff, v2;
	(pc) =	sbr.rel @p0 .LBB2_25-.Ltmp12, $4  }
0x24a: {  	[tilespmem:v23+s15+$0x0] =	vst.idx.add.s32.msk $0xffff, v2  }
0x24b: {  	[tilespmem:v17+s16+$0x0] =	vst.idx.add.s32.msk $0xffff, v2  }
0x24c: {  	[tilespmem:v21+s15+$0x0] =	vst.idx.add.s32.msk $0xffff, v2  }
0x24d: {  	s22 =	sadd.s32 $0x80, s22;
	[tilespmem:v18+s16+$0x0] =	vst.idx.add.s32.msk $0xffff, v2  }
0x24e: {  	_ =	sdelay $0x3  }
0x24f: {  	[tilespmem:v13+s15+$0x0] =	vst.idx.add.s32.msk $0xffff, v2  }
0x250: {  	[tilespmem:v11+s15+$0x0] =	vst.idx.add.s32.msk $0xffff, v2  }
0x251: {  	[tilespmem:v12+s16+$0x0] =	vst.idx.add.s32.msk $0xffff, v2  }
0x252: {  	[tilespmem:v10+s16+$0x0] =	vst.idx.add.s32.msk $0xffff, v2  }
0x253: {  	v10 =	vld [tilespmem:s23+$0x0];
	_ =	sdelay $0x4  }
0x254: {  	v11 =	vperm.xlane v10, v1  }
0x255: {  	vm3 =	veq.s32 v5, $0x0  }
0x256: {  	v11 =	vsel vm3, $0x0, v11  }
0x257: {  	v11 =	vadd.s32 v10, v11  }
0x258: {  	v12 =	vperm.xlane v11, v3  }
0x259: {  	s21 =	simm.s32 $0x17FE0  }
0x25a: {  	v14 =	vld [tilespmem:s21+$0x0];
	v12 =	vsel vm0, $0x0, v12  }
0x25b: {  	v11 =	vadd.s32 v12, v11  }
0x25c: {  	v12 =	vperm.xlane v11, v4;
	_ =	sdelay $0x1  }
0x25d: {  	v12 =	vsel vm1, $0x0, v12  }
0x25e: {  	v13 =	vperm.xlane v14, v1;
	v11 =	vadd.s32 v12, v11  }
0x25f: {  	v12 =	vperm.xlane v11, v6  }
0x260: {  	v13 =	vsel vm3, $0x0, v13  }
0x261: {  	s24 =	simm.s32 $0x17FD0;
	v13 =	vadd.s32 v14, v13;
	v12 =	vsel vm2, $0x0, v12  }
0x262: {  	v15 =	vld [tilespmem:s24+$0x0];
	v16 =	vperm.xlane v13, v3;
	v11 =	vadd.s32 v12, v11  }
0x263: {  	v12 =	vperm.xlane v11, v7  }
0x264: {  	v16 =	vsel vm0, $0x0, v16  }
0x265: {  	v13 =	vadd.s32 v16, v13;
	v10 =	vsub.s32 v10, v11;
	v18 =	vadd.s32 v9, v12  }
0x266: {  	v12 =	vperm.xlane v13, v4;
	v10 =	vadd.s32 v18, v10  }
0x267: {  	v20 =	vperm.xlane v15, v1;
	vm4 =	vge.s32 v10, v8  }
0x268: {  	v10 =	vsel vm1, $0x0, v12;
	v12 =	vsub.s32 v8, v18;
	v16 =	vmpcnt.ones.xlane vm4  }
0x269: {  	v19 =	vadd.s32 v10, v13;
	vm4 =	veq.s32 v9, $0x0;
	v13 =	vsel vm3, $0x0, v20  }
0x26a: {  	v10 =	vperm.xlane v19, v6;
	vm5 =	vgt.s32 v16, $0x0;
	v17 =	vadd.s32 $0xFFFFFFFF, v16  }
0x26b: {  	s22 =	simm.s32 $0xE0;
	v20 =	vadd.s32 v15, v13;
	vm6 =	vgt.s32 v17, $0x0;
	v16 =	vsel vm5, $0x1, v9  }
0x26c: {  	s25 =	simm.s32 $0xB0;
	s23 =	simm.s32 $0xD0;
	s21 =	simm.s32 $0xC0;
	v21 =	vsel vm2, $0x0, v10;
	v13 =	vmovc v8;
	v10 =	vimm.s32 $0x0;
	vm7 =	veq.s32 v16, $0x0  }
.LBB2_27:
0x26d: {  	v22 =	vperm.xlane v20, v3  }
0x26e: {  	p0 =	sne.s32 s25, $0x0;
	v19 =	vadd.s32 v21, v19;
	v9 =	vsel vm7, v18, v9;
	vm7 =	vmmov vm4  }
0x26f: {  	s24 =	sadd.s32 $0xFFFFFFF0, s24;
	vm4 =	veq.s32 v16, $0x0;
	v17 =	vnsel vm6, $0x0, v17;
	v18 =	vperm.xlane v19, v7  }
0x270: {  	v23 =	vperm.xlane v11, v17;
	v17 =	vadd.s32 s20, v17;
	v11 =	vmovc v19;
	s20 =	smov.u32 s22;
	s22 =	smov.u32 s23;
	s23 =	smov.u32 s21;
	v21 =	vld [tilespmem:s24+$0x0];
	v22 =	vsel vm0, $0x0, v22  }
0x271: {  	s21 =	smov.u32 s25;
	v19 =	vadd.s32 v22, v20;
	v18 =	vadd.s32 v9, v18;
	v20 =	vsub.s32 v14, v11;
	v14 =	vmovc v15  }
0x272: {  	v24 =	vperm.xlane v19, v4;
	v20 =	vadd.s32 v18, v20;
	v22 =	vsub.s32 v8, v18  }
0x273: {  	vm5 =	vmand vm7, vm5;
	vm6 =	vge.s32 v20, v8;
	v20 =	vadd.s32 v23, v12;
	v12 =	vmovc v22  }
.Ltmp13:
0x274: {  	v23 =	vsel vm1, $0x0, v24;
	v22 =	vmpcnt.ones.xlane vm6;
	v13 =	vsel vm5, v20, v13;
	(pc) =	sbr.rel @p0 .LBB2_27-.Ltmp13, $4  }
0x275: {  	v10 =	vsel vm5, v17, v10;
	v20 =	vperm.xlane v21, v1;
	v19 =	vadd.s32 v23, v19;
	v15 =	vmovc v21  }
0x276: {  	v21 =	vperm.xlane v19, v6;
	vm5 =	vgt.s32 v22, $0x0;
	v17 =	vadd.s32 $0xFFFFFFFF, v22  }
0x277: {  	v20 =	vsel vm3, $0x0, v20;
	vm6 =	vgt.s32 v17, $0x0;
	v16 =	vsel vm5, $0x1, v16  }
0x278: {  	s25 =	sadd.s32 $0xFFFFFFF0, s25;
	v20 =	vadd.s32 v15, v20;
	v21 =	vsel vm2, $0x0, v21;
	vm7 =	veq.s32 v16, $0x0  }
0x279: {  	s24 =	sadd.s32 $0xFFFFFFF0, s24  }
0x27a: {  	v22 =	vperm.xlane v20, v3;
	v23 =	vld [tilespmem:s24+$0x0];
	_ =	sdelay $0x1  }
0x27b: {  	v19 =	vadd.s32 v21, v19;
	v21 =	vsel vm0, $0x0, v22  }
0x27c: {  	v22 =	vperm.xlane v19, v7;
	v20 =	vadd.s32 v21, v20  }
0x27d: {  	v9 =	vsel vm7, v18, v9;
	v18 =	vperm.xlane v20, v4  }
0x27e: {  	v14 =	vsub.s32 v14, v19;
	v21 =	vadd.s32 v9, v22;
	v22 =	vperm.xlane v23, v1  }
0x27f: {  	vm3 =	veq.s32 v5, $0x0;
	v14 =	vadd.s32 v21, v14;
	v18 =	vsel vm1, $0x0, v18  }
0x280: {  	vm8 =	vge.s32 v14, v8;
	v14 =	vadd.s32 v18, v20;
	v18 =	vsel vm3, $0x0, v22  }
0x281: {  	v20 =	vmpcnt.ones.xlane vm8;
	v22 =	vperm.xlane v14, v6;
	v18 =	vadd.s32 v23, v18  }
0x282: {  	v24 =	vperm.xlane v18, v3  }
0x283: {  	vm9 =	vgt.s32 v20, $0x0;
	v22 =	vsel vm2, $0x0, v22  }
0x284: {  	v16 =	vsel vm9, $0x1, v16;
	v22 =	vadd.s32 v22, v14;
	v14 =	vsel vm0, $0x0, v24  }
0x285: {  	vm14 =	veq.s32 v16, $0x0;
	v62 =	vperm.xlane v22, v7;
	v14 =	vadd.s32 v14, v18  }
0x286: {  	v9 =	vsel vm14, v21, v9;
	v18 =	vperm.xlane v14, v4  }
0x287: {  	v15 =	vsub.s32 v15, v22;
	v24 =	vadd.s32 v9, v62  }
0x288: {  	v15 =	vadd.s32 v24, v15;
	v18 =	vsel vm1, $0x0, v18  }
0x289: {  	vm10 =	vge.s32 v15, v8;
	v14 =	vadd.s32 v18, v14  }
0x28a: {  	v15 =	vmpcnt.ones.xlane vm10;
	v18 =	vperm.xlane v14, v6;
	_ =	sdelay $0x1  }
0x28b: {  	vm10 =	vgt.s32 v15, $0x0;
	v18 =	vsel vm2, $0x0, v18  }
0x28c: {  	vm4 =	vmmov vm4;
	v16 =	vsel vm10, $0x1, v16;
	v18 =	vadd.s32 v18, v14  }
0x28d: {  	v17 =	vnsel vm6, $0x0, v17;
	vm11 =	veq.s32 v16, $0x0;
	v14 =	vperm.xlane v18, v7  }
0x28e: {  	vm5 =	vmand vm4, vm5;
	v16 =	vadd.s32 $0xFFFFFFFF, v20;
	v9 =	vsel vm11, v24, v9  }
0x28f: {  	vm4 =	vgt.s32 v16, $0x0;
	v9 =	vadd.s32 v9, v14;
	v14 =	vsub.s32 v23, v18  }
0x290: {  	v16 =	vnsel vm4, $0x0, v16;
	vm4 =	vmmov vm7;
	v14 =	vadd.s32 v9, v14  }
0x291: {  	v15 =	vadd.s32 $0xFFFFFFFF, v15;
	vm6 =	vmand vm4, vm9;
	vm4 =	vge.s32 v14, v8  }
0x292: {  	v14 =	vadd.s32 s20, v17;
	v20 =	vmpcnt.ones.xlane vm4;
	vm4 =	vgt.s32 v15, $0x0  }
0x293: {  	v10 =	vsel vm5, v14, v10;
	v14 =	vadd.s32 s22, v16;
	v23 =	vnsel vm4, $0x0, v15  }
0x294: {  	v10 =	vsel vm6, v14, v10;
	vm4 =	vmmov vm14;
	v14 =	vadd.s32 $0xFFFFFFFF, v20  }
0x295: {  	vm15 =	vmmov vm11;
	vm7 =	vmand vm4, vm10;
	vm4 =	vgt.s32 v14, $0x0  }
0x296: {  	v15 =	vadd.s32 s23, v23;
	v25 =	vnsel vm4, $0x0, v14;
	vm4 =	vgt.s32 v20, $0x0  }
0x297: {  	v10 =	vsel vm7, v15, v10;
	vm4 =	vmand vm15, vm4;
	v14 =	vadd.s32 s21, v25  }
0x298: {  	v10 =	vsel vm4, v14, v10  }
0x299: {  	v10 =	vshll.u32 v10, $0x8  }
0x29a: {  	s22 =	simm.s32 $0xF0;
	v15 =	vor.u32 v5, v10  }
0x29b: {  	v14 =	vor.u32 s22, v15;
	_ =	sdelay $0x4  }
0x29c: {  	v20 =	vld.idx.msk [tilespmem:v14+s15+$0x0], $0xffff;
	_ =	sdelay $0x4  }
0x29d: {  	s20 =	simm.s32 $0xE0;
	v14 =	vperm.xlane v20, v1  }
0x29e: {  	v26 =	vor.u32 s20, v15  }
0x29f: {  	v14 =	vsel vm3, $0x0, v14  }
0x2a0: {  	v27 =	vadd.s32 v20, v14  }
0x2a1: {  	v28 =	vperm.xlane v27, v3;
	_ =	sdelay $0x1  }
0x2a2: {  	v14 =	vld.idx.msk [tilespmem:v26+s15+$0x0], $0xffff;
	v63 =	vsel vm0, $0x0, v28  }
0x2a3: {  	v11 =	vperm.xlane v11, v17;
	v17 =	vadd.s32 v63, v27  }
0x2a4: {  	v26 =	vperm.xlane v17, v4  }
0x2a5: {  	v11 =	vadd.s32 v11, v12;
	v12 =	vperm.xlane v19, v16  }
0x2a6: {  	v11 =	vsel vm5, v11, v13;
	v13 =	vsub.s32 v8, v21;
	v16 =	vsel vm1, $0x0, v26  }
0x2a7: {  	v12 =	vadd.s32 v12, v13;
	v13 =	vadd.s32 v16, v17;
	v16 =	vperm.xlane v14, v1  }
0x2a8: {  	v11 =	vsel vm6, v12, v11;
	v17 =	vsub.s32 v8, v24;
	v8 =	vsub.s32 v8, v9  }
0x2a9: {  	v12 =	vperm.xlane v13, v6;
	v9 =	vsel vm3, $0x0, v16;
	v16 =	vperm.xlane v18, v25  }
0x2aa: {  	v19 =	vperm.xlane v22, v23;
	s21 =	simm.s32 $0xD0  }
0x2ab: {  	v12 =	vsel vm2, $0x0, v12;
	v8 =	vadd.s32 v16, v8;
	v16 =	vor.u32 s21, v15  }
0x2ac: {  	v18 =	vadd.s32 v14, v9;
	v9 =	vadd.s32 v12, v13  }
0x2ad: {  	v17 =	vadd.s32 v19, v17;
	v12 =	vperm.xlane v18, v3;
	v13 =	vperm.xlane v9, v7  }
0x2ae: {  	v11 =	vsel vm7, v17, v11;
	v17 =	vimm.s32 $0x0  }
0x2af: {  	v12 =	vsel vm0, $0x0, v12;
	v19 =	vadd.s32 v17, v13;
	v13 =	vsub.s32 v20, v9  }
0x2b0: {  	v8 =	vsel vm4, v8, v11;
	v21 =	vadd.s32 v12, v18;
	v11 =	vadd.s32 v19, v13;
	v16 =	vld.idx.msk [tilespmem:v16+s15+$0x0], $0xffff  }
0x2b1: {  	vm4 =	veq.s32 v17, $0x0;
	v12 =	vperm.xlane v21, v4;
	vm5 =	vge.s32 v11, v8  }
0x2b2: {  	vm4 =	vmmov vm4;
	v18 =	vimm.s32 $0x0;
	v20 =	vmpcnt.ones.xlane vm5  }
0x2b3: {  	s24 =	simm.s32 $0xB0;
	s23 =	simm.s32 $0xC0;
	v11 =	vsub.s32 v8, v19;
	v22 =	vsel vm1, $0x0, v12;
	v12 =	vimm.s32 $0x0;
	v13 =	vmovc v8  }
.LBB2_29:
0x2b4: {  	p0 =	sne.s32 s24, $0x0;
	v21 =	vadd.s32 v22, v21;
	vm6 =	vgt.s32 v20, $0x0;
	v20 =	vadd.s32 $0xFFFFFFFF, v20  }
0x2b5: {  	v22 =	vperm.xlane v16, v1;
	v23 =	vperm.xlane v21, v6;
	v17 =	vsel vm6, $0x1, v17  }
0x2b6: {  	v24 =	vor.u32 s23, v15;
	vm7 =	vgt.s32 v20, $0x0;
	vm5 =	veq.s32 v17, $0x0  }
0x2b7: {  	v22 =	vsel vm3, $0x0, v22;
	v23 =	vsel vm2, $0x0, v23;
	v18 =	vsel vm5, v19, v18  }
0x2b8: {  	v20 =	vnsel vm7, $0x0, v20;
	v22 =	vadd.s32 v16, v22;
	v19 =	vadd.s32 v23, v21  }
0x2b9: {  	v21 =	vperm.xlane v22, v3;
	v23 =	vperm.xlane v19, v7  }
0x2ba: {  	vm4 =	vmand vm4, vm6;
	v25 =	vperm.xlane v9, v20;
	v26 =	vadd.s32 s22, v20;
	s22 =	smov.u32 s20;
	s20 =	smov.u32 s21;
	s21 =	smov.u32 s23;
	v9 =	vmovc v19  }
.Ltmp14:
0x2bb: {  	s23 =	smov.u32 s24;
	v20 =	vsel vm0, $0x0, v21;
	v19 =	vadd.s32 v18, v23;
	v23 =	vsub.s32 v14, v9;
	v14 =	vmovc v16;
	v16 =	vld.idx.msk [tilespmem:v24+s15+$0x0], $0xffff;
	(pc) =	sbr.rel @p0 .LBB2_29-.Ltmp14, $4  }
0x2bc: {  	v21 =	vadd.s32 v20, v22;
	v20 =	vadd.s32 v19, v23;
	v22 =	vsub.s32 v8, v19  }
0x2bd: {  	v24 =	vadd.s32 v25, v11;
	v23 =	vperm.xlane v21, v4;
	vm6 =	vge.s32 v20, v8;
	v11 =	vmovc v22  }
0x2be: {  	v12 =	vsel vm4, v26, v12;
	v13 =	vsel vm4, v24, v13;
	v20 =	vmpcnt.ones.xlane vm6  }
0x2bf: {  	s24 =	sadd.s32 $0xFFFFFFF0, s24;
	vm4 =	vmmov vm5;
	v22 =	vsel vm1, $0x0, v23  }
0x2c0: {  	v15 =	vor.u32 s23, v15  }
0x2c1: {  	v23 =	vperm.xlane v16, v1  }
0x2c2: {  	vm5 =	veq.s32 v5, $0x0  }
0x2c3: {  	v21 =	vadd.s32 v22, v21;
	v35 =	vsel vm5, $0x0, v23  }
0x2c4: {  	v36 =	vperm.xlane v21, v6;
	v22 =	vadd.s32 v16, v35  }
0x2c5: {  	v24 =	vperm.xlane v22, v3;
	v15 =	vld.idx.msk [tilespmem:v15+s15+$0x0], $0xffff  }
0x2c6: {  	vm7 =	vgt.s32 v20, $0x0;
	v23 =	vsel vm2, $0x0, v36  }
0x2c7: {  	v17 =	vsel vm7, $0x1, v17;
	v21 =	vadd.s32 v23, v21;
	v37 =	vsel vm0, $0x0, v24  }
0x2c8: {  	vm3 =	veq.s32 v17, $0x0;
	v38 =	vperm.xlane v21, v7;
	v22 =	vadd.s32 v37, v22  }
0x2c9: {  	v18 =	vsel vm3, v19, v18;
	v39 =	vperm.xlane v22, v4  }
0x2ca: {  	v14 =	vsub.s32 v14, v21;
	v40 =	vadd.s32 v18, v38;
	v41 =	vperm.xlane v15, v1  }
0x2cb: {  	v14 =	vadd.s32 v40, v14;
	v19 =	vsel vm1, $0x0, v39  }
0x2cc: {  	vm6 =	vge.s32 v14, v8;
	v42 =	vadd.s32 v19, v22;
	v43 =	vsel vm5, $0x0, v41  }
0x2cd: {  	v44 =	vmpcnt.ones.xlane vm6;
	v45 =	vperm.xlane v42, v6;
	v19 =	vadd.s32 v15, v43  }
0x2ce: {  	v46 =	vadd.s32 $0xFFFFFFFF, v20;
	v25 =	vperm.xlane v19, v3  }
0x2cf: {  	vm8 =	vgt.s32 v46, $0x0;
	vm6 =	vgt.s32 v44, $0x0;
	v24 =	vsel vm2, $0x0, v45  }
0x2d0: {  	v17 =	vsel vm6, $0x1, v17;
	v14 =	vadd.s32 v24, v42;
	v47 =	vsel vm0, $0x0, v25  }
0x2d1: {  	vm5 =	veq.s32 v17, $0x0;
	v48 =	vperm.xlane v14, v7;
	v19 =	vadd.s32 v47, v19  }
0x2d2: {  	vm4 =	vmand vm4, vm7;
	v18 =	vsel vm5, v40, v18;
	v24 =	vperm.xlane v19, v4  }
0x2d3: {  	v20 =	vnsel vm8, $0x0, v46;
	v49 =	vsub.s32 v16, v14;
	v25 =	vadd.s32 v18, v48  }
0x2d4: {  	v9 =	vperm.xlane v9, v20;
	v16 =	vadd.s32 v25, v49;
	v24 =	vsel vm1, $0x0, v24  }
0x2d5: {  	v51 =	vadd.s32 s22, v20;
	vm14 =	vge.s32 v16, v8;
	v50 =	vadd.s32 v24, v19  }
0x2d6: {  	v9 =	vadd.s32 v9, v11;
	v52 =	vmpcnt.ones.xlane vm14;
	v24 =	vperm.xlane v50, v6  }
0x2d7: {  	vm3 =	vmmov vm3;
	v11 =	vsel vm4, v51, v12;
	v9 =	vsel vm4, v9, v13  }
0x2d8: {  	v54 =	vadd.s32 $0xFFFFFFFF, v44;
	vm7 =	vgt.s32 v52, $0x0;
	v53 =	vsel vm2, $0x0, v24  }
0x2d9: {  	vm15 =	vgt.s32 v54, $0x0;
	v17 =	vsel vm7, $0x1, v17;
	v12 =	vadd.s32 v53, v50  }
0x2da: {  	v13 =	vnsel vm15, $0x0, v54;
	vm12 =	veq.s32 v17, $0x0;
	v16 =	vperm.xlane v12, v7  }
0x2db: {  	vm3 =	vmand vm3, vm6;
	v56 =	vperm.xlane v21, v13;
	v18 =	vsel vm12, v25, v18  }
0x2dc: {  	v13 =	vadd.s32 s20, v13;
	v15 =	vsub.s32 v15, v12;
	v16 =	vadd.s32 v18, v16  }
0x2dd: {  	v55 =	vsub.s32 v8, v40;
	v11 =	vsel vm3, v13, v11;
	v15 =	vadd.s32 v16, v15  }
0x2de: {  	v58 =	vadd.s32 v56, v55;
	v59 =	vadd.s32 $0xFFFFFFFF, v52;
	vm13 =	vge.s32 v15, v8  }
0x2df: {  	v9 =	vsel vm3, v58, v9;
	vm3 =	vgt.s32 v59, $0x0;
	v60 =	vmpcnt.ones.xlane vm13  }
0x2e0: {  	v61 =	vnsel vm3, $0x0, v59  }
0x2e1: {  	vm5 =	vmmov vm5;
	v14 =	vperm.xlane v14, v61;
	v62 =	vadd.s32 $0xFFFFFFFF, v60  }
0x2e2: {  	v57 =	vsub.s32 v8, v25;
	vm3 =	vmand vm5, vm7;
	vm14 =	vgt.s32 v62, $0x0  }
0x2e3: {  	v13 =	vadd.s32 s21, v61;
	v14 =	vadd.s32 v14, v57;
	v15 =	vnsel vm14, $0x0, v62  }
0x2e4: {  	v11 =	vsel vm3, v13, v11;
	v9 =	vsel vm3, v14, v9;
	v12 =	vperm.xlane v12, v15  }
0x2e5: {  	s20 =	simm.s32 $0x0;
	vm3 =	vmmov vm12;
	v8 =	vsub.s32 v8, v16;
	vm15 =	vgt.s32 v60, $0x0  }
0x2e6: {  	[tilespmem:s17], [sflag:$0x2] =	stream.linear.gather [hbm4b:s4+s20], $0xFE00, $0x38;
	vm3 =	vmand vm3, vm15;
	v63 =	vadd.s32 s23, v15;
	v12 =	vadd.s32 v12, v8;
	[tilespmem:$0x1FF80] =	vst v63  }
0x2e7: {  	p0 =	por $0x1, $0x1;
	p1 =	por $0x1, $0x1;
	s21 =	simm.s32 $0x0;
	v8 =	vsel vm3, v63, v11;
	v9 =	vsel vm3, v12, v9  }
.LBB2_31:
0x2e8: {  	[tilespmem:s21+$0x17F00] =	vst v0  }
0x2e9: {  	[tilespmem:s21+$0x17F10] =	vst v0  }
0x2ea: {  	[tilespmem:s21+$0x17F20] =	vst v0;
	p2 =	por p1, p1  }
.Ltmp15:
0x2eb: {  	[tilespmem:s21+$0x17F30] =	vst v0;
	(pc) =	sbr.rel @p2 .LBB2_31-.Ltmp15, $4  }
0x2ec: {  	[tilespmem:s21+$0x17F40] =	vst v0  }
0x2ed: {  	[tilespmem:s21+$0x17F50] =	vst v0  }
0x2ee: {  	[tilespmem:s21+$0x17F60] =	vst v0  }
0x2ef: {  	[tilespmem:s21+$0x17F70] =	vst v0;
	s21 =	simm.s32 $0x80;
	p1 =	por $0x0, $0x0  }
.LBB2_32:
0x2f0: {  	[tilespmem:s20+$0x8000] =	vst v0  }
0x2f1: {  	[tilespmem:s20+$0x8010] =	vst v0  }
0x2f2: {  	[tilespmem:s20+$0x8020] =	vst v0;
	p1 =	por p0, p0  }
.Ltmp16:
0x2f3: {  	[tilespmem:s20+$0x8030] =	vst v0;
	(pc) =	sbr.rel @p1 .LBB2_32-.Ltmp16, $4  }
0x2f4: {  	[tilespmem:s20+$0x8040] =	vst v0  }
0x2f5: {  	[tilespmem:s20+$0x8050] =	vst v0  }
0x2f6: {  	[tilespmem:s20+$0x8060] =	vst v0  }
0x2f7: {  	[tilespmem:s20+$0x8070] =	vst v0;
	s20 =	simm.s32 $0x80;
	p0 =	por $0x0, $0x0  }
0x2f8: {  	s20 =	simm.s32 $0x40  }
0x2f9: {  	v15 =	vld [tilespmem:s20+$0x0]  }
0x2fa: {  	v21 =	vld [tilespmem:s20+$0x10]  }
0x2fb: {  	v11 =	vld [tilespmem:s20+$0xFFFFFFD0]  }
0x2fc: {  	v12 =	vld [tilespmem:s20+$0xFFFFFFE0]  }
0x2fd: {  	v22 =	vld [tilespmem:s20+$0x20];
	_ =	sdelay $0x1  }
0x2fe: {  	v8 =	vadd.s32 v10, v8;
	v10 =	vshrl.u32 v15, $0xF  }
0x2ff: {  	v14 =	vshrl.u32 v21, $0x7;
	v16 =	vshrl.u32 v15, $0x7;
	v13 =	vand.u32 $0xFFFF, v10  }
0x300: {  	v17 =	vshrl.u32 v12, $0xF;
	v23 =	vand.u32 $0x7FFF, v15;
	vm5 =	veq.s32 v13, v8  }
0x301: {  	v15 =	vshrl.u32 v11, $0xF;
	v19 =	vshrl.u32 v21, $0xF;
	v24 =	vshrl.u32 v22, $0xF  }
0x302: {  	v21 =	vand.u32 $0x7FFF, v21;
	v10 =	vshrl.u32 v11, $0x7;
	v17 =	vand.u32 $0xFFFF, v17  }
0x303: {  	v20 =	vld [tilespmem:s20+$0x30];
	v18 =	vand.u32 $0xFF, v16;
	v19 =	vand.u32 $0xFFFF, v19;
	v24 =	vand.u32 $0xFFFF, v24  }
0x304: {  	v15 =	vand.u32 $0xFFFF, v15;
	v16 =	vld [tilespmem:s20+$0xFFFFFFF0];
	vm3 =	veq.s32 v17, v8;
	vm6 =	veq.s32 v24, v8  }
0x305: {  	v17 =	vshrl.u32 v22, $0x7;
	vm4 =	veq.s32 v19, v8;
	v19 =	vld [tilespmem:s20+$0xFFFFFFC0];
	v22 =	vand.u32 $0x7FFF, v22  }
0x306: {  	s21 =	simm.s32 $0xC0;
	v13 =	vand.u32 $0x7FFF, v12;
	v12 =	vshrl.u32 v12, $0x7;
	s20 =	simm.s32 $0x0;
	v17 =	vand.u32 $0xFF, v17;
	[tilespmem:v23+s16+$0x0] =	vst.idx.add.s32.msk vm5, v2  }
.LBB2_34:
0x307: {  	v23 =	vld [tilespmem:s21+$0x0];
	s20 =	sadd.s32 $0x80, s20;
	v14 =	vand.u32 $0xFF, v14  }
0x308: {  	p0 =	slt.u32 s20, $0x7F80;
	[tilespmem:v18+s15+$0x0] =	vst.idx.add.s32.msk vm5, v2;
	v18 =	vshrl.u32 v20, $0xF;
	v24 =	vand.u32 $0x7FFF, v20;
	v20 =	vshrl.u32 v20, $0x7  }
0x309: {  	v25 =	vld [tilespmem:s21+$0x10];
	v26 =	vshrl.u32 v16, $0xF;
	v27 =	vand.u32 $0x7FFF, v16;
	v18 =	vand.u32 $0xFFFF, v18  }
0x30a: {  	v28 =	vshrl.u32 v19, $0xF;
	v26 =	vand.u32 $0xFFFF, v26;
	[tilespmem:v22+s16+$0x0] =	vst.idx.add.s32.msk vm6, v2;
	vm5 =	veq.s32 v18, v8  }
0x30b: {  	v16 =	vshrl.u32 v16, $0x7;
	v18 =	vand.u32 $0xFFFF, v28;
	vm8 =	veq.s32 v26, v8;
	[tilespmem:v21+s16+$0x0] =	vst.idx.add.s32.msk vm4, v2  }
0x30c: {  	vm7 =	veq.s32 v15, v8;
	vm9 =	veq.s32 v18, v8;
	v18 =	vshrl.u32 v19, $0x7;
	[tilespmem:v17+s15+$0x0] =	vst.idx.add.s32.msk vm6, v2  }
0x30d: {  	v15 =	vand.u32 $0x7FFF, v19;
	[tilespmem:v14+s15+$0x0] =	vst.idx.add.s32.msk vm4, v2  }
0x30e: {  	v17 =	vand.u32 $0xFF, v18;
	v14 =	vshrl.u32 v25, $0x7;
	[tilespmem:v13+s16+$0x0] =	vst.idx.add.s32.msk vm3, v2  }
0x30f: {  	v13 =	vld [tilespmem:s21+$0xFFFFFFD0]  }
0x310: {  	v16 =	vand.u32 $0xFF, v16;
	v19 =	vand.u32 $0xFF, v12;
	v18 =	vld [tilespmem:s21+$0xFFFFFFE0]  }
0x311: {  	v20 =	vand.u32 $0xFF, v20;
	v21 =	vld [tilespmem:s21+$0x20]  }
0x312: {  	v22 =	vshrl.u32 v23, $0x7;
	[tilespmem:v15+s16+$0x0] =	vst.idx.add.s32.msk vm9, v2  }
0x313: {  	v12 =	vshrl.u32 v23, $0xF;
	[tilespmem:v17+s15+$0x0] =	vst.idx.add.s32.msk vm9, v2;
	v17 =	vand.u32 $0x7FFF, v11  }
0x314: {  	v28 =	vand.u32 $0xFF, v10;
	v26 =	vand.u32 $0xFFFF, v12;
	v10 =	vshrl.u32 v13, $0x7;
	[tilespmem:v24+s16+$0x0] =	vst.idx.add.s32.msk vm5, v2;
	v11 =	vmovc v13  }
0x315: {  	v15 =	vshrl.u32 v18, $0xF;
	v13 =	vand.u32 $0x7FFF, v18;
	v12 =	vshrl.u32 v18, $0x7;
	[tilespmem:v19+s15+$0x0] =	vst.idx.add.s32.msk vm3, v2  }
0x316: {  	v24 =	vshrl.u32 v25, $0xF;
	v19 =	vshrl.u32 v11, $0xF;
	v29 =	vshrl.u32 v21, $0xF;
	[tilespmem:v20+s15+$0x0] =	vst.idx.add.s32.msk vm5, v2  }
0x317: {  	v18 =	vand.u32 $0xFF, v22;
	v22 =	vand.u32 $0xFFFF, v24;
	v20 =	vand.u32 $0xFFFF, v15;
	[tilespmem:v27+s16+$0x0] =	vst.idx.add.s32.msk vm8, v2  }
0x318: {  	v15 =	vand.u32 $0xFFFF, v19;
	vm5 =	veq.s32 v26, v8;
	v19 =	vand.u32 $0xFFFF, v29;
	[tilespmem:v16+s15+$0x0] =	vst.idx.add.s32.msk vm8, v2  }
0x319: {  	v23 =	vand.u32 $0x7FFF, v23;
	vm3 =	veq.s32 v20, v8;
	v16 =	vshrl.u32 v21, $0x7;
	[tilespmem:v17+s16+$0x0] =	vst.idx.add.s32.msk vm7, v2  }
.Ltmp17:
0x31a: {  	v17 =	vand.u32 $0xFF, v16;
	[tilespmem:v28+s15+$0x0] =	vst.idx.add.s32.msk vm7, v2;
	(pc) =	sbr.rel @p0 .LBB2_34-.Ltmp17, $4  }
0x31b: {  	v20 =	vld [tilespmem:s21+$0x30]  }
0x31c: {  	vm4 =	veq.s32 v22, v8;
	vm6 =	veq.s32 v19, v8;
	v16 =	vld [tilespmem:s21+$0xFFFFFFF0]  }
0x31d: {  	v22 =	vand.u32 $0x7FFF, v21;
	v19 =	vld [tilespmem:s21+$0xFFFFFFC0]  }
0x31e: {  	v21 =	vand.u32 $0x7FFF, v25;
	s21 =	sadd.s32 $0x80, s21;
	[tilespmem:v23+s16+$0x0] =	vst.idx.add.s32.msk vm5, v2  }
0x31f: {  	_ =	sdelay $0x4  }
0x320: {  	[tilespmem:v18+s15+$0x0] =	vst.idx.add.s32.msk vm5, v2  }
0x321: {  	v14 =	vand.u32 $0xFF, v14;
	[tilespmem:v22+s16+$0x0] =	vst.idx.add.s32.msk vm6, v2;
	v12 =	vand.u32 $0xFF, v12  }
0x322: {  	v11 =	vand.u32 $0x7FFF, v11;
	v18 =	vshrl.u32 v20, $0xF;
	[tilespmem:v17+s15+$0x0] =	vst.idx.add.s32.msk vm6, v2;
	vm6 =	veq.s32 v15, v8  }
0x323: {  	[tilespmem:v21+s16+$0x0] =	vst.idx.add.s32.msk vm4, v2;
	v10 =	vand.u32 $0xFF, v10;
	v21 =	vand.u32 $0x7FFF, v20;
	v18 =	vand.u32 $0xFFFF, v18  }
0x324: {  	v17 =	vshrl.u32 v20, $0x7;
	v23 =	vshrl.u32 v19, $0xF;
	vm7 =	veq.s32 v18, v8  }
0x325: {  	[tilespmem:v13+s16+$0x0] =	vst.idx.add.s32.msk vm3, v2;
	v13 =	vand.u32 $0xFF, v17;
	v22 =	vshrl.u32 v19, $0x7;
	v23 =	vand.u32 $0xFFFF, v23  }
0x326: {  	v18 =	vand.u32 $0xFF, v22;
	v22 =	vshrl.u32 v16, $0xF;
	vm5 =	veq.s32 v23, v8;
	[tilespmem:v14+s15+$0x0] =	vst.idx.add.s32.msk vm4, v2  }
0x327: {  	v19 =	vand.u32 $0x7FFF, v19;
	v20 =	vand.u32 $0xFFFF, v22;
	[tilespmem:v12+s15+$0x0] =	vst.idx.add.s32.msk vm3, v2  }
0x328: {  	vm4 =	veq.s32 v20, v8;
	[tilespmem:v11+s16+$0x0] =	vst.idx.add.s32.msk vm6, v2  }
0x329: {  	v14 =	vand.u32 $0x7FFF, v16;
	v16 =	vshrl.u32 v16, $0x7;
	[tilespmem:v10+s15+$0x0] =	vst.idx.add.s32.msk vm6, v2  }
0x32a: {  	v15 =	vand.u32 $0xFF, v16;
	[tilespmem:v21+s16+$0x0] =	vst.idx.add.s32.msk vm7, v2  }
0x32b: {  	[tilespmem:v13+s15+$0x0] =	vst.idx.add.s32.msk vm7, v2  }
0x32c: {  	[tilespmem:v19+s16+$0x0] =	vst.idx.add.s32.msk vm5, v2  }
0x32d: {  	[tilespmem:v18+s15+$0x0] =	vst.idx.add.s32.msk vm5, v2  }
0x32e: {  	[tilespmem:v14+s16+$0x0] =	vst.idx.add.s32.msk vm4, v2  }
0x32f: {  	s20 =	simm.s32 $0x80F0;
	[tilespmem:v15+s15+$0x0] =	vst.idx.add.s32.msk vm4, v2  }
0x330: {  	v10 =	vld [tilespmem:s20+$0x0];
	_ =	sdelay $0x4  }
0x331: {  	v11 =	vperm.xlane v10, v1  }
0x332: {  	vm3 =	veq.s32 v5, $0x0  }
0x333: {  	v11 =	vsel vm3, $0x0, v11  }
0x334: {  	v11 =	vadd.s32 v10, v11  }
0x335: {  	v12 =	vperm.xlane v11, v3  }
0x336: {  	s31 =	simm.s32 $0x80E0  }
0x337: {  	v14 =	vld [tilespmem:s31+$0x0];
	v12 =	vsel vm0, $0x0, v12  }
0x338: {  	v11 =	vadd.s32 v12, v11  }
0x339: {  	v12 =	vperm.xlane v11, v4;
	_ =	sdelay $0x1  }
0x33a: {  	v12 =	vsel vm1, $0x0, v12  }
0x33b: {  	v13 =	vperm.xlane v14, v1;
	v11 =	vadd.s32 v12, v11  }
0x33c: {  	v12 =	vperm.xlane v11, v6  }
0x33d: {  	v13 =	vsel vm3, $0x0, v13  }
0x33e: {  	s24 =	simm.s32 $0x80D0;
	v13 =	vadd.s32 v14, v13;
	v12 =	vsel vm2, $0x0, v12  }
0x33f: {  	v15 =	vld [tilespmem:s24+$0x0];
	v16 =	vperm.xlane v13, v3;
	v11 =	vadd.s32 v12, v11  }
0x340: {  	v12 =	vperm.xlane v11, v7  }
0x341: {  	v17 =	vsel vm0, $0x0, v16;
	v16 =	vimm.s32 $0x0  }
0x342: {  	v13 =	vadd.s32 v17, v13;
	v10 =	vsub.s32 v10, v11;
	v19 =	vadd.s32 v16, v12  }
0x343: {  	v12 =	vperm.xlane v13, v4;
	v10 =	vadd.s32 v19, v10  }
0x344: {  	v21 =	vperm.xlane v15, v1;
	vm4 =	vge.s32 v10, v9  }
0x345: {  	v10 =	vsel vm1, $0x0, v12;
	v12 =	vsub.s32 v9, v19;
	v17 =	vmpcnt.ones.xlane vm4  }
0x346: {  	v20 =	vadd.s32 v10, v13;
	vm4 =	veq.s32 v16, $0x0;
	v13 =	vsel vm3, $0x0, v21  }
0x347: {  	v10 =	vperm.xlane v20, v6;
	vm5 =	vgt.s32 v17, $0x0;
	v18 =	vadd.s32 $0xFFFFFFFF, v17  }
0x348: {  	s23 =	simm.s32 $0xF0;
	s21 =	simm.s32 $0xE0;
	v21 =	vadd.s32 v15, v13;
	vm6 =	vgt.s32 v18, $0x0;
	v17 =	vsel vm5, $0x1, v16  }
0x349: {  	s22 =	simm.s32 $0xD0;
	s25 =	simm.s32 $0xB0;
	s20 =	simm.s32 $0xC0;
	v22 =	vsel vm2, $0x0, v10;
	v13 =	vmovc v9;
	v10 =	vimm.s32 $0x0;
	vm7 =	veq.s32 v17, $0x0  }
.LBB2_36:
0x34a: {  	v23 =	vperm.xlane v21, v3  }
0x34b: {  	p0 =	sne.s32 s25, $0x0;
	v20 =	vadd.s32 v22, v20;
	v16 =	vsel vm7, v19, v16;
	vm7 =	vmmov vm4  }
0x34c: {  	s24 =	sadd.s32 $0xFFFFFFF0, s24;
	vm4 =	veq.s32 v17, $0x0;
	v18 =	vnsel vm6, $0x0, v18;
	v19 =	vperm.xlane v20, v7  }
0x34d: {  	v24 =	vperm.xlane v11, v18;
	v18 =	vadd.s32 s23, v18;
	v11 =	vmovc v20;
	s23 =	smov.u32 s21;
	s21 =	smov.u32 s22;
	s22 =	smov.u32 s20;
	v22 =	vld [tilespmem:s24+$0x0];
	v23 =	vsel vm0, $0x0, v23  }
0x34e: {  	s20 =	smov.u32 s25;
	v20 =	vadd.s32 v23, v21;
	v19 =	vadd.s32 v16, v19;
	v21 =	vsub.s32 v14, v11;
	v14 =	vmovc v15  }
0x34f: {  	v25 =	vperm.xlane v20, v4;
	v21 =	vadd.s32 v19, v21;
	v23 =	vsub.s32 v9, v19  }
0x350: {  	vm5 =	vmand vm7, vm5;
	vm6 =	vge.s32 v21, v9;
	v21 =	vadd.s32 v24, v12;
	v12 =	vmovc v23  }
.Ltmp18:
0x351: {  	v24 =	vsel vm1, $0x0, v25;
	v23 =	vmpcnt.ones.xlane vm6;
	v13 =	vsel vm5, v21, v13;
	(pc) =	sbr.rel @p0 .LBB2_36-.Ltmp18, $4  }
0x352: {  	v10 =	vsel vm5, v18, v10;
	v21 =	vperm.xlane v22, v1;
	v20 =	vadd.s32 v24, v20;
	v15 =	vmovc v22  }
0x353: {  	v22 =	vperm.xlane v20, v6;
	vm5 =	vgt.s32 v23, $0x0;
	v18 =	vadd.s32 $0xFFFFFFFF, v23  }
0x354: {  	v21 =	vsel vm3, $0x0, v21;
	vm6 =	vgt.s32 v18, $0x0;
	v17 =	vsel vm5, $0x1, v17  }
0x355: {  	s25 =	sadd.s32 $0xFFFFFFF0, s25;
	v21 =	vadd.s32 v15, v21;
	v22 =	vsel vm2, $0x0, v22;
	vm7 =	veq.s32 v17, $0x0  }
0x356: {  	s24 =	sadd.s32 $0xFFFFFFF0, s24  }
0x357: {  	v23 =	vperm.xlane v21, v3;
	v24 =	vld [tilespmem:s24+$0x0];
	_ =	sdelay $0x1  }
0x358: {  	v20 =	vadd.s32 v22, v20;
	v22 =	vsel vm0, $0x0, v23  }
0x359: {  	v23 =	vperm.xlane v20, v7;
	v21 =	vadd.s32 v22, v21  }
0x35a: {  	v16 =	vsel vm7, v19, v16;
	v19 =	vperm.xlane v21, v4  }
0x35b: {  	v14 =	vsub.s32 v14, v20;
	v22 =	vadd.s32 v16, v23;
	v23 =	vperm.xlane v24, v1  }
0x35c: {  	vm3 =	veq.s32 v5, $0x0;
	v14 =	vadd.s32 v22, v14;
	v19 =	vsel vm1, $0x0, v19  }
0x35d: {  	vm8 =	vge.s32 v14, v9;
	v14 =	vadd.s32 v19, v21;
	v19 =	vsel vm3, $0x0, v23  }
0x35e: {  	v21 =	vmpcnt.ones.xlane vm8;
	v23 =	vperm.xlane v14, v6;
	v19 =	vadd.s32 v24, v19  }
0x35f: {  	v25 =	vperm.xlane v19, v3  }
0x360: {  	vm9 =	vgt.s32 v21, $0x0;
	v23 =	vsel vm2, $0x0, v23  }
0x361: {  	v17 =	vsel vm9, $0x1, v17;
	v23 =	vadd.s32 v23, v14;
	v14 =	vsel vm0, $0x0, v25  }
0x362: {  	vm8 =	veq.s32 v17, $0x0;
	v61 =	vperm.xlane v23, v7;
	v14 =	vadd.s32 v14, v19  }
0x363: {  	v16 =	vsel vm8, v22, v16;
	v19 =	vperm.xlane v14, v4  }
0x364: {  	v15 =	vsub.s32 v15, v23;
	v25 =	vadd.s32 v16, v61  }
0x365: {  	v15 =	vadd.s32 v25, v15;
	v19 =	vsel vm1, $0x0, v19  }
0x366: {  	vm10 =	vge.s32 v15, v9;
	v14 =	vadd.s32 v19, v14  }
0x367: {  	v15 =	vmpcnt.ones.xlane vm10;
	v19 =	vperm.xlane v14, v6;
	_ =	sdelay $0x1  }
0x368: {  	vm10 =	vgt.s32 v15, $0x0;
	v19 =	vsel vm2, $0x0, v19  }
0x369: {  	vm4 =	vmmov vm4;
	v17 =	vsel vm10, $0x1, v17;
	v19 =	vadd.s32 v19, v14  }
0x36a: {  	v18 =	vnsel vm6, $0x0, v18;
	vm11 =	veq.s32 v17, $0x0;
	v14 =	vperm.xlane v19, v7  }
0x36b: {  	vm4 =	vmand vm4, vm5;
	v17 =	vadd.s32 $0xFFFFFFFF, v21;
	v16 =	vsel vm11, v25, v16  }
0x36c: {  	vm5 =	vgt.s32 v17, $0x0;
	v16 =	vadd.s32 v16, v14;
	v14 =	vsub.s32 v24, v19  }
0x36d: {  	v17 =	vnsel vm5, $0x0, v17;
	vm5 =	vmmov vm7;
	v14 =	vadd.s32 v16, v14  }
0x36e: {  	v15 =	vadd.s32 $0xFFFFFFFF, v15;
	vm7 =	vmand vm5, vm9;
	vm5 =	vge.s32 v14, v9  }
0x36f: {  	v14 =	vadd.s32 s23, v18;
	v21 =	vmpcnt.ones.xlane vm5;
	vm5 =	vgt.s32 v15, $0x0  }
0x370: {  	v10 =	vsel vm4, v14, v10;
	v14 =	vadd.s32 s21, v17;
	v15 =	vnsel vm5, $0x0, v15  }
0x371: {  	v10 =	vsel vm7, v14, v10;
	vm5 =	vmmov vm8;
	v14 =	vadd.s32 $0xFFFFFFFF, v21  }
0x372: {  	vm8 =	vmmov vm11;
	vm6 =	vmand vm5, vm10;
	vm5 =	vgt.s32 v14, $0x0  }
0x373: {  	v62 =	vadd.s32 s22, v15;
	v26 =	vnsel vm5, $0x0, v14;
	vm5 =	vgt.s32 v21, $0x0  }
0x374: {  	v10 =	vsel vm6, v62, v10;
	vm5 =	vmand vm8, vm5;
	v14 =	vadd.s32 s20, v26  }
0x375: {  	v10 =	vsel vm5, v14, v10  }
0x376: {  	v10 =	vshll.u32 v10, $0x7  }
0x377: {  	s22 =	simm.s32 $0x70;
	v14 =	vor.u32 v5, v10  }
0x378: {  	v21 =	vor.u32 s22, v14;
	_ =	sdelay $0x4  }
0x379: {  	v21 =	vld.idx.msk [tilespmem:v21+s16+$0x0], $0xffff;
	_ =	sdelay $0x2  }
0x37a: {  	s21 =	simm.s32 $0x60  }
0x37b: {  	v63 =	vor.u32 s21, v14  }
0x37c: {  	v27 =	vperm.xlane v21, v1;
	_ =	sdelay $0x1  }
0x37d: {  	v27 =	vsel vm3, $0x0, v27  }
0x37e: {  	v27 =	vadd.s32 v21, v27  }
0x37f: {  	v11 =	vperm.xlane v11, v18;
	v24 =	vld.idx.msk [tilespmem:v63+s16+$0x0], $0xffff;
	v28 =	vperm.xlane v27, v3;
	_ =	sdelay $0x1  }
0x380: {  	v11 =	vadd.s32 v11, v12;
	s20 =	simm.s32 $0x50;
	v28 =	vsel vm0, $0x0, v28  }
0x381: {  	v12 =	vperm.xlane v20, v17;
	v17 =	vor.u32 s20, v14;
	v18 =	vadd.s32 v28, v27  }
0x382: {  	v27 =	vperm.xlane v18, v4  }
0x383: {  	v22 =	vsub.s32 v9, v22;
	v20 =	vperm.xlane v24, v1  }
0x384: {  	v11 =	vsel vm4, v11, v13;
	v12 =	vadd.s32 v12, v22;
	v27 =	vsel vm1, $0x0, v27  }
0x385: {  	v11 =	vsel vm7, v12, v11;
	v12 =	vsel vm3, $0x0, v20;
	v13 =	vadd.s32 v27, v18  }
0x386: {  	v15 =	vperm.xlane v23, v15;
	v22 =	vadd.s32 v24, v12;
	v12 =	vld.idx.msk [tilespmem:v17+s16+$0x0], $0xffff;
	v18 =	vperm.xlane v13, v6  }
0x387: {  	v19 =	vperm.xlane v19, v26;
	v20 =	vsub.s32 v9, v25;
	v9 =	vsub.s32 v9, v16  }
0x388: {  	v15 =	vadd.s32 v15, v20;
	v16 =	vperm.xlane v22, v3;
	v18 =	vsel vm2, $0x0, v18  }
0x389: {  	v9 =	vadd.s32 v19, v9;
	v15 =	vsel vm6, v15, v11;
	v13 =	vadd.s32 v18, v13  }
0x38a: {  	v11 =	vimm.s32 $0x0;
	v16 =	vsel vm0, $0x0, v16;
	v17 =	vperm.xlane v13, v7  }
0x38b: {  	v9 =	vsel vm5, v9, v15;
	v16 =	vadd.s32 v16, v22;
	v15 =	vperm.xlane v12, v1  }
0x38c: {  	v18 =	vperm.xlane v16, v4;
	v13 =	vsub.s32 v21, v13;
	v17 =	vadd.s32 v11, v17  }
0x38d: {  	vm5 =	veq.s32 v11, $0x0;
	v13 =	vadd.s32 v17, v13  }
0x38e: {  	s23 =	simm.s32 $0x40;
	v15 =	vsel vm3, $0x0, v15;
	v18 =	vsel vm1, $0x0, v18;
	vm4 =	vge.s32 v13, v9  }
0x38f: {  	v13 =	vadd.s32 v18, v16;
	v18 =	vor.u32 s23, v14;
	v16 =	vmpcnt.ones.xlane vm4  }
0x390: {  	v20 =	vadd.s32 v12, v15;
	v19 =	vperm.xlane v13, v6;
	vm4 =	vmmov vm5  }
0x391: {  	vm5 =	vgt.s32 v16, $0x0;
	v21 =	vadd.s32 $0xFFFFFFFF, v16;
	v16 =	vperm.xlane v20, v3  }
0x392: {  	v19 =	vsel vm2, $0x0, v19;
	v15 =	vsel vm5, $0x1, v11  }
0x393: {  	v22 =	vadd.s32 v19, v13;
	vm7 =	vgt.s32 v21, $0x0;
	v13 =	vsel vm0, $0x0, v16  }
0x394: {  	vm6 =	veq.s32 v15, $0x0;
	v23 =	vperm.xlane v22, v7;
	v19 =	vadd.s32 v13, v20;
	v13 =	vld.idx.msk [tilespmem:v18+s16+$0x0], $0xffff  }
0x395: {  	v16 =	vsel vm6, v17, v11;
	v17 =	vnsel vm7, $0x0, v21  }
0x396: {  	s25 =	simm.s32 $0x20;
	s24 =	simm.s32 $0x30;
	v21 =	vsub.s32 v24, v22;
	v20 =	vperm.xlane v19, v4;
	v18 =	vadd.s32 v16, v23  }
.LBB2_38:
0x397: {  	p0 =	sne.s32 s25, $0x0;
	v22 =	vor.u32 s24, v14;
	v21 =	vadd.s32 v18, v21  }
0x398: {  	v17 =	vadd.s32 s22, v17;
	vm7 =	vmmov vm4;
	vm4 =	vmmov vm6;
	s22 =	smov.u32 s21;
	s21 =	smov.u32 s20;
	s20 =	smov.u32 s23  }
0x399: {  	v23 =	vperm.xlane v13, v1;
	v24 =	vmovc v13;
	s23 =	smov.u32 s24;
	s24 =	smov.u32 s25;
	v20 =	vsel vm1, $0x0, v20;
	vm6 =	vge.s32 v21, v9  }
0x39a: {  	vm5 =	vmand vm7, vm5;
	v19 =	vadd.s32 v20, v19;
	v13 =	vmpcnt.ones.xlane vm6  }
0x39b: {  	v20 =	vsel vm3, $0x0, v23;
	v11 =	vsel vm5, v17, v11;
	v21 =	vperm.xlane v19, v6  }
0x39c: {  	v17 =	vadd.s32 v24, v20;
	vm5 =	vgt.s32 v13, $0x0;
	v20 =	vadd.s32 $0xFFFFFFFF, v13  }
.Ltmp19:
0x39d: {  	v13 =	vld.idx.msk [tilespmem:v22+s16+$0x0], $0xffff;
	v22 =	vperm.xlane v17, v3;
	v21 =	vsel vm2, $0x0, v21;
	v15 =	vsel vm5, $0x1, v15;
	(pc) =	sbr.rel @p0 .LBB2_38-.Ltmp19, $4  }
0x39e: {  	vm7 =	vgt.s32 v20, $0x0;
	v21 =	vadd.s32 v21, v19;
	vm6 =	veq.s32 v15, $0x0  }
0x39f: {  	v19 =	vsel vm0, $0x0, v22;
	v22 =	vperm.xlane v21, v7;
	v16 =	vsel vm6, v18, v16  }
0x3a0: {  	v19 =	vadd.s32 v19, v17;
	v17 =	vnsel vm7, $0x0, v20  }
0x3a1: {  	s25 =	sadd.s32 $0xFFFFFFF0, s25;
	v21 =	vsub.s32 v12, v21;
	v12 =	vmovc v24;
	v20 =	vperm.xlane v19, v4;
	v18 =	vadd.s32 v16, v22  }
0x3a2: {  	v14 =	vor.u32 s24, v14  }
0x3a3: {  	v22 =	vperm.xlane v13, v1  }
0x3a4: {  	v21 =	vadd.s32 v18, v21;
	vm8 =	veq.s32 v5, $0x0;
	v20 =	vsel vm1, $0x0, v20  }
0x3a5: {  	vm3 =	vge.s32 v21, v9;
	v19 =	vadd.s32 v20, v19;
	v42 =	vsel vm8, $0x0, v22  }
0x3a6: {  	v21 =	vmpcnt.ones.xlane vm3;
	v43 =	vperm.xlane v19, v6;
	v20 =	vadd.s32 v13, v42  }
0x3a7: {  	v23 =	vperm.xlane v20, v3;
	v14 =	vld.idx.msk [tilespmem:v14+s16+$0x0], $0xffff  }
0x3a8: {  	vm3 =	vgt.s32 v21, $0x0;
	v22 =	vsel vm2, $0x0, v43  }
0x3a9: {  	v15 =	vsel vm3, $0x1, v15;
	v19 =	vadd.s32 v22, v19;
	v44 =	vsel vm0, $0x0, v23  }
0x3aa: {  	vm7 =	veq.s32 v15, $0x0;
	v45 =	vperm.xlane v19, v7;
	v20 =	vadd.s32 v44, v20  }
0x3ab: {  	v16 =	vsel vm7, v18, v16;
	v46 =	vperm.xlane v20, v4  }
0x3ac: {  	v12 =	vsub.s32 v12, v19;
	v47 =	vadd.s32 v16, v45;
	v48 =	vperm.xlane v14, v1  }
0x3ad: {  	v18 =	vsel vm1, $0x0, v46;
	v12 =	vadd.s32 v47, v12  }
0x3ae: {  	v18 =	vadd.s32 v18, v20;
	vm9 =	vge.s32 v12, v9;
	v49 =	vsel vm8, $0x0, v48  }
0x3af: {  	v50 =	vperm.xlane v18, v6;
	v51 =	vmpcnt.ones.xlane vm9;
	v12 =	vadd.s32 v14, v49  }
0x3b0: {  	v52 =	vperm.xlane v12, v3  }
0x3b1: {  	vm12 =	vmmov vm4;
	v19 =	vsel vm2, $0x0, v50;
	vm8 =	vgt.s32 v51, $0x0  }
0x3b2: {  	v18 =	vadd.s32 v19, v18;
	v15 =	vsel vm8, $0x1, v15;
	v53 =	vsel vm0, $0x0, v52  }
0x3b3: {  	vm4 =	veq.s32 v15, $0x0;
	v54 =	vperm.xlane v18, v7;
	v12 =	vadd.s32 v53, v12  }
0x3b4: {  	v17 =	vadd.s32 s22, v17;
	v16 =	vsel vm4, v47, v16;
	v55 =	vperm.xlane v12, v4  }
0x3b5: {  	vm6 =	vmmov vm6;
	v56 =	vsub.s32 v13, v18;
	v19 =	vadd.s32 v16, v54  }
0x3b6: {  	vm5 =	vmand vm12, vm5;
	v13 =	vadd.s32 v19, v56;
	v57 =	vsel vm1, $0x0, v55  }
0x3b7: {  	vm15 =	vmmov vm6;
	vm14 =	vge.s32 v13, v9;
	v12 =	vadd.s32 v57, v12  }
0x3b8: {  	v21 =	vadd.s32 $0xFFFFFFFF, v21;
	v13 =	vmpcnt.ones.xlane vm14;
	v18 =	vperm.xlane v12, v6  }
0x3b9: {  	v11 =	vsel vm5, v17, v11;
	vm13 =	vgt.s32 v21, $0x0;
	vm3 =	vmand vm15, vm3  }
0x3ba: {  	v21 =	vnsel vm13, $0x0, v21;
	vm9 =	vgt.s32 v13, $0x0;
	v18 =	vsel vm2, $0x0, v18  }
0x3bb: {  	v58 =	vadd.s32 s21, v21;
	v15 =	vsel vm9, $0x1, v15;
	v12 =	vadd.s32 v18, v12  }
0x3bc: {  	vm7 =	vmmov vm7;
	vm10 =	veq.s32 v15, $0x0;
	v59 =	vperm.xlane v12, v7  }
0x3bd: {  	v11 =	vsel vm3, v58, v11;
	v60 =	vadd.s32 $0xFFFFFFFF, v51;
	v16 =	vsel vm10, v19, v16  }
0x3be: {  	vm3 =	vgt.s32 v60, $0x0;
	v12 =	vsub.s32 v14, v12;
	v15 =	vadd.s32 v16, v59  }
0x3bf: {  	v61 =	vnsel vm3, $0x0, v60;
	vm3 =	vmmov vm7;
	v12 =	vadd.s32 v15, v12  }
0x3c0: {  	vm3 =	vmand vm3, vm8;
	vm4 =	vmmov vm4;
	vm11 =	vge.s32 v12, v9  }
0x3c1: {  	v13 =	vadd.s32 $0xFFFFFFFF, v13;
	v9 =	vadd.s32 s20, v61;
	v12 =	vmpcnt.ones.xlane vm11  }
0x3c2: {  	vm12 =	vgt.s32 v13, $0x0;
	vm13 =	vmmov vm10;
	v9 =	vsel vm3, v9, v11  }
0x3c3: {  	v11 =	vnsel vm12, $0x0, v13;
	vm3 =	vmmov vm4;
	v62 =	vadd.s32 $0xFFFFFFFF, v12  }
0x3c4: {  	vm4 =	vmmov vm13;
	v11 =	vadd.s32 s23, v11;
	vm14 =	vgt.s32 v62, $0x0  }
0x3c5: {  	vm3 =	vmand vm3, vm9;
	vm15 =	vgt.s32 v12, $0x0;
	v63 =	vnsel vm14, $0x0, v62  }
0x3c6: {  	v9 =	vsel vm3, v11, v9;
	vm3 =	vmand vm4, vm15;
	v11 =	vadd.s32 s24, v63  }
0x3c7: {  	p0 =	por $0x1, $0x1;
	s20 =	simm.s32 $0x0;
	v9 =	vsel vm3, v11, v9  }
.LBB2_40:
0x3c8: {  	[tilespmem:s20+$0x8000] =	vst v0  }
0x3c9: {  	[tilespmem:s20+$0x8010] =	vst v0  }
0x3ca: {  	[tilespmem:s20+$0x8020] =	vst v0;
	p1 =	por p0, p0  }
.Ltmp20:
0x3cb: {  	[tilespmem:s20+$0x8030] =	vst v0;
	(pc) =	sbr.rel @p1 .LBB2_40-.Ltmp20, $4  }
0x3cc: {  	[tilespmem:s20+$0x8040] =	vst v0  }
0x3cd: {  	[tilespmem:s20+$0x8050] =	vst v0  }
0x3ce: {  	[tilespmem:s20+$0x8060] =	vst v0  }
0x3cf: {  	[tilespmem:s20+$0x8070] =	vst v0;
	s20 =	simm.s32 $0x80;
	p0 =	por $0x0, $0x0  }
0x3d0: {  	s20 =	simm.s32 $0x40  }
0x3d1: {  	v11 =	vld [tilespmem:s20+$0x20]  }
0x3d2: {  	v12 =	vld [tilespmem:s20+$0x10]  }
0x3d3: {  	v13 =	vld [tilespmem:s20+$0x30]  }
0x3d4: {  	v14 =	vld [tilespmem:s20+$0x0]  }
0x3d5: {  	v16 =	vld [tilespmem:s20+$0xFFFFFFD0]  }
0x3d6: {  	v18 =	vld [tilespmem:s20+$0xFFFFFFE0]  }
0x3d7: {  	v8 =	vshll.u32 v8, $0xF  }
0x3d8: {  	v8 =	vadd.s32 v8, v10;
	v15 =	vld [tilespmem:s20+$0xFFFFFFF0]  }
0x3d9: {  	v8 =	vadd.s32 v9, v8;
	v9 =	vand.u32 $0x7FFFFFFF, v11  }
0x3da: {  	v10 =	vand.u32 $0x7FFFFFFF, v12;
	v20 =	vand.u32 $0x7FFFFFFF, v13;
	v21 =	vand.u32 $0x7FFFFFFF, v14  }
0x3db: {  	v17 =	vld [tilespmem:s20+$0xFFFFFFC0];
	v63 =	vand.u32 $0x7FFFFFFF, v16;
	v23 =	vand.u32 $0x7FFFFFFF, v18;
	vm3 =	vgt.s32 v8, v9  }
0x3dc: {  	vm4 =	vgt.s32 v8, v10;
	v19 =	vand.u32 $0x7FFF, v10;
	v10 =	vsel vm3, $0x0, v11  }
0x3dd: {  	v12 =	vsel vm4, $0x0, v12;
	vm3 =	vgt.s32 v8, v20;
	v11 =	vand.u32 $0x7FFFFFFF, v15;
	[tilespmem:s20+$0x20] =	vst v10  }
0x3de: {  	v9 =	vand.u32 $0x7FFF, v9;
	v13 =	vsel vm3, $0x0, v13;
	vm3 =	vgt.s32 v8, v11;
	[tilespmem:s20+$0x10] =	vst v12  }
0x3df: {  	v10 =	vand.u32 $0x7FFF, v11;
	v11 =	vand.u32 $0x7FFF, v20;
	v22 =	vsel vm3, $0x0, v15;
	[tilespmem:s20+$0x30] =	vst v13  }
0x3e0: {  	v12 =	vand.u32 $0x7FFF, v23;
	vm3 =	vgt.s32 v8, v21;
	v13 =	vand.u32 $0x7FFFFFFF, v17;
	[tilespmem:s20+$0xFFFFFFF0] =	vst v22  }
0x3e1: {  	v15 =	vand.u32 $0x7FFF, v21;
	v14 =	vsel vm3, $0x0, v14;
	vm3 =	vgt.s32 v8, v63;
	[tilespmem:v19+s16+$0x0] =	vst.idx.msk $0xffff, v0  }
0x3e2: {  	vm15 =	vgt.s32 v8, v13;
	[tilespmem:s20+$0x0] =	vst v14;
	v14 =	vsel vm3, $0x0, v16;
	vm3 =	vgt.s32 v8, v23  }
0x3e3: {  	s21 =	simm.s32 $0x0;
	s22 =	simm.s32 $0xC0;
	v16 =	vsel vm15, $0x0, v17;
	[tilespmem:s20+$0xFFFFFFD0] =	vst v14;
	v14 =	vand.u32 $0x7FFF, v63;
	v17 =	vsel vm3, $0x0, v18  }
.LBB2_42:
0x3e4: {  	v18 =	vld [tilespmem:s22+$0x20];
	s21 =	sadd.s32 $0x80, s21;
	[tilespmem:v9+s16+$0x0] =	vst.idx.msk $0xffff, v0  }
0x3e5: {  	v19 =	vld [tilespmem:s22+$0x10];
	p0 =	slt.u32 s21, $0x7F80;
	[tilespmem:v11+s16+$0x0] =	vst.idx.msk $0xffff, v0  }
0x3e6: {  	v13 =	vand.u32 $0x7FFF, v13;
	v11 =	vld [tilespmem:s22+$0x30];
	[tilespmem:v15+s16+$0x0] =	vst.idx.msk $0xffff, v0  }
0x3e7: {  	v15 =	vld [tilespmem:s22+$0x0];
	[tilespmem:s20+$0xFFFFFFC0] =	vst v16  }
0x3e8: {  	v16 =	vld [tilespmem:s22+$0xFFFFFFF0];
	[tilespmem:s20+$0xFFFFFFE0] =	vst v17;
	s20 =	smov.u32 s22  }
0x3e9: {  	v17 =	vld [tilespmem:s22+$0xFFFFFFD0];
	v9 =	vand.u32 $0x7FFFFFFF, v18;
	[tilespmem:v12+s16+$0x0] =	vst.idx.msk $0xffff, v0  }
0x3ea: {  	v20 =	vld [tilespmem:s22+$0xFFFFFFC0];
	v12 =	vand.u32 $0x7FFFFFFF, v19;
	vm3 =	vgt.s32 v8, v9;
	v9 =	vand.u32 $0x7FFF, v9;
	[tilespmem:v10+s16+$0x0] =	vst.idx.msk $0xffff, v0  }
0x3eb: {  	v21 =	vld [tilespmem:s22+$0xFFFFFFE0];
	vm4 =	vgt.s32 v8, v12;
	v12 =	vand.u32 $0x7FFF, v12;
	v22 =	vand.u32 $0x7FFFFFFF, v11;
	[tilespmem:v14+s16+$0x0] =	vst.idx.msk $0xffff, v0  }
0x3ec: {  	v10 =	vsel vm3, $0x0, v18;
	v14 =	vsel vm4, $0x0, v19;
	vm3 =	vgt.s32 v8, v22;
	[tilespmem:v13+s16+$0x0] =	vst.idx.msk $0xffff, v0  }
0x3ed: {  	v18 =	vand.u32 $0x7FFFFFFF, v15;
	v13 =	vand.u32 $0x7FFFFFFF, v16;
	[tilespmem:s22+$0x20] =	vst v10;
	v19 =	vsel vm3, $0x0, v11  }
0x3ee: {  	v11 =	vand.u32 $0x7FFF, v22;
	vm3 =	vgt.s32 v8, v13;
	v10 =	vand.u32 $0x7FFF, v13;
	[tilespmem:s22+$0x10] =	vst v14  }
.Ltmp21:
0x3ef: {  	v14 =	vand.u32 $0x7FFFFFFF, v17;
	v16 =	vsel vm3, $0x0, v16;
	vm3 =	vgt.s32 v8, v18;
	[tilespmem:s22+$0x30] =	vst v19;
	(pc) =	sbr.rel @p0 .LBB2_42-.Ltmp21, $4  }
0x3f0: {  	v13 =	vand.u32 $0x7FFFFFFF, v20;
	v19 =	vand.u32 $0x7FFFFFFF, v21;
	v15 =	vsel vm3, $0x0, v15;
	[tilespmem:v12+s16+$0x0] =	vst.idx.msk $0xffff, v0  }
0x3f1: {  	vm3 =	vgt.s32 v8, v14;
	v12 =	vand.u32 $0x7FFF, v19;
	[tilespmem:s22+$0x0] =	vst v15;
	v15 =	vand.u32 $0x7FFF, v18  }
0x3f2: {  	vm4 =	vgt.s32 v8, v13;
	v17 =	vsel vm3, $0x0, v17;
	vm3 =	vgt.s32 v8, v19;
	[tilespmem:s22+$0xFFFFFFF0] =	vst v16  }
0x3f3: {  	v14 =	vand.u32 $0x7FFF, v14;
	v16 =	vsel vm4, $0x0, v20;
	s22 =	sadd.s32 $0x80, s22;
	[tilespmem:s20+$0xFFFFFFD0] =	vst v17;
	v17 =	vsel vm3, $0x0, v21  }
0x3f4: {  	_ =	sdelay $0x3  }
0x3f5: {  	[tilespmem:v9+s16+$0x0] =	vst.idx.msk $0xffff, v0  }
0x3f6: {  	[tilespmem:v11+s16+$0x0] =	vst.idx.msk $0xffff, v0  }
0x3f7: {  	[tilespmem:v15+s16+$0x0] =	vst.idx.msk $0xffff, v0  }
0x3f8: {  	v8 =	vand.u32 $0x7FFF, v13;
	[tilespmem:s20+$0xFFFFFFC0] =	vst v16  }
0x3f9: {  	[tilespmem:s20+$0xFFFFFFE0] =	vst v17  }
0x3fa: {  	[tilespmem:v10+s16+$0x0] =	vst.idx.msk $0xffff, v0  }
0x3fb: {  	[tilespmem:v14+s16+$0x0] =	vst.idx.msk $0xffff, v0  }
0x3fc: {  	[tilespmem:v12+s16+$0x0] =	vst.idx.msk $0xffff, v0  }
0x3fd: {  	s19 =	sadd.s32 $0x1, s19;
	[tilespmem:v8+s16+$0x0] =	vst.idx.msk $0xffff, v0  }
0x3fe: {  	[hbm4b:s8+s10] =	stream.strided.scatter [tilespmem:s1], [sflag:$0x3], $0x8000, s11, s10, $0x38;
	[tilespmem:$0x1FF80] =	vst v63  }
0x3ff: {  	p0 =	sne.s32 s19, s9;
	_ =	swait.ge [sflag:s13], $0x8000  }
.Ltmp22:
0x400: {  	[sflag:s13] =	ssyncset.done $0x0;
	(pc) =	sbr.rel @p0 .LBB2_1-.Ltmp22, $4  }
0x401: {  	[sflag:s13] =	ssyncadd.s32 $0xFFFF8000  }
0x402: {  	_ =	swait.ge [sflag:s18], $0xFE00  }
0x403: {  	[sflag:s18] =	ssyncset.done $0x0  }
0x404: {  	[sflag:s18] =	ssyncadd.s32 $0xFFFF0200  }
0x405: {  	_ =	sfence.sel $0x180000  }
0x406: {  	[bflag:$0x0] =	sbarrier.arrive $0xFFFF  }
0x407: {  	p0 =	sne.s32 s2, $0x0;
	_ =	strace $0x90000047  }
0x408: {  	s0 =	sadd.s32 @!p0 $0x100000, s0;
	[bflag:$0x2] =	sbarrier.arrive $0xFFFF  }
0x409: {  	[sflag:s0] =	ssyncadd.tile.s32 @!p0 $0x1;
	_ =	shalt  }
.Lfunc_end2:
_tile_overlayer_lowered:
.L_overlay_start_2:
0x40a: {  	(tag) =	ssettag $0x2  }
0x40b: {  	s0 =	rddreg [dreg:$0x0];
	s2 =	stileid.u32  }
0x40c: {  	s1 =	rddreg [dreg:$0x1];
	p0 =	sne.s32 s2, $0x0  }
0x40d: {  	s3 =	rddreg [dreg:$0x2];
	[bflag:$0x3] =	sbarrier.arrive $0xFFFF;
	s2 =	simm.s32 @!p0 $0x1C03  }
0x40e: {  	[timem:s3], [sflag:s2] =	dma.local @!p0 [hbm:s0], s1  }
0x40f: {  	s0 =	simm.s32 @!p0 $0x3  }
0x410: {  	_ =	swait.ge @!p0 [sflag:s0], s1  }
0x411: {  	s1 =	ssub.s32 @!p0 $0x0, s1;
	[sflag:s0] =	ssyncset.done @!p0 $0x0  }
0x412: {  	[sflag:s0] =	ssyncadd.s32 @!p0 s1  }
0x413: {  	[bflag:$0x3] =	sbarrier.arrive $0xFFFF  }
0x414: {  	_ =	shalt  }

</sc_bundles>
